<compile_context>
chip_gen: v7x
topology: tpu7x:2x2x1
jax: 0.10.2.dev20260603
libtpu: 0.0.44.dev20260713+nightly
codegen_flags: <defaults>
</compile_context>

<pallas_src>
import functools

import jax
import jax.numpy as jnp
from jax import lax
from jax.experimental import pallas as pl
from jax.experimental.pallas import tpu as pltpu
from jax.experimental.pallas import tpu_sc as plsc

N = 10000
D = 128
E = 320000
NC, NS = 2, 16
NW = NC * NS
CH = 128
NG = -(-E // (NW * CH))
EPT = NG * CH
EPAD = EPT * NW
NPAD = 10240
RT = NPAD // NS

SRC0, DST0, SRC1, DST1, SD0, SD1 = 0, 1, 2, 3, 4, 5


def _fill_rows(ref, nrows, value):
    vec = jnp.full((16,), value, jnp.float32)

    def body(i, _):
        for j in range(ref.shape[1] // 16):
            ref[i, pl.ds(j * 16, 16)] = vec
        return 0

    lax.fori_loop(0, nrows, body, 0)


def _decode(sd_all, g, idx_v, src_row, dst_row):
    for j in range(CH // 16):
        v = sd_all[g, pl.ds(j * 16, 16)]
        idx_v[src_row, pl.ds(j * 16, 16)] = lax.bitwise_and(v, 16383)
        idx_v[dst_row, pl.ds(j * 16, 16)] = lax.shift_right_logical(v, 14)


def _sc_agg_body(x, sdg, part_out, sd_all, idx_v, rows_a, rows_b,
                 accum, gsem_a, gsem_b, ssem_a, ssem_b):
    c = lax.axis_index("c")
    s = lax.axis_index("s")
    wid = s * NC + c
    base = s * RT

    _fill_rows(rows_a, CH, 0.0)

    def zacc(j, _):
        pltpu.sync_copy(rows_a, accum.at[pl.ds(base + j * CH, CH)])
        return 0

    lax.fori_loop(0, RT // CH, zacc, 0)

    pltpu.sync_copy(sdg.at[wid], sd_all)

    plsc.subcore_barrier()

    rows = (rows_a, rows_b)
    gsems = (gsem_a, gsem_b)
    ssems = (ssem_a, ssem_b)
    src_rows = (SRC0, SRC1)
    dst_rows = (DST0, DST1)

    def scatter_desc(b):
        return pltpu.make_async_copy(
            rows[b], accum.at[idx_v.at[dst_rows[b]]], ssems[b])

    def gather_desc(b):
        return pltpu.make_async_copy(
            x.at[idx_v.at[src_rows[b]]], rows[b], gsems[b])

    _decode(sd_all, 0, idx_v, SRC0, DST0)
    gather_desc(0).start(priority=1)

    def pair(k, _):
        for b in (0, 1):
            g = k * 2 + b
            nb = 1 - b

            @pl.when(g < NG)
            def _work():
                gn = g + 1

                @pl.when(gn < NG)
                def _prefetch():
                    @pl.when(gn >= 2)
                    def _drain():
                        scatter_desc(nb).wait()

                    _decode(sd_all, gn, idx_v, src_rows[nb], dst_rows[nb])
                    gather_desc(nb).start(priority=1)

                pltpu.make_async_copy(
                    x.at[idx_v.at[src_rows[b]]], rows[b], gsems[b]).wait()
                scatter_desc(b).start(add=True)

        return 0

    lax.fori_loop(0, (NG + 1) // 2, pair, 0)

    scatter_desc((NG - 2) % 2).wait()
    scatter_desc((NG - 1) % 2).wait()

    plsc.subcore_barrier()

    pltpu.sync_copy(accum.at[pl.ds(base, RT)],
                    part_out.at[c, pl.ds(base, RT)])


def _sc_deg_body(sdg, deg_out, sd_all, idx_v, ones_v, deg_acc,
                 ssem_a, ssem_b):
    c = lax.axis_index("c")
    s = lax.axis_index("s")
    wid = s * NC + c
    base = s * RT

    _fill_rows(ones_v, CH, 0.0)

    def zdeg(j, _):
        pltpu.sync_copy(ones_v, deg_acc.at[pl.ds(base + j * CH, CH)])
        return 0

    lax.fori_loop(0, RT // CH, zdeg, 0)

    _fill_rows(ones_v, CH, 1.0)

    pltpu.sync_copy(sdg.at[wid], sd_all)

    plsc.subcore_barrier()

    ssems = (ssem_a, ssem_b)
    dst_rows = (DST0, DST1)

    def scatter_desc(b):
        return pltpu.make_async_copy(
            ones_v, deg_acc.at[idx_v.at[dst_rows[b]]], ssems[b])

    src_rows = (SRC0, SRC1)

    def pair(k, _):
        for b in (0, 1):
            g = k * 2 + b

            @pl.when(g < NG)
            def _work():
                @pl.when(g >= 2)
                def _drain():
                    scatter_desc(b).wait()

                _decode(sd_all, g, idx_v, src_rows[b], dst_rows[b])
                scatter_desc(b).start(add=True)

        return 0

    lax.fori_loop(0, (NG + 1) // 2, pair, 0)

    scatter_desc((NG - 2) % 2).wait()
    scatter_desc((NG - 1) % 2).wait()

    plsc.subcore_barrier()

    pltpu.sync_copy(deg_acc.at[pl.ds(base, RT)],
                    deg_out.at[c, pl.ds(base, RT)])


@functools.lru_cache(maxsize=1)
def _sc_kernels():
    mesh = plsc.VectorSubcoreMesh(
        core_axis_name="c", subcore_axis_name="s",
        num_cores=NC, num_subcores=NS)
    agg = pl.kernel(
        _sc_agg_body,
        out_type=jax.ShapeDtypeStruct((NC, NPAD, D), jnp.float32),
        mesh=mesh,
        scratch_types=[
            pltpu.VMEM((NG, CH), jnp.int32),
            pltpu.VMEM((8, CH), jnp.int32),
            pltpu.VMEM((CH, D), jnp.float32),
            pltpu.VMEM((CH, D), jnp.float32),
            pltpu.VMEM_SHARED((NPAD, D), jnp.float32),
            pltpu.SemaphoreType.DMA,
            pltpu.SemaphoreType.DMA,
            pltpu.SemaphoreType.DMA,
            pltpu.SemaphoreType.DMA,
        ],
    )
    deg = pl.kernel(
        _sc_deg_body,
        out_type=jax.ShapeDtypeStruct((NC, NPAD, D), jnp.float32),
        mesh=mesh,
        scratch_types=[
            pltpu.VMEM((NG, CH), jnp.int32),
            pltpu.VMEM((8, CH), jnp.int32),
            pltpu.VMEM((CH, D), jnp.float32),
            pltpu.VMEM_SHARED((NPAD, D), jnp.float32),
            pltpu.SemaphoreType.DMA,
            pltpu.SemaphoreType.DMA,
        ],
    )
    return agg, deg


BN = 1024
GRID = NPAD // BN


def _tc_body(x_ref, p_ref, d_ref, wn_ref, ws_ref, b_ref, o_ref):
    p = p_ref[0] + p_ref[1]
    dsum = d_ref[0] + d_ref[1]
    deg = dsum[:, 0:1]
    mean = p * (1.0 / jnp.maximum(deg, 1.0))
    dn = (((1,), (1,)), ((), ()))
    hn = lax.dot_general(mean, wn_ref[...], dn,
                         preferred_element_type=jnp.float32)
    hs = lax.dot_general(x_ref[...], ws_ref[...], dn,
                         preferred_element_type=jnp.float32)
    o_ref[...] = hs + hn + b_ref[...]


_tc_layer = pl.pallas_call(
    _tc_body,
    grid=(GRID,),
    in_specs=[
        pl.BlockSpec((BN, D), lambda i: (i, 0)),
        pl.BlockSpec((NC, BN, D), lambda i: (0, i, 0)),
        pl.BlockSpec((NC, BN, D), lambda i: (0, i, 0)),
        pl.BlockSpec((D, D), lambda i: (0, 0)),
        pl.BlockSpec((D, D), lambda i: (0, 0)),
        pl.BlockSpec((1, D), lambda i: (0, 0)),
    ],
    out_specs=pl.BlockSpec((BN, D), lambda i: (i, 0)),
    out_shape=jax.ShapeDtypeStruct((NPAD, D), jnp.float32),
)


def kernel(h, edge_index, W_neigh1, W_self1, b_self1,
           W_neigh2, W_self2, b_self2):
    src = edge_index[0]
    dst = edge_index[1]
    pad = EPAD - E
    pad_dst = N + jnp.arange(pad, dtype=jnp.int32) % (NPAD - N)
    sd = jnp.concatenate([
        jnp.bitwise_or(src, jnp.left_shift(dst, 14)),
        jnp.left_shift(pad_dst, 14),
    ]).reshape(NW, NG, CH)
    x0 = jnp.pad(h, ((0, NPAD - N), (0, 0)))
    b1 = b_self1.reshape(1, D)
    b2 = b_self2.reshape(1, D)

    sc_agg, sc_deg = _sc_kernels()
    degp = sc_deg(sd)
    part1 = sc_agg(x0, sd)
    h1 = _tc_layer(x0, part1, degp, W_neigh1, W_self1, b1)
    part2 = sc_agg(h1, sd)
    h2 = _tc_layer(h1, part2, degp, W_neigh2, W_self2, b2)
    return h2[:N]

# --- scband reference (transcript-rebuilt; emitter-appended) ---
"""Pipeline reference for scband-sagenet-14602888806923 (READ-ONLY COPY).

The authoritative reference and input builder live on the scoring server;
editing this copy changes nothing except your own understanding.
"""

import jax, jax.numpy as jnp
import numpy as np

N_NODES = 10000
N_EDGES = 320000
DIM = 128


def _glorot(key, shape, gain=1.4142135623730951):
    fan_in, fan_out = shape[1], shape[0]
    limit = gain * np.sqrt(6.0 / (fan_in + fan_out))
    return jax.random.uniform(key, shape, dtype=jnp.float32, minval=-limit, maxval=limit)


def setup_inputs(seed: int = 0) -> dict:
    key = jax.random.key(seed)
    ks = jax.random.split(key, 8)
    h = jax.random.normal(ks[0], (N_NODES, DIM), dtype=jnp.float32)
    edge_index = jax.random.randint(ks[1], (2, N_EDGES), 0, N_NODES, dtype=jnp.int32)
    W_neigh1 = _glorot(ks[2], (DIM, DIM))
    W_self1 = _glorot(ks[3], (DIM, DIM))
    b_self1 = jnp.zeros((DIM,), dtype=jnp.float32)
    W_neigh2 = _glorot(ks[4], (DIM, DIM))
    W_self2 = _glorot(ks[5], (DIM, DIM))
    b_self2 = jnp.zeros((DIM,), dtype=jnp.float32)
    return {
        "h": h,
        "edge_index": edge_index,
        "W_neigh1": W_neigh1,
        "W_self1": W_self1,
        "b_self1": b_self1,
        "W_neigh2": W_neigh2,
        "W_self2": W_self2,
        "b_self2": b_self2,
    }


def _sage_conv_mean(h, src, dst, W_neigh, W_self, b_self):
    # DGL SAGEConv, aggregator_type='mean', in_feats == out_feats so
    # lin_before_mp is False: aggregate raw features, then apply fc_neigh.
    msg = h[src]                                            # gather: [E, D]
    summed = jax.ops.segment_sum(msg, dst, num_segments=N_NODES)
    deg = jax.ops.segment_sum(jnp.ones((src.shape[0],), dtype=h.dtype), dst, num_segments=N_NODES)
    h_mean = summed / jnp.maximum(deg, 1.0)[:, None]        # zero-in-degree nodes -> 0 (DGL fn.mean semantics)
    h_neigh = h_mean @ W_neigh.T                            # fc_neigh (bias=False)
    h_self = h @ W_self.T + b_self                          # fc_self (bias=True)
    return h_self + h_neigh


def reference(h, edge_index, W_neigh1, W_self1, b_self1, W_neigh2, W_self2, b_self2):
    # SAGENet(type='mean', layers_num=2) in eval mode: DropEdge skipped
    # (self.training is False), dropout(p=0.0) is identity.
    src = edge_index[0]
    dst = edge_index[1]
    h1 = _sage_conv_mean(h, src, dst, W_neigh1, W_self1, b_self1)
    h2 = _sage_conv_mean(h1, src, dst, W_neigh2, W_self2, b_self2)
    return h2

if __name__ == "__main__":
    import jax
    _d = setup_inputs()
    print(jax.jit(kernel)(*tuple(_d.values())))

</pallas_src>

<mosaic_0001>
#map = affine_map<(d0, d1) -> (0, 0)>
#map1 = affine_map<(d0, d1) -> (0, 0, 0)>
module attributes {stable_mosaic.version = 14 : i64} {
  func.func @_sc_agg_body(%arg0: i32, %arg1: i32, %arg2: memref<10240x128xf32, #tpu.memory_space<hbm>>, %arg3: memref<32x79x128xi32, #tpu.memory_space<hbm>>, %arg4: memref<2x10240x128xf32, #tpu.memory_space<hbm>>, %arg5: memref<79x128xi32, #tpu.memory_space<vmem>>, %arg6: memref<8x128xi32, #tpu.memory_space<vmem>>, %arg7: memref<128x128xf32, #tpu.memory_space<vmem>>, %arg8: memref<128x128xf32, #tpu.memory_space<vmem>>, %arg9: memref<10240x128xf32, #tpu.memory_space<vmem_shared>>, %arg10: memref<!tpu.dma_semaphore, #tpu.memory_space<semaphore_mem>>, %arg11: memref<!tpu.dma_semaphore, #tpu.memory_space<semaphore_mem>>, %arg12: memref<!tpu.dma_semaphore, #tpu.memory_space<semaphore_mem>>, %arg13: memref<!tpu.dma_semaphore, #tpu.memory_space<semaphore_mem>>) attributes {dimension_semantics = [#tpu.dimension_semantics<core_parallel>, #tpu.dimension_semantics<subcore_parallel>], iteration_bounds = array<i64: 2, 16>, scalar_prefetch = 0 : i64, scratch_operands = 9 : i64, tpu.core_type = #tpu.core_type<sc_vector_subcore>, window_params = [{transform_indices = #map}, {transform_indices = #map1}, {transform_indices = #map1}]} {
    %mul3A = arith.constant 2 : i32
    %mul3A_0 = arith.muli %arg1, %mul3A : i32
    %add3A = arith.addi %mul3A_0, %arg0 : i32
    %mul3A_1 = arith.constant 640 : i32
    %mul3A_2 = arith.muli %arg1, %mul3A_1 : i32
    %broadcast_in_dim3A = arith.constant 0.000000e+00 : f32
    %broadcast_in_dim3A_3 = vector.broadcast %broadcast_in_dim3A : f32 to vector<16xf32>
    %scan3A = arith.constant 0 : i32
    %scan3A_4 = arith.constant 0 : i32
    %scan3A_5 = arith.constant 128 : i32
    %scan3A_6 = arith.addi %scan3A_4, %scan3A_5 : i32
    %scan3A_7 = arith.constant 1 : i32
    %scan3A_8 = scf.for %scan3A_224 = %scan3A_4 to %scan3A_6 step %scan3A_7 iter_args(%scan3A_225 = %scan3A) -> (i32)  : i32 {
      %swap3A_226 = arith.index_cast %scan3A_224 : i32 to index
      %swap3A_227 = arith.constant 0 : index
      %swap3A_228 = tpu.vector_load %arg7[%swap3A_226, %swap3A_227] {strides = array<i32>} : memref<128x128xf32, #tpu.memory_space<vmem>>, vector<1x16xf32>,
      %swap3A_229 = vector.shape_cast %swap3A_228 : vector<1x16xf32> to vector<16xf32>
      %swap3A_230 = vector.shape_cast %broadcast_in_dim3A_3 : vector<16xf32> to vector<1x16xf32>
      tpu.vector_store %arg7[%swap3A_226, %swap3A_227], %swap3A_230 {strides = array<i32>} : memref<128x128xf32, #tpu.memory_space<vmem>>, vector<1x16xf32>,
      %swap3A_231 = arith.index_cast %scan3A_224 : i32 to index
      %swap3A_232 = arith.constant 16 : index
      %swap3A_233 = tpu.vector_load %arg7[%swap3A_231, %swap3A_232] {strides = array<i32>} : memref<128x128xf32, #tpu.memory_space<vmem>>, vector<1x16xf32>,
      %swap3A_234 = vector.shape_cast %swap3A_233 : vector<1x16xf32> to vector<16xf32>
      %swap3A_235 = vector.shape_cast %broadcast_in_dim3A_3 : vector<16xf32> to vector<1x16xf32>
      tpu.vector_store %arg7[%swap3A_231, %swap3A_232], %swap3A_235 {strides = array<i32>} : memref<128x128xf32, #tpu.memory_space<vmem>>, vector<1x16xf32>,
      %swap3A_236 = arith.index_cast %scan3A_224 : i32 to index
      %swap3A_237 = arith.constant 32 : index
      %swap3A_238 = tpu.vector_load %arg7[%swap3A_236, %swap3A_237] {strides = array<i32>} : memref<128x128xf32, #tpu.memory_space<vmem>>, vector<1x16xf32>,
      %swap3A_239 = vector.shape_cast %swap3A_238 : vector<1x16xf32> to vector<16xf32>
      %swap3A_240 = vector.shape_cast %broadcast_in_dim3A_3 : vector<16xf32> to vector<1x16xf32>
      tpu.vector_store %arg7[%swap3A_236, %swap3A_237], %swap3A_240 {strides = array<i32>} : memref<128x128xf32, #tpu.memory_space<vmem>>, vector<1x16xf32>,
      %swap3A_241 = arith.index_cast %scan3A_224 : i32 to index
      %swap3A_242 = arith.constant 48 : index
      %swap3A_243 = tpu.vector_load %arg7[%swap3A_241, %swap3A_242] {strides = array<i32>} : memref<128x128xf32, #tpu.memory_space<vmem>>, vector<1x16xf32>,
      %swap3A_244 = vector.shape_cast %swap3A_243 : vector<1x16xf32> to vector<16xf32>
      %swap3A_245 = vector.shape_cast %broadcast_in_dim3A_3 : vector<16xf32> to vector<1x16xf32>
      tpu.vector_store %arg7[%swap3A_241, %swap3A_242], %swap3A_245 {strides = array<i32>} : memref<128x128xf32, #tpu.memory_space<vmem>>, vector<1x16xf32>,
      %swap3A_246 = arith.index_cast %scan3A_224 : i32 to index
      %swap3A_247 = arith.constant 64 : index
      %swap3A_248 = tpu.vector_load %arg7[%swap3A_246, %swap3A_247] {strides = array<i32>} : memref<128x128xf32, #tpu.memory_space<vmem>>, vector<1x16xf32>,
      %swap3A_249 = vector.shape_cast %swap3A_248 : vector<1x16xf32> to vector<16xf32>
      %swap3A_250 = vector.shape_cast %broadcast_in_dim3A_3 : vector<16xf32> to vector<1x16xf32>
      tpu.vector_store %arg7[%swap3A_246, %swap3A_247], %swap3A_250 {strides = array<i32>} : memref<128x128xf32, #tpu.memory_space<vmem>>, vector<1x16xf32>,
      %swap3A_251 = arith.index_cast %scan3A_224 : i32 to index
      %swap3A_252 = arith.constant 80 : index
      %swap3A_253 = tpu.vector_load %arg7[%swap3A_251, %swap3A_252] {strides = array<i32>} : memref<128x128xf32, #tpu.memory_space<vmem>>, vector<1x16xf32>,
      %swap3A_254 = vector.shape_cast %swap3A_253 : vector<1x16xf32> to vector<16xf32>
      %swap3A_255 = vector.shape_cast %broadcast_in_dim3A_3 : vector<16xf32> to vector<1x16xf32>
      tpu.vector_store %arg7[%swap3A_251, %swap3A_252], %swap3A_255 {strides = array<i32>} : memref<128x128xf32, #tpu.memory_space<vmem>>, vector<1x16xf32>,
      %swap3A_256 = arith.index_cast %scan3A_224 : i32 to index
      %swap3A_257 = arith.constant 96 : index
      %swap3A_258 = tpu.vector_load %arg7[%swap3A_256, %swap3A_257] {strides = array<i32>} : memref<128x128xf32, #tpu.memory_space<vmem>>, vector<1x16xf32>,
      %swap3A_259 = vector.shape_cast %swap3A_258 : vector<1x16xf32> to vector<16xf32>
      %swap3A_260 = vector.shape_cast %broadcast_in_dim3A_3 : vector<16xf32> to vector<1x16xf32>
      tpu.vector_store %arg7[%swap3A_256, %swap3A_257], %swap3A_260 {strides = array<i32>} : memref<128x128xf32, #tpu.memory_space<vmem>>, vector<1x16xf32>,
      %swap3A_261 = arith.index_cast %scan3A_224 : i32 to index
      %swap3A_262 = arith.constant 112 : index
      %swap3A_263 = tpu.vector_load %arg7[%swap3A_261, %swap3A_262] {strides = array<i32>} : memref<128x128xf32, #tpu.memory_space<vmem>>, vector<1x16xf32>,
      %swap3A_264 = vector.shape_cast %swap3A_263 : vector<1x16xf32> to vector<16xf32>
      %swap3A_265 = vector.shape_cast %broadcast_in_dim3A_3 : vector<16xf32> to vector<1x16xf32>
      tpu.vector_store %arg7[%swap3A_261, %swap3A_262], %swap3A_265 {strides = array<i32>} : memref<128x128xf32, #tpu.memory_space<vmem>>, vector<1x16xf32>,
      %scan3A_266 = arith.constant 0 : i32
      scf.yield %scan3A_266 : i32
    }
    %scan3A_9 = arith.constant 128 : i32
    %scan3A_10 = arith.constant 0 : i32
    %scan3A_11 = arith.constant 0 : i32
    %scan3A_12 = arith.constant 5 : i32
    %scan3A_13 = arith.addi %scan3A_11, %scan3A_12 : i32
    %scan3A_14 = arith.constant 1 : i32
    %scan3A_15 = scf.for %scan3A_224 = %scan3A_11 to %scan3A_13 step %scan3A_14 iter_args(%scan3A_225 = %scan3A_10) -> (i32)  : i32 {
      %mul3A_226 = arith.constant 128 : i32
      %mul3A_227 = arith.muli %scan3A_224, %mul3A_226 : i32
      %add3A_228 = arith.addi %mul3A_2, %mul3A_227 : i32
      "tpu.region"() ({
        %run_scoped3A = tpu.sem_alloc : memref<!tpu.dma_semaphore, #tpu.memory_space<semaphore_mem>>
        %dma_start3A_230 = arith.constant 0 : i32
        %dma_start3A_231 = tpu.memref_slice %arg9[%add3A_228, %dma_start3A_230] : memref<10240x128xf32, #tpu.memory_space<vmem_shared>> -> memref<128x128xf32, #tpu.memory_space<vmem_shared>>
        %dma_start3A_232 = arith.constant 0 : i32
        %dma_start3A_233 = tpu.memref_slice %arg9[%add3A_228, %dma_start3A_232] : memref<10240x128xf32, #tpu.memory_space<vmem_shared>> -> memref<128x128xf32, #tpu.memory_space<vmem_shared>>
        tpu.enqueue_dma source(%arg7 : memref<128x128xf32, #tpu.memory_space<vmem>>) target(%dma_start3A_233 : memref<128x128xf32, #tpu.memory_space<vmem_shared>>) target_semaphore(%run_scoped3A : memref<!tpu.dma_semaphore, #tpu.memory_space<semaphore_mem>>)
        %dma_wait3A_234 = arith.constant 0 : i32
        %dma_wait3A_235 = tpu.memref_slice %arg9[%add3A_228, %dma_wait3A_234] : memref<10240x128xf32, #tpu.memory_space<vmem_shared>> -> memref<128x128xf32, #tpu.memory_space<vmem_shared>>
        %dma_wait3A_236 = arith.constant 0 : i32
        %dma_wait3A_237 = tpu.memref_slice %arg9[%add3A_228, %dma_wait3A_236] : memref<10240x128xf32, #tpu.memory_space<vmem_shared>> -> memref<128x128xf32, #tpu.memory_space<vmem_shared>>
        tpu.wait_dma2 semaphore(%run_scoped3A : memref<!tpu.dma_semaphore, #tpu.memory_space<semaphore_mem>>) src(%arg7 : memref<128x128xf32, #tpu.memory_space<vmem>>) dst(%dma_wait3A_237 : memref<128x128xf32, #tpu.memory_space<vmem_shared>>)
        tpu.yield
      }) : () -> ()
      %scan3A_229 = arith.constant 0 : i32
      scf.yield %scan3A_229 : i32
    }
    %scan3A_16 = arith.constant 5 : i32
    "tpu.region"() ({
      %run_scoped3A = tpu.sem_alloc : memref<!tpu.dma_semaphore, #tpu.memory_space<semaphore_mem>>
      %dma_start3A_224 = arith.constant 0 : i32
      %dma_start3A_225 = arith.constant 0 : i32
      %dma_start3A_226 = tpu.memref_slice %arg3[%add3A, %dma_start3A_224, %dma_start3A_225] : memref<32x79x128xi32, #tpu.memory_space<hbm>> -> memref<1x79x128xi32, #tpu.memory_space<hbm>>
      %dma_start3A_227 = tpu.memref_squeeze %dma_start3A_226 : memref<1x79x128xi32, #tpu.memory_space<hbm>> -> memref<79x128xi32, #tpu.memory_space<hbm>>
      %dma_start3A_228 = arith.constant 0 : i32
      %dma_start3A_229 = arith.constant 0 : i32
      %dma_start3A_230 = tpu.memref_slice %arg3[%add3A, %dma_start3A_228, %dma_start3A_229] : memref<32x79x128xi32, #tpu.memory_space<hbm>> -> memref<1x79x128xi32, #tpu.memory_space<hbm>>
      %dma_start3A_231 = tpu.memref_squeeze %dma_start3A_230 : memref<1x79x128xi32, #tpu.memory_space<hbm>> -> memref<79x128xi32, #tpu.memory_space<hbm>>
      tpu.enqueue_dma source(%dma_start3A_231 : memref<79x128xi32, #tpu.memory_space<hbm>>) target(%arg5 : memref<79x128xi32, #tpu.memory_space<vmem>>) target_semaphore(%run_scoped3A : memref<!tpu.dma_semaphore, #tpu.memory_space<semaphore_mem>>)
      %dma_wait3A_232 = arith.constant 0 : i32
      %dma_wait3A_233 = arith.constant 0 : i32
      %dma_wait3A_234 = tpu.memref_slice %arg3[%add3A, %dma_wait3A_232, %dma_wait3A_233] : memref<32x79x128xi32, #tpu.memory_space<hbm>> -> memref<1x79x128xi32, #tpu.memory_space<hbm>>
      %dma_wait3A_235 = tpu.memref_squeeze %dma_wait3A_234 : memref<1x79x128xi32, #tpu.memory_space<hbm>> -> memref<79x128xi32, #tpu.memory_space<hbm>>
      %dma_wait3A_236 = arith.constant 0 : i32
      %dma_wait3A_237 = arith.constant 0 : i32
      %dma_wait3A_238 = tpu.memref_slice %arg3[%add3A, %dma_wait3A_236, %dma_wait3A_237] : memref<32x79x128xi32, #tpu.memory_space<hbm>> -> memref<1x79x128xi32, #tpu.memory_space<hbm>>
      %dma_wait3A_239 = tpu.memref_squeeze %dma_wait3A_238 : memref<1x79x128xi32, #tpu.memory_space<hbm>> -> memref<79x128xi32, #tpu.memory_space<hbm>>
      tpu.wait_dma2 semaphore(%run_scoped3A : memref<!tpu.dma_semaphore, #tpu.memory_space<semaphore_mem>>) src(%dma_wait3A_239 : memref<79x128xi32, #tpu.memory_space<hbm>>) dst(%arg5 : memref<79x128xi32, #tpu.memory_space<vmem>>)
      tpu.yield
    }) : () -> ()
    %barrier3A = arith.constant 0 : index
    tpu.barrier barrier_id(%barrier3A)
    %get3A = arith.constant 0 : i32
    %get3A_17 = arith.index_cast %get3A : i32 to index
    %get3A_18 = arith.constant 0 : index
    %get3A_19 = tpu.vector_load %arg5[%get3A_17, %get3A_18] {strides = array<i32>} : memref<79x128xi32, #tpu.memory_space<vmem>>, vector<1x16xi32>,
    %get3A_20 = vector.shape_cast %get3A_19 : vector<1x16xi32> to vector<16xi32>
    %and3A = arith.constant 16383 : i32
    %and3A_21 = vector.broadcast %and3A : i32 to vector<16xi32>
    %and3A_22 = arith.andi %get3A_20, %and3A_21 : vector<16xi32>
    %swap3A = arith.constant 0 : i32
    %swap3A_23 = arith.index_cast %swap3A : i32 to index
    %swap3A_24 = arith.constant 0 : index
    %swap3A_25 = tpu.vector_load %arg6[%swap3A_23, %swap3A_24] {strides = array<i32>} : memref<8x128xi32, #tpu.memory_space<vmem>>, vector<1x16xi32>,
    %swap3A_26 = vector.shape_cast %swap3A_25 : vector<1x16xi32> to vector<16xi32>
    %swap3A_27 = vector.shape_cast %and3A_22 : vector<16xi32> to vector<1x16xi32>
    tpu.vector_store %arg6[%swap3A_23, %swap3A_24], %swap3A_27 {strides = array<i32>} : memref<8x128xi32, #tpu.memory_space<vmem>>, vector<1x16xi32>,
    %shift_right_logical3A = arith.constant 14 : i32
    %shift_right_logical3A_28 = vector.broadcast %shift_right_logical3A : i32 to vector<16xi32>
    %shift_right_logical3A_29 = arith.shrui %get3A_20, %shift_right_logical3A_28 : vector<16xi32>
    %swap3A_30 = arith.constant 1 : i32
    %swap3A_31 = arith.index_cast %swap3A_30 : i32 to index
    %swap3A_32 = arith.constant 0 : index
    %swap3A_33 = tpu.vector_load %arg6[%swap3A_31, %swap3A_32] {strides = array<i32>} : memref<8x128xi32, #tpu.memory_space<vmem>>, vector<1x16xi32>,
    %swap3A_34 = vector.shape_cast %swap3A_33 : vector<1x16xi32> to vector<16xi32>
    %swap3A_35 = vector.shape_cast %shift_right_logical3A_29 : vector<16xi32> to vector<1x16xi32>
    tpu.vector_store %arg6[%swap3A_31, %swap3A_32], %swap3A_35 {strides = array<i32>} : memref<8x128xi32, #tpu.memory_space<vmem>>, vector<1x16xi32>,
    %get3A_36 = arith.constant 0 : i32
    %get3A_37 = arith.index_cast %get3A_36 : i32 to index
    %get3A_38 = arith.constant 16 : index
    %get3A_39 = tpu.vector_load %arg5[%get3A_37, %get3A_38] {strides = array<i32>} : memref<79x128xi32, #tpu.memory_space<vmem>>, vector<1x16xi32>,
    %get3A_40 = vector.shape_cast %get3A_39 : vector<1x16xi32> to vector<16xi32>
    %and3A_41 = arith.constant 16383 : i32
    %and3A_42 = vector.broadcast %and3A_41 : i32 to vector<16xi32>
    %and3A_43 = arith.andi %get3A_40, %and3A_42 : vector<16xi32>
    %swap3A_44 = arith.constant 0 : i32
    %swap3A_45 = arith.index_cast %swap3A_44 : i32 to index
    %swap3A_46 = arith.constant 16 : index
    %swap3A_47 = tpu.vector_load %arg6[%swap3A_45, %swap3A_46] {strides = array<i32>} : memref<8x128xi32, #tpu.memory_space<vmem>>, vector<1x16xi32>,
    %swap3A_48 = vector.shape_cast %swap3A_47 : vector<1x16xi32> to vector<16xi32>
    %swap3A_49 = vector.shape_cast %and3A_43 : vector<16xi32> to vector<1x16xi32>
    tpu.vector_store %arg6[%swap3A_45, %swap3A_46], %swap3A_49 {strides = array<i32>} : memref<8x128xi32, #tpu.memory_space<vmem>>, vector<1x16xi32>,
    %shift_right_logical3A_50 = arith.constant 14 : i32
    %shift_right_logical3A_51 = vector.broadcast %shift_right_logical3A_50 : i32 to vector<16xi32>
    %shift_right_logical3A_52 = arith.shrui %get3A_40, %shift_right_logical3A_51 : vector<16xi32>
    %swap3A_53 = arith.constant 1 : i32
    %swap3A_54 = arith.index_cast %swap3A_53 : i32 to index
    %swap3A_55 = arith.constant 16 : index
    %swap3A_56 = tpu.vector_load %arg6[%swap3A_54, %swap3A_55] {strides = array<i32>} : memref<8x128xi32, #tpu.memory_space<vmem>>, vector<1x16xi32>,
    %swap3A_57 = vector.shape_cast %swap3A_56 : vector<1x16xi32> to vector<16xi32>
    %swap3A_58 = vector.shape_cast %shift_right_logical3A_52 : vector<16xi32> to vector<1x16xi32>
    tpu.vector_store %arg6[%swap3A_54, %swap3A_55], %swap3A_58 {strides = array<i32>} : memref<8x128xi32, #tpu.memory_space<vmem>>, vector<1x16xi32>,
    %get3A_59 = arith.constant 0 : i32
    %get3A_60 = arith.index_cast %get3A_59 : i32 to index
    %get3A_61 = arith.constant 32 : index
    %get3A_62 = tpu.vector_load %arg5[%get3A_60, %get3A_61] {strides = array<i32>} : memref<79x128xi32, #tpu.memory_space<vmem>>, vector<1x16xi32>,
    %get3A_63 = vector.shape_cast %get3A_62 : vector<1x16xi32> to vector<16xi32>
    %and3A_64 = arith.constant 16383 : i32
    %and3A_65 = vector.broadcast %and3A_64 : i32 to vector<16xi32>
    %and3A_66 = arith.andi %get3A_63, %and3A_65 : vector<16xi32>
    %swap3A_67 = arith.constant 0 : i32
    %swap3A_68 = arith.index_cast %swap3A_67 : i32 to index
    %swap3A_69 = arith.constant 32 : index
    %swap3A_70 = tpu.vector_load %arg6[%swap3A_68, %swap3A_69] {strides = array<i32>} : memref<8x128xi32, #tpu.memory_space<vmem>>, vector<1x16xi32>,
    %swap3A_71 = vector.shape_cast %swap3A_70 : vector<1x16xi32> to vector<16xi32>
    %swap3A_72 = vector.shape_cast %and3A_66 : vector<16xi32> to vector<1x16xi32>
    tpu.vector_store %arg6[%swap3A_68, %swap3A_69], %swap3A_72 {strides = array<i32>} : memref<8x128xi32, #tpu.memory_space<vmem>>, vector<1x16xi32>,
    %shift_right_logical3A_73 = arith.constant 14 : i32
    %shift_right_logical3A_74 = vector.broadcast %shift_right_logical3A_73 : i32 to vector<16xi32>
    %shift_right_logical3A_75 = arith.shrui %get3A_63, %shift_right_logical3A_74 : vector<16xi32>
    %swap3A_76 = arith.constant 1 : i32
    %swap3A_77 = arith.index_cast %swap3A_76 : i32 to index
    %swap3A_78 = arith.constant 32 : index
    %swap3A_79 = tpu.vector_load %arg6[%swap3A_77, %swap3A_78] {strides = array<i32>} : memref<8x128xi32, #tpu.memory_space<vmem>>, vector<1x16xi32>,
    %swap3A_80 = vector.shape_cast %swap3A_79 : vector<1x16xi32> to vector<16xi32>
    %swap3A_81 = vector.shape_cast %shift_right_logical3A_75 : vector<16xi32> to vector<1x16xi32>
    tpu.vector_store %arg6[%swap3A_77, %swap3A_78], %swap3A_81 {strides = array<i32>} : memref<8x128xi32, #tpu.memory_space<vmem>>, vector<1x16xi32>,
    %get3A_82 = arith.constant 0 : i32
    %get3A_83 = arith.index_cast %get3A_82 : i32 to index
    %get3A_84 = arith.constant 48 : index
    %get3A_85 = tpu.vector_load %arg5[%get3A_83, %get3A_84] {strides = array<i32>} : memref<79x128xi32, #tpu.memory_space<vmem>>, vector<1x16xi32>,
    %get3A_86 = vector.shape_cast %get3A_85 : vector<1x16xi32> to vector<16xi32>
    %and3A_87 = arith.constant 16383 : i32
    %and3A_88 = vector.broadcast %and3A_87 : i32 to vector<16xi32>
    %and3A_89 = arith.andi %get3A_86, %and3A_88 : vector<16xi32>
    %swap3A_90 = arith.constant 0 : i32
    %swap3A_91 = arith.index_cast %swap3A_90 : i32 to index
    %swap3A_92 = arith.constant 48 : index
    %swap3A_93 = tpu.vector_load %arg6[%swap3A_91, %swap3A_92] {strides = array<i32>} : memref<8x128xi32, #tpu.memory_space<vmem>>, vector<1x16xi32>,
    %swap3A_94 = vector.shape_cast %swap3A_93 : vector<1x16xi32> to vector<16xi32>
    %swap3A_95 = vector.shape_cast %and3A_89 : vector<16xi32> to vector<1x16xi32>
    tpu.vector_store %arg6[%swap3A_91, %swap3A_92], %swap3A_95 {strides = array<i32>} : memref<8x128xi32, #tpu.memory_space<vmem>>, vector<1x16xi32>,
    %shift_right_logical3A_96 = arith.constant 14 : i32
    %shift_right_logical3A_97 = vector.broadcast %shift_right_logical3A_96 : i32 to vector<16xi32>
    %shift_right_logical3A_98 = arith.shrui %get3A_86, %shift_right_logical3A_97 : vector<16xi32>
    %swap3A_99 = arith.constant 1 : i32
    %swap3A_100 = arith.index_cast %swap3A_99 : i32 to index
    %swap3A_101 = arith.constant 48 : index
    %swap3A_102 = tpu.vector_load %arg6[%swap3A_100, %swap3A_101] {strides = array<i32>} : memref<8x128xi32, #tpu.memory_space<vmem>>, vector<1x16xi32>,
    %swap3A_103 = vector.shape_cast %swap3A_102 : vector<1x16xi32> to vector<16xi32>
    %swap3A_104 = vector.shape_cast %shift_right_logical3A_98 : vector<16xi32> to vector<1x16xi32>
    tpu.vector_store %arg6[%swap3A_100, %swap3A_101], %swap3A_104 {strides = array<i32>} : memref<8x128xi32, #tpu.memory_space<vmem>>, vector<1x16xi32>,
    %get3A_105 = arith.constant 0 : i32
    %get3A_106 = arith.index_cast %get3A_105 : i32 to index
    %get3A_107 = arith.constant 64 : index
    %get3A_108 = tpu.vector_load %arg5[%get3A_106, %get3A_107] {strides = array<i32>} : memref<79x128xi32, #tpu.memory_space<vmem>>, vector<1x16xi32>,
    %get3A_109 = vector.shape_cast %get3A_108 : vector<1x16xi32> to vector<16xi32>
    %and3A_110 = arith.constant 16383 : i32
    %and3A_111 = vector.broadcast %and3A_110 : i32 to vector<16xi32>
    %and3A_112 = arith.andi %get3A_109, %and3A_111 : vector<16xi32>
    %swap3A_113 = arith.constant 0 : i32
    %swap3A_114 = arith.index_cast %swap3A_113 : i32 to index
    %swap3A_115 = arith.constant 64 : index
    %swap3A_116 = tpu.vector_load %arg6[%swap3A_114, %swap3A_115] {strides = array<i32>} : memref<8x128xi32, #tpu.memory_space<vmem>>, vector<1x16xi32>,
    %swap3A_117 = vector.shape_cast %swap3A_116 : vector<1x16xi32> to vector<16xi32>
    %swap3A_118 = vector.shape_cast %and3A_112 : vector<16xi32> to vector<1x16xi32>
    tpu.vector_store %arg6[%swap3A_114, %swap3A_115], %swap3A_118 {strides = array<i32>} : memref<8x128xi32, #tpu.memory_space<vmem>>, vector<1x16xi32>,
    %shift_right_logical3A_119 = arith.constant 14 : i32
    %shift_right_logical3A_120 = vector.broadcast %shift_right_logical3A_119 : i32 to vector<16xi32>
    %shift_right_logical3A_121 = arith.shrui %get3A_109, %shift_right_logical3A_120 : vector<16xi32>
    %swap3A_122 = arith.constant 1 : i32
    %swap3A_123 = arith.index_cast %swap3A_122 : i32 to index
    %swap3A_124 = arith.constant 64 : index
    %swap3A_125 = tpu.vector_load %arg6[%swap3A_123, %swap3A_124] {strides = array<i32>} : memref<8x128xi32, #tpu.memory_space<vmem>>, vector<1x16xi32>,
    %swap3A_126 = vector.shape_cast %swap3A_125 : vector<1x16xi32> to vector<16xi32>
    %swap3A_127 = vector.shape_cast %shift_right_logical3A_121 : vector<16xi32> to vector<1x16xi32>
    tpu.vector_store %arg6[%swap3A_123, %swap3A_124], %swap3A_127 {strides = array<i32>} : memref<8x128xi32, #tpu.memory_space<vmem>>, vector<1x16xi32>,
    %get3A_128 = arith.constant 0 : i32
    %get3A_129 = arith.index_cast %get3A_128 : i32 to index
    %get3A_130 = arith.constant 80 : index
    %get3A_131 = tpu.vector_load %arg5[%get3A_129, %get3A_130] {strides = array<i32>} : memref<79x128xi32, #tpu.memory_space<vmem>>, vector<1x16xi32>,
    %get3A_132 = vector.shape_cast %get3A_131 : vector<1x16xi32> to vector<16xi32>
    %and3A_133 = arith.constant 16383 : i32
    %and3A_134 = vector.broadcast %and3A_133 : i32 to vector<16xi32>
    %and3A_135 = arith.andi %get3A_132, %and3A_134 : vector<16xi32>
    %swap3A_136 = arith.constant 0 : i32
    %swap3A_137 = arith.index_cast %swap3A_136 : i32 to index
    %swap3A_138 = arith.constant 80 : index
    %swap3A_139 = tpu.vector_load %arg6[%swap3A_137, %swap3A_138] {strides = array<i32>} : memref<8x128xi32, #tpu.memory_space<vmem>>, vector<1x16xi32>,
    %swap3A_140 = vector.shape_cast %swap3A_139 : vector<1x16xi32> to vector<16xi32>
    %swap3A_141 = vector.shape_cast %and3A_135 : vector<16xi32> to vector<1x16xi32>
    tpu.vector_store %arg6[%swap3A_137, %swap3A_138], %swap3A_141 {strides = array<i32>} : memref<8x128xi32, #tpu.memory_space<vmem>>, vector<1x16xi32>,
    %shift_right_logical3A_142 = arith.constant 14 : i32
    %shift_right_logical3A_143 = vector.broadcast %shift_right_logical3A_142 : i32 to vector<16xi32>
    %shift_right_logical3A_144 = arith.shrui %get3A_132, %shift_right_logical3A_143 : vector<16xi32>
    %swap3A_145 = arith.constant 1 : i32
    %swap3A_146 = arith.index_cast %swap3A_145 : i32 to index
    %swap3A_147 = arith.constant 80 : index
    %swap3A_148 = tpu.vector_load %arg6[%swap3A_146, %swap3A_147] {strides = array<i32>} : memref<8x128xi32, #tpu.memory_space<vmem>>, vector<1x16xi32>,
    %swap3A_149 = vector.shape_cast %swap3A_148 : vector<1x16xi32> to vector<16xi32>
    %swap3A_150 = vector.shape_cast %shift_right_logical3A_144 : vector<16xi32> to vector<1x16xi32>
    tpu.vector_store %arg6[%swap3A_146, %swap3A_147], %swap3A_150 {strides = array<i32>} : memref<8x128xi32, #tpu.memory_space<vmem>>, vector<1x16xi32>,
    %get3A_151 = arith.constant 0 : i32
    %get3A_152 = arith.index_cast %get3A_151 : i32 to index
    %get3A_153 = arith.constant 96 : index
    %get3A_154 = tpu.vector_load %arg5[%get3A_152, %get3A_153] {strides = array<i32>} : memref<79x128xi32, #tpu.memory_space<vmem>>, vector<1x16xi32>,
    %get3A_155 = vector.shape_cast %get3A_154 : vector<1x16xi32> to vector<16xi32>
    %and3A_156 = arith.constant 16383 : i32
    %and3A_157 = vector.broadcast %and3A_156 : i32 to vector<16xi32>
    %and3A_158 = arith.andi %get3A_155, %and3A_157 : vector<16xi32>
    %swap3A_159 = arith.constant 0 : i32
    %swap3A_160 = arith.index_cast %swap3A_159 : i32 to index
    %swap3A_161 = arith.constant 96 : index
    %swap3A_162 = tpu.vector_load %arg6[%swap3A_160, %swap3A_161] {strides = array<i32>} : memref<8x128xi32, #tpu.memory_space<vmem>>, vector<1x16xi32>,
    %swap3A_163 = vector.shape_cast %swap3A_162 : vector<1x16xi32> to vector<16xi32>
    %swap3A_164 = vector.shape_cast %and3A_158 : vector<16xi32> to vector<1x16xi32>
    tpu.vector_store %arg6[%swap3A_160, %swap3A_161], %swap3A_164 {strides = array<i32>} : memref<8x128xi32, #tpu.memory_space<vmem>>, vector<1x16xi32>,
    %shift_right_logical3A_165 = arith.constant 14 : i32
    %shift_right_logical3A_166 = vector.broadcast %shift_right_logical3A_165 : i32 to vector<16xi32>
    %shift_right_logical3A_167 = arith.shrui %get3A_155, %shift_right_logical3A_166 : vector<16xi32>
    %swap3A_168 = arith.constant 1 : i32
    %swap3A_169 = arith.index_cast %swap3A_168 : i32 to index
    %swap3A_170 = arith.constant 96 : index
    %swap3A_171 = tpu.vector_load %arg6[%swap3A_169, %swap3A_170] {strides = array<i32>} : memref<8x128xi32, #tpu.memory_space<vmem>>, vector<1x16xi32>,
    %swap3A_172 = vector.shape_cast %swap3A_171 : vector<1x16xi32> to vector<16xi32>
    %swap3A_173 = vector.shape_cast %shift_right_logical3A_167 : vector<16xi32> to vector<1x16xi32>
    tpu.vector_store %arg6[%swap3A_169, %swap3A_170], %swap3A_173 {strides = array<i32>} : memref<8x128xi32, #tpu.memory_space<vmem>>, vector<1x16xi32>,
    %get3A_174 = arith.constant 0 : i32
    %get3A_175 = arith.index_cast %get3A_174 : i32 to index
    %get3A_176 = arith.constant 112 : index
    %get3A_177 = tpu.vector_load %arg5[%get3A_175, %get3A_176] {strides = array<i32>} : memref<79x128xi32, #tpu.memory_space<vmem>>, vector<1x16xi32>,
    %get3A_178 = vector.shape_cast %get3A_177 : vector<1x16xi32> to vector<16xi32>
    %and3A_179 = arith.constant 16383 : i32
    %and3A_180 = vector.broadcast %and3A_179 : i32 to vector<16xi32>
    %and3A_181 = arith.andi %get3A_178, %and3A_180 : vector<16xi32>
    %swap3A_182 = arith.constant 0 : i32
    %swap3A_183 = arith.index_cast %swap3A_182 : i32 to index
    %swap3A_184 = arith.constant 112 : index
    %swap3A_185 = tpu.vector_load %arg6[%swap3A_183, %swap3A_184] {strides = array<i32>} : memref<8x128xi32, #tpu.memory_space<vmem>>, vector<1x16xi32>,
    %swap3A_186 = vector.shape_cast %swap3A_185 : vector<1x16xi32> to vector<16xi32>
    %swap3A_187 = vector.shape_cast %and3A_181 : vector<16xi32> to vector<1x16xi32>
    tpu.vector_store %arg6[%swap3A_183, %swap3A_184], %swap3A_187 {strides = array<i32>} : memref<8x128xi32, #tpu.memory_space<vmem>>, vector<1x16xi32>,
    %shift_right_logical3A_188 = arith.constant 14 : i32
    %shift_right_logical3A_189 = vector.broadcast %shift_right_logical3A_188 : i32 to vector<16xi32>
    %shift_right_logical3A_190 = arith.shrui %get3A_178, %shift_right_logical3A_189 : vector<16xi32>
    %swap3A_191 = arith.constant 1 : i32
    %swap3A_192 = arith.index_cast %swap3A_191 : i32 to index
    %swap3A_193 = arith.constant 112 : index
    %swap3A_194 = tpu.vector_load %arg6[%swap3A_192, %swap3A_193] {strides = array<i32>} : memref<8x128xi32, #tpu.memory_space<vmem>>, vector<1x16xi32>,
    %swap3A_195 = vector.shape_cast %swap3A_194 : vector<1x16xi32> to vector<16xi32>
    %swap3A_196 = vector.shape_cast %shift_right_logical3A_190 : vector<16xi32> to vector<1x16xi32>
    tpu.vector_store %arg6[%swap3A_192, %swap3A_193], %swap3A_196 {strides = array<i32>} : memref<8x128xi32, #tpu.memory_space<vmem>>, vector<1x16xi32>,
    %dma_start3A = arith.constant 0 : i32
    %dma_start3A_197 = arith.constant 0 : i32
    %dma_start3A_198 = tpu.memref_slice %arg6[%dma_start3A, %dma_start3A_197] : memref<8x128xi32, #tpu.memory_space<vmem>> -> memref<1x128xi32, #tpu.memory_space<vmem>>
    %dma_start3A_199 = tpu.memref_squeeze %dma_start3A_198 : memref<1x128xi32, #tpu.memory_space<vmem>> -> memref<128xi32, #tpu.memory_space<vmem>>
    %dma_start3A_200 = arith.constant 0 : i32
    %dma_start3A_201 = arith.constant 0 : i32
    %dma_start3A_202 = tpu.memref_slice %arg2[%dma_start3A_200, %dma_start3A_201] : memref<10240x128xf32, #tpu.memory_space<hbm>> -> memref<10240x128xf32, #tpu.memory_space<hbm>>
    tpu.enqueue_indirect_dma source(%dma_start3A_202 : memref<10240x128xf32, #tpu.memory_space<hbm>>) target(%arg7 : memref<128x128xf32, #tpu.memory_space<vmem>>) offsets(%dma_start3A_199 : memref<128xi32, #tpu.memory_space<vmem>>) semaphore(%arg10 : memref<!tpu.dma_semaphore, #tpu.memory_space<semaphore_mem>>)
    %scan3A_203 = arith.constant 0 : i32
    %scan3A_204 = arith.constant 0 : i32
    %scan3A_205 = arith.constant 40 : i32
    %scan3A_206 = arith.addi %scan3A_204, %scan3A_205 : i32
    %scan3A_207 = arith.constant 1 : i32
    %scan3A_208 = scf.for %scan3A_224 = %scan3A_204 to %scan3A_206 step %scan3A_207 iter_args(%scan3A_225 = %scan3A_203) -> (i32)  : i32 {
      %mul3A_226 = arith.constant 2 : i32
      %mul3A_227 = arith.muli %scan3A_224, %mul3A_226 : i32
      %add3A_228 = arith.constant 0 : i32
      %add3A_229 = arith.addi %mul3A_227, %add3A_228 : i32
      %lt3A = arith.constant 79 : i32
      %lt3A_230 = arith.cmpi slt, %add3A_229, %lt3A : i32
      %convert_element_type3A = arith.extui %lt3A_230 : i1 to i32
      %cond3A = arith.constant 0 : i32
      %cond3A_231 = arith.cmpi ne, %convert_element_type3A, %cond3A : i32
      scf.if %cond3A_231 {
        %add3A_242 = arith.constant 1 : i32
        %add3A_243 = arith.addi %add3A_229, %add3A_242 : i32
        %lt3A_244 = arith.constant 79 : i32
        %lt3A_245 = arith.cmpi slt, %add3A_243, %lt3A_244 : i32
        %convert_element_type3A_246 = arith.extui %lt3A_245 : i1 to i32
        %cond3A_247 = arith.constant 0 : i32
        %cond3A_248 = arith.cmpi ne, %convert_element_type3A_246, %cond3A_247 : i32
        scf.if %cond3A_248 {
          %ge3A = arith.constant 2 : i32
          %ge3A_263 = arith.cmpi sge, %add3A_243, %ge3A : i32
          %convert_element_type3A_264 = arith.extui %ge3A_263 : i1 to i32
          %cond3A_265 = arith.constant 0 : i32
          %cond3A_266 = arith.cmpi ne, %convert_element_type3A_264, %cond3A_265 : i32
          scf.if %cond3A_266 {
            %dma_wait3A_450 = arith.constant 3 : i32
            %dma_wait3A_451 = arith.constant 0 : i32
            %dma_wait3A_452 = tpu.memref_slice %arg6[%dma_wait3A_450, %dma_wait3A_451] : memref<8x128xi32, #tpu.memory_space<vmem>> -> memref<1x128xi32, #tpu.memory_space<vmem>>
            %dma_wait3A_453 = tpu.memref_squeeze %dma_wait3A_452 : memref<1x128xi32, #tpu.memory_space<vmem>> -> memref<128xi32, #tpu.memory_space<vmem>>
            %dma_wait3A_454 = arith.constant 0 : i32
            %dma_wait3A_455 = arith.constant 0 : i32
            %dma_wait3A_456 = tpu.memref_slice %arg9[%dma_wait3A_454, %dma_wait3A_455] : memref<10240x128xf32, #tpu.memory_space<vmem_shared>> -> memref<10240x128xf32, #tpu.memory_space<vmem_shared>>
            tpu.wait_indirect_dma semaphore(%arg13 : memref<!tpu.dma_semaphore, #tpu.memory_space<semaphore_mem>>) src(%arg8 : memref<128x128xf32, #tpu.memory_space<vmem>>) dst(%dma_wait3A_456 : memref<10240x128xf32, #tpu.memory_space<vmem_shared>>)
          } else {
          }
          %get3A_267 = arith.index_cast %add3A_243 : i32 to index
          %get3A_268 = arith.constant 0 : index
          %get3A_269 = tpu.vector_load %arg5[%get3A_267, %get3A_268] {strides = array<i32>} : memref<79x128xi32, #tpu.memory_space<vmem>>, vector<1x16xi32>,
          %get3A_270 = vector.shape_cast %get3A_269 : vector<1x16xi32> to vector<16xi32>
          %and3A_271 = arith.constant 16383 : i32
          %and3A_272 = vector.broadcast %and3A_271 : i32 to vector<16xi32>
          %and3A_273 = arith.andi %get3A_270, %and3A_272 : vector<16xi32>
          %swap3A_274 = arith.constant 2 : i32
          %swap3A_275 = arith.index_cast %swap3A_274 : i32 to index
          %swap3A_276 = arith.constant 0 : index
          %swap3A_277 = tpu.vector_load %arg6[%swap3A_275, %swap3A_276] {strides = array<i32>} : memref<8x128xi32, #tpu.memory_space<vmem>>, vector<1x16xi32>,
          %swap3A_278 = vector.shape_cast %swap3A_277 : vector<1x16xi32> to vector<16xi32>
          %swap3A_279 = vector.shape_cast %and3A_273 : vector<16xi32> to vector<1x16xi32>
          tpu.vector_store %arg6[%swap3A_275, %swap3A_276], %swap3A_279 {strides = array<i32>} : memref<8x128xi32, #tpu.memory_space<vmem>>, vector<1x16xi32>,
          %shift_right_logical3A_280 = arith.constant 14 : i32
          %shift_right_logical3A_281 = vector.broadcast %shift_right_logical3A_280 : i32 to vector<16xi32>
          %shift_right_logical3A_282 = arith.shrui %get3A_270, %shift_right_logical3A_281 : vector<16xi32>
          %swap3A_283 = arith.constant 3 : i32
          %swap3A_284 = arith.index_cast %swap3A_283 : i32 to index
          %swap3A_285 = arith.constant 0 : index
          %swap3A_286 = tpu.vector_load %arg6[%swap3A_284, %swap3A_285] {strides = array<i32>} : memref<8x128xi32, #tpu.memory_space<vmem>>, vector<1x16xi32>,
          %swap3A_287 = vector.shape_cast %swap3A_286 : vector<1x16xi32> to vector<16xi32>
          %swap3A_288 = vector.shape_cast %shift_right_logical3A_282 : vector<16xi32> to vector<1x16xi32>
          tpu.vector_store %arg6[%swap3A_284, %swap3A_285], %swap3A_288 {strides = array<i32>} : memref<8x128xi32, #tpu.memory_space<vmem>>, vector<1x16xi32>,
          %get3A_289 = arith.index_cast %add3A_243 : i32 to index
          %get3A_290 = arith.constant 16 : index
          %get3A_291 = tpu.vector_load %arg5[%get3A_289, %get3A_290] {strides = array<i32>} : memref<79x128xi32, #tpu.memory_space<vmem>>, vector<1x16xi32>,
          %get3A_292 = vector.shape_cast %get3A_291 : vector<1x16xi32> to vector<16xi32>
          %and3A_293 = arith.constant 16383 : i32
          %and3A_294 = vector.broadcast %and3A_293 : i32 to vector<16xi32>
          %and3A_295 = arith.andi %get3A_292, %and3A_294 : vector<16xi32>
          %swap3A_296 = arith.constant 2 : i32
          %swap3A_297 = arith.index_cast %swap3A_296 : i32 to index
          %swap3A_298 = arith.constant 16 : index
          %swap3A_299 = tpu.vector_load %arg6[%swap3A_297, %swap3A_298] {strides = array<i32>} : memref<8x128xi32, #tpu.memory_space<vmem>>, vector<1x16xi32>,
          %swap3A_300 = vector.shape_cast %swap3A_299 : vector<1x16xi32> to vector<16xi32>
          %swap3A_301 = vector.shape_cast %and3A_295 : vector<16xi32> to vector<1x16xi32>
          tpu.vector_store %arg6[%swap3A_297, %swap3A_298], %swap3A_301 {strides = array<i32>} : memref<8x128xi32, #tpu.memory_space<vmem>>, vector<1x16xi32>,
          %shift_right_logical3A_302 = arith.constant 14 : i32
          %shift_right_logical3A_303 = vector.broadcast %shift_right_logical3A_302 : i32 to vector<16xi32>
          %shift_right_logical3A_304 = arith.shrui %get3A_292, %shift_right_logical3A_303 : vector<16xi32>
          %swap3A_305 = arith.constant 3 : i32
          %swap3A_306 = arith.index_cast %swap3A_305 : i32 to index
          %swap3A_307 = arith.constant 16 : index
          %swap3A_308 = tpu.vector_load %arg6[%swap3A_306, %swap3A_307] {strides = array<i32>} : memref<8x128xi32, #tpu.memory_space<vmem>>, vector<1x16xi32>,
          %swap3A_309 = vector.shape_cast %swap3A_308 : vector<1x16xi32> to vector<16xi32>
          %swap3A_310 = vector.shape_cast %shift_right_logical3A_304 : vector<16xi32> to vector<1x16xi32>
          tpu.vector_store %arg6[%swap3A_306, %swap3A_307], %swap3A_310 {strides = array<i32>} : memref<8x128xi32, #tpu.memory_space<vmem>>, vector<1x16xi32>,
          %get3A_311 = arith.index_cast %add3A_243 : i32 to index
          %get3A_312 = arith.constant 32 : index
          %get3A_313 = tpu.vector_load %arg5[%get3A_311, %get3A_312] {strides = array<i32>} : memref<79x128xi32, #tpu.memory_space<vmem>>, vector<1x16xi32>,
          %get3A_314 = vector.shape_cast %get3A_313 : vector<1x16xi32> to vector<16xi32>
          %and3A_315 = arith.constant 16383 : i32
          %and3A_316 = vector.broadcast %and3A_315 : i32 to vector<16xi32>
          %and3A_317 = arith.andi %get3A_314, %and3A_316 : vector<16xi32>
          %swap3A_318 = arith.constant 2 : i32
          %swap3A_319 = arith.index_cast %swap3A_318 : i32 to index
          %swap3A_320 = arith.constant 32 : index
          %swap3A_321 = tpu.vector_load %arg6[%swap3A_319, %swap3A_320] {strides = array<i32>} : memref<8x128xi32, #tpu.memory_space<vmem>>, vector<1x16xi32>,
          %swap3A_322 = vector.shape_cast %swap3A_321 : vector<1x16xi32> to vector<16xi32>
          %swap3A_323 = vector.shape_cast %and3A_317 : vector<16xi32> to vector<1x16xi32>
          tpu.vector_store %arg6[%swap3A_319, %swap3A_320], %swap3A_323 {strides = array<i32>} : memref<8x128xi32, #tpu.memory_space<vmem>>, vector<1x16xi32>,
          %shift_right_logical3A_324 = arith.constant 14 : i32
          %shift_right_logical3A_325 = vector.broadcast %shift_right_logical3A_324 : i32 to vector<16xi32>
          %shift_right_logical3A_326 = arith.shrui %get3A_314, %shift_right_logical3A_325 : vector<16xi32>
          %swap3A_327 = arith.constant 3 : i32
          %swap3A_328 = arith.index_cast %swap3A_327 : i32 to index
          %swap3A_329 = arith.constant 32 : index
          %swap3A_330 = tpu.vector_load %arg6[%swap3A_328, %swap3A_329] {strides = array<i32>} : memref<8x128xi32, #tpu.memory_space<vmem>>, vector<1x16xi32>,
          %swap3A_331 = vector.shape_cast %swap3A_330 : vector<1x16xi32> to vector<16xi32>
          %swap3A_332 = vector.shape_cast %shift_right_logical3A_326 : vector<16xi32> to vector<1x16xi32>
          tpu.vector_store %arg6[%swap3A_328, %swap3A_329], %swap3A_332 {strides = array<i32>} : memref<8x128xi32, #tpu.memory_space<vmem>>, vector<1x16xi32>,
          %get3A_333 = arith.index_cast %add3A_243 : i32 to index
          %get3A_334 = arith.constant 48 : index
          %get3A_335 = tpu.vector_load %arg5[%get3A_333, %get3A_334] {strides = array<i32>} : memref<79x128xi32, #tpu.memory_space<vmem>>, vector<1x16xi32>,
          %get3A_336 = vector.shape_cast %get3A_335 : vector<1x16xi32> to vector<16xi32>
          %and3A_337 = arith.constant 16383 : i32
          %and3A_338 = vector.broadcast %and3A_337 : i32 to vector<16xi32>
          %and3A_339 = arith.andi %get3A_336, %and3A_338 : vector<16xi32>
          %swap3A_340 = arith.constant 2 : i32
          %swap3A_341 = arith.index_cast %swap3A_340 : i32 to index
          %swap3A_342 = arith.constant 48 : index
          %swap3A_343 = tpu.vector_load %arg6[%swap3A_341, %swap3A_342] {strides = array<i32>} : memref<8x128xi32, #tpu.memory_space<vmem>>, vector<1x16xi32>,
          %swap3A_344 = vector.shape_cast %swap3A_343 : vector<1x16xi32> to vector<16xi32>
          %swap3A_345 = vector.shape_cast %and3A_339 : vector<16xi32> to vector<1x16xi32>
          tpu.vector_store %arg6[%swap3A_341, %swap3A_342], %swap3A_345 {strides = array<i32>} : memref<8x128xi32, #tpu.memory_space<vmem>>, vector<1x16xi32>,
          %shift_right_logical3A_346 = arith.constant 14 : i32
          %shift_right_logical3A_347 = vector.broadcast %shift_right_logical3A_346 : i32 to vector<16xi32>
          %shift_right_logical3A_348 = arith.shrui %get3A_336, %shift_right_logical3A_347 : vector<16xi32>
          %swap3A_349 = arith.constant 3 : i32
          %swap3A_350 = arith.index_cast %swap3A_349 : i32 to index
          %swap3A_351 = arith.constant 48 : index
          %swap3A_352 = tpu.vector_load %arg6[%swap3A_350, %swap3A_351] {strides = array<i32>} : memref<8x128xi32, #tpu.memory_space<vmem>>, vector<1x16xi32>,
          %swap3A_353 = vector.shape_cast %swap3A_352 : vector<1x16xi32> to vector<16xi32>
          %swap3A_354 = vector.shape_cast %shift_right_logical3A_348 : vector<16xi32> to vector<1x16xi32>
          tpu.vector_store %arg6[%swap3A_350, %swap3A_351], %swap3A_354 {strides = array<i32>} : memref<8x128xi32, #tpu.memory_space<vmem>>, vector<1x16xi32>,
          %get3A_355 = arith.index_cast %add3A_243 : i32 to index
          %get3A_356 = arith.constant 64 : index
          %get3A_357 = tpu.vector_load %arg5[%get3A_355, %get3A_356] {strides = array<i32>} : memref<79x128xi32, #tpu.memory_space<vmem>>, vector<1x16xi32>,
          %get3A_358 = vector.shape_cast %get3A_357 : vector<1x16xi32> to vector<16xi32>
          %and3A_359 = arith.constant 16383 : i32
          %and3A_360 = vector.broadcast %and3A_359 : i32 to vector<16xi32>
          %and3A_361 = arith.andi %get3A_358, %and3A_360 : vector<16xi32>
          %swap3A_362 = arith.constant 2 : i32
          %swap3A_363 = arith.index_cast %swap3A_362 : i32 to index
          %swap3A_364 = arith.constant 64 : index
          %swap3A_365 = tpu.vector_load %arg6[%swap3A_363, %swap3A_364] {strides = array<i32>} : memref<8x128xi32, #tpu.memory_space<vmem>>, vector<1x16xi32>,
          %swap3A_366 = vector.shape_cast %swap3A_365 : vector<1x16xi32> to vector<16xi32>
          %swap3A_367 = vector.shape_cast %and3A_361 : vector<16xi32> to vector<1x16xi32>
          tpu.vector_store %arg6[%swap3A_363, %swap3A_364], %swap3A_367 {strides = array<i32>} : memref<8x128xi32, #tpu.memory_space<vmem>>, vector<1x16xi32>,
          %shift_right_logical3A_368 = arith.constant 14 : i32
          %shift_right_logical3A_369 = vector.broadcast %shift_right_logical3A_368 : i32 to vector<16xi32>
          %shift_right_logical3A_370 = arith.shrui %get3A_358, %shift_right_logical3A_369 : vector<16xi32>
          %swap3A_371 = arith.constant 3 : i32
          %swap3A_372 = arith.index_cast %swap3A_371 : i32 to index
          %swap3A_373 = arith.constant 64 : index
          %swap3A_374 = tpu.vector_load %arg6[%swap3A_372, %swap3A_373] {strides = array<i32>} : memref<8x128xi32, #tpu.memory_space<vmem>>, vector<1x16xi32>,
          %swap3A_375 = vector.shape_cast %swap3A_374 : vector<1x16xi32> to vector<16xi32>
          %swap3A_376 = vector.shape_cast %shift_right_logical3A_370 : vector<16xi32> to vector<1x16xi32>
          tpu.vector_store %arg6[%swap3A_372, %swap3A_373], %swap3A_376 {strides = array<i32>} : memref<8x128xi32, #tpu.memory_space<vmem>>, vector<1x16xi32>,
          %get3A_377 = arith.index_cast %add3A_243 : i32 to index
          %get3A_378 = arith.constant 80 : index
          %get3A_379 = tpu.vector_load %arg5[%get3A_377, %get3A_378] {strides = array<i32>} : memref<79x128xi32, #tpu.memory_space<vmem>>, vector<1x16xi32>,
          %get3A_380 = vector.shape_cast %get3A_379 : vector<1x16xi32> to vector<16xi32>
          %and3A_381 = arith.constant 16383 : i32
          %and3A_382 = vector.broadcast %and3A_381 : i32 to vector<16xi32>
          %and3A_383 = arith.andi %get3A_380, %and3A_382 : vector<16xi32>
          %swap3A_384 = arith.constant 2 : i32
          %swap3A_385 = arith.index_cast %swap3A_384 : i32 to index
          %swap3A_386 = arith.constant 80 : index
          %swap3A_387 = tpu.vector_load %arg6[%swap3A_385, %swap3A_386] {strides = array<i32>} : memref<8x128xi32, #tpu.memory_space<vmem>>, vector<1x16xi32>,
          %swap3A_388 = vector.shape_cast %swap3A_387 : vector<1x16xi32> to vector<16xi32>
          %swap3A_389 = vector.shape_cast %and3A_383 : vector<16xi32> to vector<1x16xi32>
          tpu.vector_store %arg6[%swap3A_385, %swap3A_386], %swap3A_389 {strides = array<i32>} : memref<8x128xi32, #tpu.memory_space<vmem>>, vector<1x16xi32>,
          %shift_right_logical3A_390 = arith.constant 14 : i32
          %shift_right_logical3A_391 = vector.broadcast %shift_right_logical3A_390 : i32 to vector<16xi32>
          %shift_right_logical3A_392 = arith.shrui %get3A_380, %shift_right_logical3A_391 : vector<16xi32>
          %swap3A_393 = arith.constant 3 : i32
          %swap3A_394 = arith.index_cast %swap3A_393 : i32 to index
          %swap3A_395 = arith.constant 80 : index
          %swap3A_396 = tpu.vector_load %arg6[%swap3A_394, %swap3A_395] {strides = array<i32>} : memref<8x128xi32, #tpu.memory_space<vmem>>, vector<1x16xi32>,
          %swap3A_397 = vector.shape_cast %swap3A_396 : vector<1x16xi32> to vector<16xi32>
          %swap3A_398 = vector.shape_cast %shift_right_logical3A_392 : vector<16xi32> to vector<1x16xi32>
          tpu.vector_store %arg6[%swap3A_394, %swap3A_395], %swap3A_398 {strides = array<i32>} : memref<8x128xi32, #tpu.memory_space<vmem>>, vector<1x16xi32>,
          %get3A_399 = arith.index_cast %add3A_243 : i32 to index
          %get3A_400 = arith.constant 96 : index
          %get3A_401 = tpu.vector_load %arg5[%get3A_399, %get3A_400] {strides = array<i32>} : memref<79x128xi32, #tpu.memory_space<vmem>>, vector<1x16xi32>,
          %get3A_402 = vector.shape_cast %get3A_401 : vector<1x16xi32> to vector<16xi32>
          %and3A_403 = arith.constant 16383 : i32
          %and3A_404 = vector.broadcast %and3A_403 : i32 to vector<16xi32>
          %and3A_405 = arith.andi %get3A_402, %and3A_404 : vector<16xi32>
          %swap3A_406 = arith.constant 2 : i32
          %swap3A_407 = arith.index_cast %swap3A_406 : i32 to index
          %swap3A_408 = arith.constant 96 : index
          %swap3A_409 = tpu.vector_load %arg6[%swap3A_407, %swap3A_408] {strides = array<i32>} : memref<8x128xi32, #tpu.memory_space<vmem>>, vector<1x16xi32>,
          %swap3A_410 = vector.shape_cast %swap3A_409 : vector<1x16xi32> to vector<16xi32>
          %swap3A_411 = vector.shape_cast %and3A_405 : vector<16xi32> to vector<1x16xi32>
          tpu.vector_store %arg6[%swap3A_407, %swap3A_408], %swap3A_411 {strides = array<i32>} : memref<8x128xi32, #tpu.memory_space<vmem>>, vector<1x16xi32>,
          %shift_right_logical3A_412 = arith.constant 14 : i32
          %shift_right_logical3A_413 = vector.broadcast %shift_right_logical3A_412 : i32 to vector<16xi32>
          %shift_right_logical3A_414 = arith.shrui %get3A_402, %shift_right_logical3A_413 : vector<16xi32>
          %swap3A_415 = arith.constant 3 : i32
          %swap3A_416 = arith.index_cast %swap3A_415 : i32 to index
          %swap3A_417 = arith.constant 96 : index
          %swap3A_418 = tpu.vector_load %arg6[%swap3A_416, %swap3A_417] {strides = array<i32>} : memref<8x128xi32, #tpu.memory_space<vmem>>, vector<1x16xi32>,
          %swap3A_419 = vector.shape_cast %swap3A_418 : vector<1x16xi32> to vector<16xi32>
          %swap3A_420 = vector.shape_cast %shift_right_logical3A_414 : vector<16xi32> to vector<1x16xi32>
          tpu.vector_store %arg6[%swap3A_416, %swap3A_417], %swap3A_420 {strides = array<i32>} : memref<8x128xi32, #tpu.memory_space<vmem>>, vector<1x16xi32>,
          %get3A_421 = arith.index_cast %add3A_243 : i32 to index
          %get3A_422 = arith.constant 112 : index
          %get3A_423 = tpu.vector_load %arg5[%get3A_421, %get3A_422] {strides = array<i32>} : memref<79x128xi32, #tpu.memory_space<vmem>>, vector<1x16xi32>,
          %get3A_424 = vector.shape_cast %get3A_423 : vector<1x16xi32> to vector<16xi32>
          %and3A_425 = arith.constant 16383 : i32
          %and3A_426 = vector.broadcast %and3A_425 : i32 to vector<16xi32>
          %and3A_427 = arith.andi %get3A_424, %and3A_426 : vector<16xi32>
          %swap3A_428 = arith.constant 2 : i32
          %swap3A_429 = arith.index_cast %swap3A_428 : i32 to index
          %swap3A_430 = arith.constant 112 : index
          %swap3A_431 = tpu.vector_load %arg6[%swap3A_429, %swap3A_430] {strides = array<i32>} : memref<8x128xi32, #tpu.memory_space<vmem>>, vector<1x16xi32>,
          %swap3A_432 = vector.shape_cast %swap3A_431 : vector<1x16xi32> to vector<16xi32>
          %swap3A_433 = vector.shape_cast %and3A_427 : vector<16xi32> to vector<1x16xi32>
          tpu.vector_store %arg6[%swap3A_429, %swap3A_430], %swap3A_433 {strides = array<i32>} : memref<8x128xi32, #tpu.memory_space<vmem>>, vector<1x16xi32>,
          %shift_right_logical3A_434 = arith.constant 14 : i32
          %shift_right_logical3A_435 = vector.broadcast %shift_right_logical3A_434 : i32 to vector<16xi32>
          %shift_right_logical3A_436 = arith.shrui %get3A_424, %shift_right_logical3A_435 : vector<16xi32>
          %swap3A_437 = arith.constant 3 : i32
          %swap3A_438 = arith.index_cast %swap3A_437 : i32 to index
          %swap3A_439 = arith.constant 112 : index
          %swap3A_440 = tpu.vector_load %arg6[%swap3A_438, %swap3A_439] {strides = array<i32>} : memref<8x128xi32, #tpu.memory_space<vmem>>, vector<1x16xi32>,
          %swap3A_441 = vector.shape_cast %swap3A_440 : vector<1x16xi32> to vector<16xi32>
          %swap3A_442 = vector.shape_cast %shift_right_logical3A_436 : vector<16xi32> to vector<1x16xi32>
          tpu.vector_store %arg6[%swap3A_438, %swap3A_439], %swap3A_442 {strides = array<i32>} : memref<8x128xi32, #tpu.memory_space<vmem>>, vector<1x16xi32>,
          %dma_start3A_443 = arith.constant 2 : i32
          %dma_start3A_444 = arith.constant 0 : i32
          %dma_start3A_445 = tpu.memref_slice %arg6[%dma_start3A_443, %dma_start3A_444] : memref<8x128xi32, #tpu.memory_space<vmem>> -> memref<1x128xi32, #tpu.memory_space<vmem>>
          %dma_start3A_446 = tpu.memref_squeeze %dma_start3A_445 : memref<1x128xi32, #tpu.memory_space<vmem>> -> memref<128xi32, #tpu.memory_space<vmem>>
          %dma_start3A_447 = arith.constant 0 : i32
          %dma_start3A_448 = arith.constant 0 : i32
          %dma_start3A_449 = tpu.memref_slice %arg2[%dma_start3A_447, %dma_start3A_448] : memref<10240x128xf32, #tpu.memory_space<hbm>> -> memref<10240x128xf32, #tpu.memory_space<hbm>>
          tpu.enqueue_indirect_dma source(%dma_start3A_449 : memref<10240x128xf32, #tpu.memory_space<hbm>>) target(%arg8 : memref<128x128xf32, #tpu.memory_space<vmem>>) offsets(%dma_start3A_446 : memref<128xi32, #tpu.memory_space<vmem>>) semaphore(%arg11 : memref<!tpu.dma_semaphore, #tpu.memory_space<semaphore_mem>>)
        } else {
        }
        %dma_wait3A_249 = arith.constant 0 : i32
        %dma_wait3A_250 = arith.constant 0 : i32
        %dma_wait3A_251 = tpu.memref_slice %arg6[%dma_wait3A_249, %dma_wait3A_250] : memref<8x128xi32, #tpu.memory_space<vmem>> -> memref<1x128xi32, #tpu.memory_space<vmem>>
        %dma_wait3A_252 = tpu.memref_squeeze %dma_wait3A_251 : memref<1x128xi32, #tpu.memory_space<vmem>> -> memref<128xi32, #tpu.memory_space<vmem>>
        %dma_wait3A_253 = arith.constant 0 : i32
        %dma_wait3A_254 = arith.constant 0 : i32
        %dma_wait3A_255 = tpu.memref_slice %arg2[%dma_wait3A_253, %dma_wait3A_254] : memref<10240x128xf32, #tpu.memory_space<hbm>> -> memref<10240x128xf32, #tpu.memory_space<hbm>>
        tpu.wait_indirect_dma semaphore(%arg10 : memref<!tpu.dma_semaphore, #tpu.memory_space<semaphore_mem>>) src(%dma_wait3A_255 : memref<10240x128xf32, #tpu.memory_space<hbm>>) dst(%arg7 : memref<128x128xf32, #tpu.memory_space<vmem>>)
        %dma_start3A_256 = arith.constant 1 : i32
        %dma_start3A_257 = arith.constant 0 : i32
        %dma_start3A_258 = tpu.memref_slice %arg6[%dma_start3A_256, %dma_start3A_257] : memref<8x128xi32, #tpu.memory_space<vmem>> -> memref<1x128xi32, #tpu.memory_space<vmem>>
        %dma_start3A_259 = tpu.memref_squeeze %dma_start3A_258 : memref<1x128xi32, #tpu.memory_space<vmem>> -> memref<128xi32, #tpu.memory_space<vmem>>
        %dma_start3A_260 = arith.constant 0 : i32
        %dma_start3A_261 = arith.constant 0 : i32
        %dma_start3A_262 = tpu.memref_slice %arg9[%dma_start3A_260, %dma_start3A_261] : memref<10240x128xf32, #tpu.memory_space<vmem_shared>> -> memref<10240x128xf32, #tpu.memory_space<vmem_shared>>
        tpu.enqueue_indirect_dma source(%arg7 : memref<128x128xf32, #tpu.memory_space<vmem>>) target(%dma_start3A_262 : memref<10240x128xf32, #tpu.memory_space<vmem_shared>>) offsets(%dma_start3A_259 : memref<128xi32, #tpu.memory_space<vmem>>) semaphore(%arg12 : memref<!tpu.dma_semaphore, #tpu.memory_space<semaphore_mem>>) {add = true}
      } else {
      }
      %mul3A_232 = arith.constant 2 : i32
      %mul3A_233 = arith.muli %scan3A_224, %mul3A_232 : i32
      %add3A_234 = arith.constant 1 : i32
      %add3A_235 = arith.addi %mul3A_233, %add3A_234 : i32
      %lt3A_236 = arith.constant 79 : i32
      %lt3A_237 = arith.cmpi slt, %add3A_235, %lt3A_236 : i32
      %convert_element_type3A_238 = arith.extui %lt3A_237 : i1 to i32
      %cond3A_239 = arith.constant 0 : i32
      %cond3A_240 = arith.cmpi ne, %convert_element_type3A_238, %cond3A_239 : i32
      scf.if %cond3A_240 {
        %add3A_242 = arith.constant 1 : i32
        %add3A_243 = arith.addi %add3A_235, %add3A_242 : i32
        %lt3A_244 = arith.constant 79 : i32
        %lt3A_245 = arith.cmpi slt, %add3A_243, %lt3A_244 : i32
        %convert_element_type3A_246 = arith.extui %lt3A_245 : i1 to i32
        %cond3A_247 = arith.constant 0 : i32
        %cond3A_248 = arith.cmpi ne, %convert_element_type3A_246, %cond3A_247 : i32
        scf.if %cond3A_248 {
          %ge3A = arith.constant 2 : i32
          %ge3A_263 = arith.cmpi sge, %add3A_243, %ge3A : i32
          %convert_element_type3A_264 = arith.extui %ge3A_263 : i1 to i32
          %cond3A_265 = arith.constant 0 : i32
          %cond3A_266 = arith.cmpi ne, %convert_element_type3A_264, %cond3A_265 : i32
          scf.if %cond3A_266 {
            %dma_wait3A_450 = arith.constant 1 : i32
            %dma_wait3A_451 = arith.constant 0 : i32
            %dma_wait3A_452 = tpu.memref_slice %arg6[%dma_wait3A_450, %dma_wait3A_451] : memref<8x128xi32, #tpu.memory_space<vmem>> -> memref<1x128xi32, #tpu.memory_space<vmem>>
            %dma_wait3A_453 = tpu.memref_squeeze %dma_wait3A_452 : memref<1x128xi32, #tpu.memory_space<vmem>> -> memref<128xi32, #tpu.memory_space<vmem>>
            %dma_wait3A_454 = arith.constant 0 : i32
            %dma_wait3A_455 = arith.constant 0 : i32
            %dma_wait3A_456 = tpu.memref_slice %arg9[%dma_wait3A_454, %dma_wait3A_455] : memref<10240x128xf32, #tpu.memory_space<vmem_shared>> -> memref<10240x128xf32, #tpu.memory_space<vmem_shared>>
            tpu.wait_indirect_dma semaphore(%arg12 : memref<!tpu.dma_semaphore, #tpu.memory_space<semaphore_mem>>) src(%arg7 : memref<128x128xf32, #tpu.memory_space<vmem>>) dst(%dma_wait3A_456 : memref<10240x128xf32, #tpu.memory_space<vmem_shared>>)
          } else {
          }
          %get3A_267 = arith.index_cast %add3A_243 : i32 to index
          %get3A_268 = arith.constant 0 : index
          %get3A_269 = tpu.vector_load %arg5[%get3A_267, %get3A_268] {strides = array<i32>} : memref<79x128xi32, #tpu.memory_space<vmem>>, vector<1x16xi32>,
          %get3A_270 = vector.shape_cast %get3A_269 : vector<1x16xi32> to vector<16xi32>
          %and3A_271 = arith.constant 16383 : i32
          %and3A_272 = vector.broadcast %and3A_271 : i32 to vector<16xi32>
          %and3A_273 = arith.andi %get3A_270, %and3A_272 : vector<16xi32>
          %swap3A_274 = arith.constant 0 : i32
          %swap3A_275 = arith.index_cast %swap3A_274 : i32 to index
          %swap3A_276 = arith.constant 0 : index
          %swap3A_277 = tpu.vector_load %arg6[%swap3A_275, %swap3A_276] {strides = array<i32>} : memref<8x128xi32, #tpu.memory_space<vmem>>, vector<1x16xi32>,
          %swap3A_278 = vector.shape_cast %swap3A_277 : vector<1x16xi32> to vector<16xi32>
          %swap3A_279 = vector.shape_cast %and3A_273 : vector<16xi32> to vector<1x16xi32>
          tpu.vector_store %arg6[%swap3A_275, %swap3A_276], %swap3A_279 {strides = array<i32>} : memref<8x128xi32, #tpu.memory_space<vmem>>, vector<1x16xi32>,
          %shift_right_logical3A_280 = arith.constant 14 : i32
          %shift_right_logical3A_281 = vector.broadcast %shift_right_logical3A_280 : i32 to vector<16xi32>
          %shift_right_logical3A_282 = arith.shrui %get3A_270, %shift_right_logical3A_281 : vector<16xi32>
          %swap3A_283 = arith.constant 1 : i32
          %swap3A_284 = arith.index_cast %swap3A_283 : i32 to index
          %swap3A_285 = arith.constant 0 : index
          %swap3A_286 = tpu.vector_load %arg6[%swap3A_284, %swap3A_285] {strides = array<i32>} : memref<8x128xi32, #tpu.memory_space<vmem>>, vector<1x16xi32>,
          %swap3A_287 = vector.shape_cast %swap3A_286 : vector<1x16xi32> to vector<16xi32>
          %swap3A_288 = vector.shape_cast %shift_right_logical3A_282 : vector<16xi32> to vector<1x16xi32>
          tpu.vector_store %arg6[%swap3A_284, %swap3A_285], %swap3A_288 {strides = array<i32>} : memref<8x128xi32, #tpu.memory_space<vmem>>, vector<1x16xi32>,
          %get3A_289 = arith.index_cast %add3A_243 : i32 to index
          %get3A_290 = arith.constant 16 : index
          %get3A_291 = tpu.vector_load %arg5[%get3A_289, %get3A_290] {strides = array<i32>} : memref<79x128xi32, #tpu.memory_space<vmem>>, vector<1x16xi32>,
          %get3A_292 = vector.shape_cast %get3A_291 : vector<1x16xi32> to vector<16xi32>
          %and3A_293 = arith.constant 16383 : i32
          %and3A_294 = vector.broadcast %and3A_293 : i32 to vector<16xi32>
          %and3A_295 = arith.andi %get3A_292, %and3A_294 : vector<16xi32>
          %swap3A_296 = arith.constant 0 : i32
          %swap3A_297 = arith.index_cast %swap3A_296 : i32 to index
          %swap3A_298 = arith.constant 16 : index
          %swap3A_299 = tpu.vector_load %arg6[%swap3A_297, %swap3A_298] {strides = array<i32>} : memref<8x128xi32, #tpu.memory_space<vmem>>, vector<1x16xi32>,
          %swap3A_300 = vector.shape_cast %swap3A_299 : vector<1x16xi32> to vector<16xi32>
          %swap3A_301 = vector.shape_cast %and3A_295 : vector<16xi32> to vector<1x16xi32>
          tpu.vector_store %arg6[%swap3A_297, %swap3A_298], %swap3A_301 {strides = array<i32>} : memref<8x128xi32, #tpu.memory_space<vmem>>, vector<1x16xi32>,
          %shift_right_logical3A_302 = arith.constant 14 : i32
          %shift_right_logical3A_303 = vector.broadcast %shift_right_logical3A_302 : i32 to vector<16xi32>
          %shift_right_logical3A_304 = arith.shrui %get3A_292, %shift_right_logical3A_303 : vector<16xi32>
          %swap3A_305 = arith.constant 1 : i32
          %swap3A_306 = arith.index_cast %swap3A_305 : i32 to index
          %swap3A_307 = arith.constant 16 : index
          %swap3A_308 = tpu.vector_load %arg6[%swap3A_306, %swap3A_307] {strides = array<i32>} : memref<8x128xi32, #tpu.memory_space<vmem>>, vector<1x16xi32>,
          %swap3A_309 = vector.shape_cast %swap3A_308 : vector<1x16xi32> to vector<16xi32>
          %swap3A_310 = vector.shape_cast %shift_right_logical3A_304 : vector<16xi32> to vector<1x16xi32>
          tpu.vector_store %arg6[%swap3A_306, %swap3A_307], %swap3A_310 {strides = array<i32>} : memref<8x128xi32, #tpu.memory_space<vmem>>, vector<1x16xi32>,
          %get3A_311 = arith.index_cast %add3A_243 : i32 to index
          %get3A_312 = arith.constant 32 : index
          %get3A_313 = tpu.vector_load %arg5[%get3A_311, %get3A_312] {strides = array<i32>} : memref<79x128xi32, #tpu.memory_space<vmem>>, vector<1x16xi32>,
          %get3A_314 = vector.shape_cast %get3A_313 : vector<1x16xi32> to vector<16xi32>
          %and3A_315 = arith.constant 16383 : i32
          %and3A_316 = vector.broadcast %and3A_315 : i32 to vector<16xi32>
          %and3A_317 = arith.andi %get3A_314, %and3A_316 : vector<16xi32>
          %swap3A_318 = arith.constant 0 : i32
          %swap3A_319 = arith.index_cast %swap3A_318 : i32 to index
          %swap3A_320 = arith.constant 32 : index
          %swap3A_321 = tpu.vector_load %arg6[%swap3A_319, %swap3A_320] {strides = array<i32>} : memref<8x128xi32, #tpu.memory_space<vmem>>, vector<1x16xi32>,
          %swap3A_322 = vector.shape_cast %swap3A_321 : vector<1x16xi32> to vector<16xi32>
          %swap3A_323 = vector.shape_cast %and3A_317 : vector<16xi32> to vector<1x16xi32>
          tpu.vector_store %arg6[%swap3A_319, %swap3A_320], %swap3A_323 {strides = array<i32>} : memref<8x128xi32, #tpu.memory_space<vmem>>, vector<1x16xi32>,
          %shift_right_logical3A_324 = arith.constant 14 : i32
          %shift_right_logical3A_325 = vector.broadcast %shift_right_logical3A_324 : i32 to vector<16xi32>
          %shift_right_logical3A_326 = arith.shrui %get3A_314, %shift_right_logical3A_325 : vector<16xi32>
          %swap3A_327 = arith.constant 1 : i32
          %swap3A_328 = arith.index_cast %swap3A_327 : i32 to index
          %swap3A_329 = arith.constant 32 : index
          %swap3A_330 = tpu.vector_load %arg6[%swap3A_328, %swap3A_329] {strides = array<i32>} : memref<8x128xi32, #tpu.memory_space<vmem>>, vector<1x16xi32>,
          %swap3A_331 = vector.shape_cast %swap3A_330 : vector<1x16xi32> to vector<16xi32>
          %swap3A_332 = vector.shape_cast %shift_right_logical3A_326 : vector<16xi32> to vector<1x16xi32>
          tpu.vector_store %arg6[%swap3A_328, %swap3A_329], %swap3A_332 {strides = array<i32>} : memref<8x128xi32, #tpu.memory_space<vmem>>, vector<1x16xi32>,
          %get3A_333 = arith.index_cast %add3A_243 : i32 to index
          %get3A_334 = arith.constant 48 : index
          %get3A_335 = tpu.vector_load %arg5[%get3A_333, %get3A_334] {strides = array<i32>} : memref<79x128xi32, #tpu.memory_space<vmem>>, vector<1x16xi32>,
          %get3A_336 = vector.shape_cast %get3A_335 : vector<1x16xi32> to vector<16xi32>
          %and3A_337 = arith.constant 16383 : i32
          %and3A_338 = vector.broadcast %and3A_337 : i32 to vector<16xi32>
          %and3A_339 = arith.andi %get3A_336, %and3A_338 : vector<16xi32>
          %swap3A_340 = arith.constant 0 : i32
          %swap3A_341 = arith.index_cast %swap3A_340 : i32 to index
          %swap3A_342 = arith.constant 48 : index
          %swap3A_343 = tpu.vector_load %arg6[%swap3A_341, %swap3A_342] {strides = array<i32>} : memref<8x128xi32, #tpu.memory_space<vmem>>, vector<1x16xi32>,
          %swap3A_344 = vector.shape_cast %swap3A_343 : vector<1x16xi32> to vector<16xi32>
          %swap3A_345 = vector.shape_cast %and3A_339 : vector<16xi32> to vector<1x16xi32>
          tpu.vector_store %arg6[%swap3A_341, %swap3A_342], %swap3A_345 {strides = array<i32>} : memref<8x128xi32, #tpu.memory_space<vmem>>, vector<1x16xi32>,
          %shift_right_logical3A_346 = arith.constant 14 : i32
          %shift_right_logical3A_347 = vector.broadcast %shift_right_logical3A_346 : i32 to vector<16xi32>
          %shift_right_logical3A_348 = arith.shrui %get3A_336, %shift_right_logical3A_347 : vector<16xi32>
          %swap3A_349 = arith.constant 1 : i32
          %swap3A_350 = arith.index_cast %swap3A_349 : i32 to index
          %swap3A_351 = arith.constant 48 : index
          %swap3A_352 = tpu.vector_load %arg6[%swap3A_350, %swap3A_351] {strides = array<i32>} : memref<8x128xi32, #tpu.memory_space<vmem>>, vector<1x16xi32>,
          %swap3A_353 = vector.shape_cast %swap3A_352 : vector<1x16xi32> to vector<16xi32>
          %swap3A_354 = vector.shape_cast %shift_right_logical3A_348 : vector<16xi32> to vector<1x16xi32>
          tpu.vector_store %arg6[%swap3A_350, %swap3A_351], %swap3A_354 {strides = array<i32>} : memref<8x128xi32, #tpu.memory_space<vmem>>, vector<1x16xi32>,
          %get3A_355 = arith.index_cast %add3A_243 : i32 to index
          %get3A_356 = arith.constant 64 : index
          %get3A_357 = tpu.vector_load %arg5[%get3A_355, %get3A_356] {strides = array<i32>} : memref<79x128xi32, #tpu.memory_space<vmem>>, vector<1x16xi32>,
          %get3A_358 = vector.shape_cast %get3A_357 : vector<1x16xi32> to vector<16xi32>
          %and3A_359 = arith.constant 16383 : i32
          %and3A_360 = vector.broadcast %and3A_359 : i32 to vector<16xi32>
          %and3A_361 = arith.andi %get3A_358, %and3A_360 : vector<16xi32>
          %swap3A_362 = arith.constant 0 : i32
          %swap3A_363 = arith.index_cast %swap3A_362 : i32 to index
          %swap3A_364 = arith.constant 64 : index
          %swap3A_365 = tpu.vector_load %arg6[%swap3A_363, %swap3A_364] {strides = array<i32>} : memref<8x128xi32, #tpu.memory_space<vmem>>, vector<1x16xi32>,
          %swap3A_366 = vector.shape_cast %swap3A_365 : vector<1x16xi32> to vector<16xi32>
          %swap3A_367 = vector.shape_cast %and3A_361 : vector<16xi32> to vector<1x16xi32>
          tpu.vector_store %arg6[%swap3A_363, %swap3A_364], %swap3A_367 {strides = array<i32>} : memref<8x128xi32, #tpu.memory_space<vmem>>, vector<1x16xi32>,
          %shift_right_logical3A_368 = arith.constant 14 : i32
          %shift_right_logical3A_369 = vector.broadcast %shift_right_logical3A_368 : i32 to vector<16xi32>
          %shift_right_logical3A_370 = arith.shrui %get3A_358, %shift_right_logical3A_369 : vector<16xi32>
          %swap3A_371 = arith.constant 1 : i32
          %swap3A_372 = arith.index_cast %swap3A_371 : i32 to index
          %swap3A_373 = arith.constant 64 : index
          %swap3A_374 = tpu.vector_load %arg6[%swap3A_372, %swap3A_373] {strides = array<i32>} : memref<8x128xi32, #tpu.memory_space<vmem>>, vector<1x16xi32>,
          %swap3A_375 = vector.shape_cast %swap3A_374 : vector<1x16xi32> to vector<16xi32>
          %swap3A_376 = vector.shape_cast %shift_right_logical3A_370 : vector<16xi32> to vector<1x16xi32>
          tpu.vector_store %arg6[%swap3A_372, %swap3A_373], %swap3A_376 {strides = array<i32>} : memref<8x128xi32, #tpu.memory_space<vmem>>, vector<1x16xi32>,
          %get3A_377 = arith.index_cast %add3A_243 : i32 to index
          %get3A_378 = arith.constant 80 : index
          %get3A_379 = tpu.vector_load %arg5[%get3A_377, %get3A_378] {strides = array<i32>} : memref<79x128xi32, #tpu.memory_space<vmem>>, vector<1x16xi32>,
          %get3A_380 = vector.shape_cast %get3A_379 : vector<1x16xi32> to vector<16xi32>
          %and3A_381 = arith.constant 16383 : i32
          %and3A_382 = vector.broadcast %and3A_381 : i32 to vector<16xi32>
          %and3A_383 = arith.andi %get3A_380, %and3A_382 : vector<16xi32>
          %swap3A_384 = arith.constant 0 : i32
          %swap3A_385 = arith.index_cast %swap3A_384 : i32 to index
          %swap3A_386 = arith.constant 80 : index
          %swap3A_387 = tpu.vector_load %arg6[%swap3A_385, %swap3A_386] {strides = array<i32>} : memref<8x128xi32, #tpu.memory_space<vmem>>, vector<1x16xi32>,
          %swap3A_388 = vector.shape_cast %swap3A_387 : vector<1x16xi32> to vector<16xi32>
          %swap3A_389 = vector.shape_cast %and3A_383 : vector<16xi32> to vector<1x16xi32>
          tpu.vector_store %arg6[%swap3A_385, %swap3A_386], %swap3A_389 {strides = array<i32>} : memref<8x128xi32, #tpu.memory_space<vmem>>, vector<1x16xi32>,
          %shift_right_logical3A_390 = arith.constant 14 : i32
          %shift_right_logical3A_391 = vector.broadcast %shift_right_logical3A_390 : i32 to vector<16xi32>
          %shift_right_logical3A_392 = arith.shrui %get3A_380, %shift_right_logical3A_391 : vector<16xi32>
          %swap3A_393 = arith.constant 1 : i32
          %swap3A_394 = arith.index_cast %swap3A_393 : i32 to index
          %swap3A_395 = arith.constant 80 : index
          %swap3A_396 = tpu.vector_load %arg6[%swap3A_394, %swap3A_395] {strides = array<i32>} : memref<8x128xi32, #tpu.memory_space<vmem>>, vector<1x16xi32>,
          %swap3A_397 = vector.shape_cast %swap3A_396 : vector<1x16xi32> to vector<16xi32>
          %swap3A_398 = vector.shape_cast %shift_right_logical3A_392 : vector<16xi32> to vector<1x16xi32>
          tpu.vector_store %arg6[%swap3A_394, %swap3A_395], %swap3A_398 {strides = array<i32>} : memref<8x128xi32, #tpu.memory_space<vmem>>, vector<1x16xi32>,
          %get3A_399 = arith.index_cast %add3A_243 : i32 to index
          %get3A_400 = arith.constant 96 : index
          %get3A_401 = tpu.vector_load %arg5[%get3A_399, %get3A_400] {strides = array<i32>} : memref<79x128xi32, #tpu.memory_space<vmem>>, vector<1x16xi32>,
          %get3A_402 = vector.shape_cast %get3A_401 : vector<1x16xi32> to vector<16xi32>
          %and3A_403 = arith.constant 16383 : i32
          %and3A_404 = vector.broadcast %and3A_403 : i32 to vector<16xi32>
          %and3A_405 = arith.andi %get3A_402, %and3A_404 : vector<16xi32>
          %swap3A_406 = arith.constant 0 : i32
          %swap3A_407 = arith.index_cast %swap3A_406 : i32 to index
          %swap3A_408 = arith.constant 96 : index
          %swap3A_409 = tpu.vector_load %arg6[%swap3A_407, %swap3A_408] {strides = array<i32>} : memref<8x128xi32, #tpu.memory_space<vmem>>, vector<1x16xi32>,
          %swap3A_410 = vector.shape_cast %swap3A_409 : vector<1x16xi32> to vector<16xi32>
          %swap3A_411 = vector.shape_cast %and3A_405 : vector<16xi32> to vector<1x16xi32>
          tpu.vector_store %arg6[%swap3A_407, %swap3A_408], %swap3A_411 {strides = array<i32>} : memref<8x128xi32, #tpu.memory_space<vmem>>, vector<1x16xi32>,
          %shift_right_logical3A_412 = arith.constant 14 : i32
          %shift_right_logical3A_413 = vector.broadcast %shift_right_logical3A_412 : i32 to vector<16xi32>
          %shift_right_logical3A_414 = arith.shrui %get3A_402, %shift_right_logical3A_413 : vector<16xi32>
          %swap3A_415 = arith.constant 1 : i32
          %swap3A_416 = arith.index_cast %swap3A_415 : i32 to index
          %swap3A_417 = arith.constant 96 : index
          %swap3A_418 = tpu.vector_load %arg6[%swap3A_416, %swap3A_417] {strides = array<i32>} : memref<8x128xi32, #tpu.memory_space<vmem>>, vector<1x16xi32>,
          %swap3A_419 = vector.shape_cast %swap3A_418 : vector<1x16xi32> to vector<16xi32>
          %swap3A_420 = vector.shape_cast %shift_right_logical3A_414 : vector<16xi32> to vector<1x16xi32>
          tpu.vector_store %arg6[%swap3A_416, %swap3A_417], %swap3A_420 {strides = array<i32>} : memref<8x128xi32, #tpu.memory_space<vmem>>, vector<1x16xi32>,
          %get3A_421 = arith.index_cast %add3A_243 : i32 to index
          %get3A_422 = arith.constant 112 : index
          %get3A_423 = tpu.vector_load %arg5[%get3A_421, %get3A_422] {strides = array<i32>} : memref<79x128xi32, #tpu.memory_space<vmem>>, vector<1x16xi32>,
          %get3A_424 = vector.shape_cast %get3A_423 : vector<1x16xi32> to vector<16xi32>
          %and3A_425 = arith.constant 16383 : i32
          %and3A_426 = vector.broadcast %and3A_425 : i32 to vector<16xi32>
          %and3A_427 = arith.andi %get3A_424, %and3A_426 : vector<16xi32>
          %swap3A_428 = arith.constant 0 : i32
          %swap3A_429 = arith.index_cast %swap3A_428 : i32 to index
          %swap3A_430 = arith.constant 112 : index
          %swap3A_431 = tpu.vector_load %arg6[%swap3A_429, %swap3A_430] {strides = array<i32>} : memref<8x128xi32, #tpu.memory_space<vmem>>, vector<1x16xi32>,
          %swap3A_432 = vector.shape_cast %swap3A_431 : vector<1x16xi32> to vector<16xi32>
          %swap3A_433 = vector.shape_cast %and3A_427 : vector<16xi32> to vector<1x16xi32>
          tpu.vector_store %arg6[%swap3A_429, %swap3A_430], %swap3A_433 {strides = array<i32>} : memref<8x128xi32, #tpu.memory_space<vmem>>, vector<1x16xi32>,
          %shift_right_logical3A_434 = arith.constant 14 : i32
          %shift_right_logical3A_435 = vector.broadcast %shift_right_logical3A_434 : i32 to vector<16xi32>
          %shift_right_logical3A_436 = arith.shrui %get3A_424, %shift_right_logical3A_435 : vector<16xi32>
          %swap3A_437 = arith.constant 1 : i32
          %swap3A_438 = arith.index_cast %swap3A_437 : i32 to index
          %swap3A_439 = arith.constant 112 : index
          %swap3A_440 = tpu.vector_load %arg6[%swap3A_438, %swap3A_439] {strides = array<i32>} : memref<8x128xi32, #tpu.memory_space<vmem>>, vector<1x16xi32>,
          %swap3A_441 = vector.shape_cast %swap3A_440 : vector<1x16xi32> to vector<16xi32>
          %swap3A_442 = vector.shape_cast %shift_right_logical3A_436 : vector<16xi32> to vector<1x16xi32>
          tpu.vector_store %arg6[%swap3A_438, %swap3A_439], %swap3A_442 {strides = array<i32>} : memref<8x128xi32, #tpu.memory_space<vmem>>, vector<1x16xi32>,
          %dma_start3A_443 = arith.constant 0 : i32
          %dma_start3A_444 = arith.constant 0 : i32
          %dma_start3A_445 = tpu.memref_slice %arg6[%dma_start3A_443, %dma_start3A_444] : memref<8x128xi32, #tpu.memory_space<vmem>> -> memref<1x128xi32, #tpu.memory_space<vmem>>
          %dma_start3A_446 = tpu.memref_squeeze %dma_start3A_445 : memref<1x128xi32, #tpu.memory_space<vmem>> -> memref<128xi32, #tpu.memory_space<vmem>>
          %dma_start3A_447 = arith.constant 0 : i32
          %dma_start3A_448 = arith.constant 0 : i32
          %dma_start3A_449 = tpu.memref_slice %arg2[%dma_start3A_447, %dma_start3A_448] : memref<10240x128xf32, #tpu.memory_space<hbm>> -> memref<10240x128xf32, #tpu.memory_space<hbm>>
          tpu.enqueue_indirect_dma source(%dma_start3A_449 : memref<10240x128xf32, #tpu.memory_space<hbm>>) target(%arg7 : memref<128x128xf32, #tpu.memory_space<vmem>>) offsets(%dma_start3A_446 : memref<128xi32, #tpu.memory_space<vmem>>) semaphore(%arg10 : memref<!tpu.dma_semaphore, #tpu.memory_space<semaphore_mem>>)
        } else {
        }
        %dma_wait3A_249 = arith.constant 2 : i32
        %dma_wait3A_250 = arith.constant 0 : i32
        %dma_wait3A_251 = tpu.memref_slice %arg6[%dma_wait3A_249, %dma_wait3A_250] : memref<8x128xi32, #tpu.memory_space<vmem>> -> memref<1x128xi32, #tpu.memory_space<vmem>>
        %dma_wait3A_252 = tpu.memref_squeeze %dma_wait3A_251 : memref<1x128xi32, #tpu.memory_space<vmem>> -> memref<128xi32, #tpu.memory_space<vmem>>
        %dma_wait3A_253 = arith.constant 0 : i32
        %dma_wait3A_254 = arith.constant 0 : i32
        %dma_wait3A_255 = tpu.memref_slice %arg2[%dma_wait3A_253, %dma_wait3A_254] : memref<10240x128xf32, #tpu.memory_space<hbm>> -> memref<10240x128xf32, #tpu.memory_space<hbm>>
        tpu.wait_indirect_dma semaphore(%arg11 : memref<!tpu.dma_semaphore, #tpu.memory_space<semaphore_mem>>) src(%dma_wait3A_255 : memref<10240x128xf32, #tpu.memory_space<hbm>>) dst(%arg8 : memref<128x128xf32, #tpu.memory_space<vmem>>)
        %dma_start3A_256 = arith.constant 3 : i32
        %dma_start3A_257 = arith.constant 0 : i32
        %dma_start3A_258 = tpu.memref_slice %arg6[%dma_start3A_256, %dma_start3A_257] : memref<8x128xi32, #tpu.memory_space<vmem>> -> memref<1x128xi32, #tpu.memory_space<vmem>>
        %dma_start3A_259 = tpu.memref_squeeze %dma_start3A_258 : memref<1x128xi32, #tpu.memory_space<vmem>> -> memref<128xi32, #tpu.memory_space<vmem>>
        %dma_start3A_260 = arith.constant 0 : i32
        %dma_start3A_261 = arith.constant 0 : i32
        %dma_start3A_262 = tpu.memref_slice %arg9[%dma_start3A_260, %dma_start3A_261] : memref<10240x128xf32, #tpu.memory_space<vmem_shared>> -> memref<10240x128xf32, #tpu.memory_space<vmem_shared>>
        tpu.enqueue_indirect_dma source(%arg8 : memref<128x128xf32, #tpu.memory_space<vmem>>) target(%dma_start3A_262 : memref<10240x128xf32, #tpu.memory_space<vmem_shared>>) offsets(%dma_start3A_259 : memref<128xi32, #tpu.memory_space<vmem>>) semaphore(%arg13 : memref<!tpu.dma_semaphore, #tpu.memory_space<semaphore_mem>>) {add = true}
      } else {
      }
      %scan3A_241 = arith.constant 0 : i32
      scf.yield %scan3A_241 : i32
    }
    %scan3A_209 = arith.constant 40 : i32
    %dma_wait3A = arith.constant 3 : i32
    %dma_wait3A_210 = arith.constant 0 : i32
    %dma_wait3A_211 = tpu.memref_slice %arg6[%dma_wait3A, %dma_wait3A_210] : memref<8x128xi32, #tpu.memory_space<vmem>> -> memref<1x128xi32, #tpu.memory_space<vmem>>
    %dma_wait3A_212 = tpu.memref_squeeze %dma_wait3A_211 : memref<1x128xi32, #tpu.memory_space<vmem>> -> memref<128xi32, #tpu.memory_space<vmem>>
    %dma_wait3A_213 = arith.constant 0 : i32
    %dma_wait3A_214 = arith.constant 0 : i32
    %dma_wait3A_215 = tpu.memref_slice %arg9[%dma_wait3A_213, %dma_wait3A_214] : memref<10240x128xf32, #tpu.memory_space<vmem_shared>> -> memref<10240x128xf32, #tpu.memory_space<vmem_shared>>
    tpu.wait_indirect_dma semaphore(%arg13 : memref<!tpu.dma_semaphore, #tpu.memory_space<semaphore_mem>>) src(%arg8 : memref<128x128xf32, #tpu.memory_space<vmem>>) dst(%dma_wait3A_215 : memref<10240x128xf32, #tpu.memory_space<vmem_shared>>)
    %dma_wait3A_216 = arith.constant 1 : i32
    %dma_wait3A_217 = arith.constant 0 : i32
    %dma_wait3A_218 = tpu.memref_slice %arg6[%dma_wait3A_216, %dma_wait3A_217] : memref<8x128xi32, #tpu.memory_space<vmem>> -> memref<1x128xi32, #tpu.memory_space<vmem>>
    %dma_wait3A_219 = tpu.memref_squeeze %dma_wait3A_218 : memref<1x128xi32, #tpu.memory_space<vmem>> -> memref<128xi32, #tpu.memory_space<vmem>>
    %dma_wait3A_220 = arith.constant 0 : i32
    %dma_wait3A_221 = arith.constant 0 : i32
    %dma_wait3A_222 = tpu.memref_slice %arg9[%dma_wait3A_220, %dma_wait3A_221] : memref<10240x128xf32, #tpu.memory_space<vmem_shared>> -> memref<10240x128xf32, #tpu.memory_space<vmem_shared>>
    tpu.wait_indirect_dma semaphore(%arg12 : memref<!tpu.dma_semaphore, #tpu.memory_space<semaphore_mem>>) src(%arg7 : memref<128x128xf32, #tpu.memory_space<vmem>>) dst(%dma_wait3A_222 : memref<10240x128xf32, #tpu.memory_space<vmem_shared>>)
    %barrier3A_223 = arith.constant 0 : index
    tpu.barrier barrier_id(%barrier3A_223)
    "tpu.region"() ({
      %run_scoped3A = tpu.sem_alloc : memref<!tpu.dma_semaphore, #tpu.memory_space<semaphore_mem>>
      %dma_start3A_224 = arith.constant 0 : i32
      %dma_start3A_225 = tpu.memref_slice %arg4[%arg0, %mul3A_2, %dma_start3A_224] : memref<2x10240x128xf32, #tpu.memory_space<hbm>> -> memref<1x640x128xf32, #tpu.memory_space<hbm>>
      %dma_start3A_226 = tpu.memref_squeeze %dma_start3A_225 : memref<1x640x128xf32, #tpu.memory_space<hbm>> -> memref<640x128xf32, #tpu.memory_space<hbm>>
      %dma_start3A_227 = arith.constant 0 : i32
      %dma_start3A_228 = tpu.memref_slice %arg9[%mul3A_2, %dma_start3A_227] : memref<10240x128xf32, #tpu.memory_space<vmem_shared>> -> memref<640x128xf32, #tpu.memory_space<vmem_shared>>
      tpu.enqueue_dma source(%dma_start3A_228 : memref<640x128xf32, #tpu.memory_space<vmem_shared>>) target(%dma_start3A_226 : memref<640x128xf32, #tpu.memory_space<hbm>>) target_semaphore(%run_scoped3A : memref<!tpu.dma_semaphore, #tpu.memory_space<semaphore_mem>>)
      %dma_wait3A_229 = arith.constant 0 : i32
      %dma_wait3A_230 = tpu.memref_slice %arg4[%arg0, %mul3A_2, %dma_wait3A_229] : memref<2x10240x128xf32, #tpu.memory_space<hbm>> -> memref<1x640x128xf32, #tpu.memory_space<hbm>>
      %dma_wait3A_231 = tpu.memref_squeeze %dma_wait3A_230 : memref<1x640x128xf32, #tpu.memory_space<hbm>> -> memref<640x128xf32, #tpu.memory_space<hbm>>
      %dma_wait3A_232 = arith.constant 0 : i32
      %dma_wait3A_233 = tpu.memref_slice %arg9[%mul3A_2, %dma_wait3A_232] : memref<10240x128xf32, #tpu.memory_space<vmem_shared>> -> memref<640x128xf32, #tpu.memory_space<vmem_shared>>
      tpu.wait_dma2 semaphore(%run_scoped3A : memref<!tpu.dma_semaphore, #tpu.memory_space<semaphore_mem>>) src(%dma_wait3A_233 : memref<640x128xf32, #tpu.memory_space<vmem_shared>>) dst(%dma_wait3A_231 : memref<640x128xf32, #tpu.memory_space<hbm>>)
      tpu.yield
    }) : () -> ()
    return
  }
}

#map = affine_map<(d0, d1) -> (0, 0)>
#map1 = affine_map<(d0, d1) -> (0, 0, 0)>
module attributes {stable_mosaic.version = 14 : i64} {
  func.func @_sc_agg_body(%arg0: i32, %arg1: i32, %arg2: memref<10240x128xf32, #tpu.memory_space<hbm>>, %arg3: memref<32x79x128xi32, #tpu.memory_space<hbm>>, %arg4: memref<2x10240x128xf32, #tpu.memory_space<hbm>>, %arg5: memref<79x128xi32, #tpu.memory_space<vmem>>, %arg6: memref<8x128xi32, #tpu.memory_space<vmem>>, %arg7: memref<128x128xf32, #tpu.memory_space<vmem>>, %arg8: memref<128x128xf32, #tpu.memory_space<vmem>>, %arg9: memref<10240x128xf32, #tpu.memory_space<vmem_shared>>, %arg10: memref<!tpu.dma_semaphore, #tpu.memory_space<semaphore_mem>>, %arg11: memref<!tpu.dma_semaphore, #tpu.memory_space<semaphore_mem>>, %arg12: memref<!tpu.dma_semaphore, #tpu.memory_space<semaphore_mem>>, %arg13: memref<!tpu.dma_semaphore, #tpu.memory_space<semaphore_mem>>) attributes {dimension_semantics = [#tpu.dimension_semantics<core_parallel>, #tpu.dimension_semantics<subcore_parallel>], iteration_bounds = array<i64: 2, 16>, scalar_prefetch = 0 : i64, scratch_operands = 9 : i64, tpu.core_type = #tpu.core_type<sc_vector_subcore>, window_params = [{transform_indices = #map}, {transform_indices = #map1}, {transform_indices = #map1}]} {
    %mul3A = arith.constant 2 : i32
    %mul3A_0 = arith.muli %arg1, %mul3A : i32
    %add3A = arith.addi %mul3A_0, %arg0 : i32
    %mul3A_1 = arith.constant 640 : i32
    %mul3A_2 = arith.muli %arg1, %mul3A_1 : i32
    %broadcast_in_dim3A = arith.constant 0.000000e+00 : f32
    %broadcast_in_dim3A_3 = vector.broadcast %broadcast_in_dim3A : f32 to vector<16xf32>
    %scan3A = arith.constant 0 : i32
    %scan3A_4 = arith.constant 0 : i32
    %scan3A_5 = arith.constant 128 : i32
    %scan3A_6 = arith.addi %scan3A_4, %scan3A_5 : i32
    %scan3A_7 = arith.constant 1 : i32
    %scan3A_8 = scf.for %scan3A_224 = %scan3A_4 to %scan3A_6 step %scan3A_7 iter_args(%scan3A_225 = %scan3A) -> (i32)  : i32 {
      %swap3A_226 = arith.index_cast %scan3A_224 : i32 to index
      %swap3A_227 = arith.constant 0 : index
      %swap3A_228 = tpu.vector_load %arg7[%swap3A_226, %swap3A_227] {strides = array<i32>} : memref<128x128xf32, #tpu.memory_space<vmem>>, vector<1x16xf32>,
      %swap3A_229 = vector.shape_cast %swap3A_228 : vector<1x16xf32> to vector<16xf32>
      %swap3A_230 = vector.shape_cast %broadcast_in_dim3A_3 : vector<16xf32> to vector<1x16xf32>
      tpu.vector_store %arg7[%swap3A_226, %swap3A_227], %swap3A_230 {strides = array<i32>} : memref<128x128xf32, #tpu.memory_space<vmem>>, vector<1x16xf32>,
      %swap3A_231 = arith.index_cast %scan3A_224 : i32 to index
      %swap3A_232 = arith.constant 16 : index
      %swap3A_233 = tpu.vector_load %arg7[%swap3A_231, %swap3A_232] {strides = array<i32>} : memref<128x128xf32, #tpu.memory_space<vmem>>, vector<1x16xf32>,
      %swap3A_234 = vector.shape_cast %swap3A_233 : vector<1x16xf32> to vector<16xf32>
      %swap3A_235 = vector.shape_cast %broadcast_in_dim3A_3 : vector<16xf32> to vector<1x16xf32>
      tpu.vector_store %arg7[%swap3A_231, %swap3A_232], %swap3A_235 {strides = array<i32>} : memref<128x128xf32, #tpu.memory_space<vmem>>, vector<1x16xf32>,
      %swap3A_236 = arith.index_cast %scan3A_224 : i32 to index
      %swap3A_237 = arith.constant 32 : index
      %swap3A_238 = tpu.vector_load %arg7[%swap3A_236, %swap3A_237] {strides = array<i32>} : memref<128x128xf32, #tpu.memory_space<vmem>>, vector<1x16xf32>,
      %swap3A_239 = vector.shape_cast %swap3A_238 : vector<1x16xf32> to vector<16xf32>
      %swap3A_240 = vector.shape_cast %broadcast_in_dim3A_3 : vector<16xf32> to vector<1x16xf32>
      tpu.vector_store %arg7[%swap3A_236, %swap3A_237], %swap3A_240 {strides = array<i32>} : memref<128x128xf32, #tpu.memory_space<vmem>>, vector<1x16xf32>,
      %swap3A_241 = arith.index_cast %scan3A_224 : i32 to index
      %swap3A_242 = arith.constant 48 : index
      %swap3A_243 = tpu.vector_load %arg7[%swap3A_241, %swap3A_242] {strides = array<i32>} : memref<128x128xf32, #tpu.memory_space<vmem>>, vector<1x16xf32>,
      %swap3A_244 = vector.shape_cast %swap3A_243 : vector<1x16xf32> to vector<16xf32>
      %swap3A_245 = vector.shape_cast %broadcast_in_dim3A_3 : vector<16xf32> to vector<1x16xf32>
      tpu.vector_store %arg7[%swap3A_241, %swap3A_242], %swap3A_245 {strides = array<i32>} : memref<128x128xf32, #tpu.memory_space<vmem>>, vector<1x16xf32>,
      %swap3A_246 = arith.index_cast %scan3A_224 : i32 to index
      %swap3A_247 = arith.constant 64 : index
      %swap3A_248 = tpu.vector_load %arg7[%swap3A_246, %swap3A_247] {strides = array<i32>} : memref<128x128xf32, #tpu.memory_space<vmem>>, vector<1x16xf32>,
      %swap3A_249 = vector.shape_cast %swap3A_248 : vector<1x16xf32> to vector<16xf32>
      %swap3A_250 = vector.shape_cast %broadcast_in_dim3A_3 : vector<16xf32> to vector<1x16xf32>
      tpu.vector_store %arg7[%swap3A_246, %swap3A_247], %swap3A_250 {strides = array<i32>} : memref<128x128xf32, #tpu.memory_space<vmem>>, vector<1x16xf32>,
      %swap3A_251 = arith.index_cast %scan3A_224 : i32 to index
      %swap3A_252 = arith.constant 80 : index
      %swap3A_253 = tpu.vector_load %arg7[%swap3A_251, %swap3A_252] {strides = array<i32>} : memref<128x128xf32, #tpu.memory_space<vmem>>, vector<1x16xf32>,
      %swap3A_254 = vector.shape_cast %swap3A_253 : vector<1x16xf32> to vector<16xf32>
      %swap3A_255 = vector.shape_cast %broadcast_in_dim3A_3 : vector<16xf32> to vector<1x16xf32>
      tpu.vector_store %arg7[%swap3A_251, %swap3A_252], %swap3A_255 {strides = array<i32>} : memref<128x128xf32, #tpu.memory_space<vmem>>, vector<1x16xf32>,
      %swap3A_256 = arith.index_cast %scan3A_224 : i32 to index
      %swap3A_257 = arith.constant 96 : index
      %swap3A_258 = tpu.vector_load %arg7[%swap3A_256, %swap3A_257] {strides = array<i32>} : memref<128x128xf32, #tpu.memory_space<vmem>>, vector<1x16xf32>,
      %swap3A_259 = vector.shape_cast %swap3A_258 : vector<1x16xf32> to vector<16xf32>
      %swap3A_260 = vector.shape_cast %broadcast_in_dim3A_3 : vector<16xf32> to vector<1x16xf32>
      tpu.vector_store %arg7[%swap3A_256, %swap3A_257], %swap3A_260 {strides = array<i32>} : memref<128x128xf32, #tpu.memory_space<vmem>>, vector<1x16xf32>,
      %swap3A_261 = arith.index_cast %scan3A_224 : i32 to index
      %swap3A_262 = arith.constant 112 : index
      %swap3A_263 = tpu.vector_load %arg7[%swap3A_261, %swap3A_262] {strides = array<i32>} : memref<128x128xf32, #tpu.memory_space<vmem>>, vector<1x16xf32>,
      %swap3A_264 = vector.shape_cast %swap3A_263 : vector<1x16xf32> to vector<16xf32>
      %swap3A_265 = vector.shape_cast %broadcast_in_dim3A_3 : vector<16xf32> to vector<1x16xf32>
      tpu.vector_store %arg7[%swap3A_261, %swap3A_262], %swap3A_265 {strides = array<i32>} : memref<128x128xf32, #tpu.memory_space<vmem>>, vector<1x16xf32>,
      %scan3A_266 = arith.constant 0 : i32
      scf.yield %scan3A_266 : i32
    }
    %scan3A_9 = arith.constant 128 : i32
    %scan3A_10 = arith.constant 0 : i32
    %scan3A_11 = arith.constant 0 : i32
    %scan3A_12 = arith.constant 5 : i32
    %scan3A_13 = arith.addi %scan3A_11, %scan3A_12 : i32
    %scan3A_14 = arith.constant 1 : i32
    %scan3A_15 = scf.for %scan3A_224 = %scan3A_11 to %scan3A_13 step %scan3A_14 iter_args(%scan3A_225 = %scan3A_10) -> (i32)  : i32 {
      %mul3A_226 = arith.constant 128 : i32
      %mul3A_227 = arith.muli %scan3A_224, %mul3A_226 : i32
      %add3A_228 = arith.addi %mul3A_2, %mul3A_227 : i32
      "tpu.region"() ({
        %run_scoped3A = tpu.sem_alloc : memref<!tpu.dma_semaphore, #tpu.memory_space<semaphore_mem>>
        %dma_start3A_230 = arith.constant 0 : i32
        %dma_start3A_231 = tpu.memref_slice %arg9[%add3A_228, %dma_start3A_230] : memref<10240x128xf32, #tpu.memory_space<vmem_shared>> -> memref<128x128xf32, #tpu.memory_space<vmem_shared>>
        %dma_start3A_232 = arith.constant 0 : i32
        %dma_start3A_233 = tpu.memref_slice %arg9[%add3A_228, %dma_start3A_232] : memref<10240x128xf32, #tpu.memory_space<vmem_shared>> -> memref<128x128xf32, #tpu.memory_space<vmem_shared>>
        tpu.enqueue_dma source(%arg7 : memref<128x128xf32, #tpu.memory_space<vmem>>) target(%dma_start3A_233 : memref<128x128xf32, #tpu.memory_space<vmem_shared>>) target_semaphore(%run_scoped3A : memref<!tpu.dma_semaphore, #tpu.memory_space<semaphore_mem>>)
        %dma_wait3A_234 = arith.constant 0 : i32
        %dma_wait3A_235 = tpu.memref_slice %arg9[%add3A_228, %dma_wait3A_234] : memref<10240x128xf32, #tpu.memory_space<vmem_shared>> -> memref<128x128xf32, #tpu.memory_space<vmem_shared>>
        %dma_wait3A_236 = arith.constant 0 : i32
        %dma_wait3A_237 = tpu.memref_slice %arg9[%add3A_228, %dma_wait3A_236] : memref<10240x128xf32, #tpu.memory_space<vmem_shared>> -> memref<128x128xf32, #tpu.memory_space<vmem_shared>>
        tpu.wait_dma2 semaphore(%run_scoped3A : memref<!tpu.dma_semaphore, #tpu.memory_space<semaphore_mem>>) src(%arg7 : memref<128x128xf32, #tpu.memory_space<vmem>>) dst(%dma_wait3A_237 : memref<128x128xf32, #tpu.memory_space<vmem_shared>>)
        tpu.yield
      }) : () -> ()
      %scan3A_229 = arith.constant 0 : i32
      scf.yield %scan3A_229 : i32
    }
    %scan3A_16 = arith.constant 5 : i32
    "tpu.region"() ({
      %run_scoped3A = tpu.sem_alloc : memref<!tpu.dma_semaphore, #tpu.memory_space<semaphore_mem>>
      %dma_start3A_224 = arith.constant 0 : i32
      %dma_start3A_225 = arith.constant 0 : i32
      %dma_start3A_226 = tpu.memref_slice %arg3[%add3A, %dma_start3A_224, %dma_start3A_225] : memref<32x79x128xi32, #tpu.memory_space<hbm>> -> memref<1x79x128xi32, #tpu.memory_space<hbm>>
      %dma_start3A_227 = tpu.memref_squeeze %dma_start3A_226 : memref<1x79x128xi32, #tpu.memory_space<hbm>> -> memref<79x128xi32, #tpu.memory_space<hbm>>
      %dma_start3A_228 = arith.constant 0 : i32
      %dma_start3A_229 = arith.constant 0 : i32
      %dma_start3A_230 = tpu.memref_slice %arg3[%add3A, %dma_start3A_228, %dma_start3A_229] : memref<32x79x128xi32, #tpu.memory_space<hbm>> -> memref<1x79x128xi32, #tpu.memory_space<hbm>>
      %dma_start3A_231 = tpu.memref_squeeze %dma_start3A_230 : memref<1x79x128xi32, #tpu.memory_space<hbm>> -> memref<79x128xi32, #tpu.memory_space<hbm>>
      tpu.enqueue_dma source(%dma_start3A_231 : memref<79x128xi32, #tpu.memory_space<hbm>>) target(%arg5 : memref<79x128xi32, #tpu.memory_space<vmem>>) target_semaphore(%run_scoped3A : memref<!tpu.dma_semaphore, #tpu.memory_space<semaphore_mem>>)
      %dma_wait3A_232 = arith.constant 0 : i32
      %dma_wait3A_233 = arith.constant 0 : i32
      %dma_wait3A_234 = tpu.memref_slice %arg3[%add3A, %dma_wait3A_232, %dma_wait3A_233] : memref<32x79x128xi32, #tpu.memory_space<hbm>> -> memref<1x79x128xi32, #tpu.memory_space<hbm>>
      %dma_wait3A_235 = tpu.memref_squeeze %dma_wait3A_234 : memref<1x79x128xi32, #tpu.memory_space<hbm>> -> memref<79x128xi32, #tpu.memory_space<hbm>>
      %dma_wait3A_236 = arith.constant 0 : i32
      %dma_wait3A_237 = arith.constant 0 : i32
      %dma_wait3A_238 = tpu.memref_slice %arg3[%add3A, %dma_wait3A_236, %dma_wait3A_237] : memref<32x79x128xi32, #tpu.memory_space<hbm>> -> memref<1x79x128xi32, #tpu.memory_space<hbm>>
      %dma_wait3A_239 = tpu.memref_squeeze %dma_wait3A_238 : memref<1x79x128xi32, #tpu.memory_space<hbm>> -> memref<79x128xi32, #tpu.memory_space<hbm>>
      tpu.wait_dma2 semaphore(%run_scoped3A : memref<!tpu.dma_semaphore, #tpu.memory_space<semaphore_mem>>) src(%dma_wait3A_239 : memref<79x128xi32, #tpu.memory_space<hbm>>) dst(%arg5 : memref<79x128xi32, #tpu.memory_space<vmem>>)
      tpu.yield
    }) : () -> ()
    %barrier3A = arith.constant 0 : index
    tpu.barrier barrier_id(%barrier3A)
    %get3A = arith.constant 0 : i32
    %get3A_17 = arith.index_cast %get3A : i32 to index
    %get3A_18 = arith.constant 0 : index
    %get3A_19 = tpu.vector_load %arg5[%get3A_17, %get3A_18] {strides = array<i32>} : memref<79x128xi32, #tpu.memory_space<vmem>>, vector<1x16xi32>,
    %get3A_20 = vector.shape_cast %get3A_19 : vector<1x16xi32> to vector<16xi32>
    %and3A = arith.constant 16383 : i32
    %and3A_21 = vector.broadcast %and3A : i32 to vector<16xi32>
    %and3A_22 = arith.andi %get3A_20, %and3A_21 : vector<16xi32>
    %swap3A = arith.constant 0 : i32
    %swap3A_23 = arith.index_cast %swap3A : i32 to index
    %swap3A_24 = arith.constant 0 : index
    %swap3A_25 = tpu.vector_load %arg6[%swap3A_23, %swap3A_24] {strides = array<i32>} : memref<8x128xi32, #tpu.memory_space<vmem>>, vector<1x16xi32>,
    %swap3A_26 = vector.shape_cast %swap3A_25 : vector<1x16xi32> to vector<16xi32>
    %swap3A_27 = vector.shape_cast %and3A_22 : vector<16xi32> to vector<1x16xi32>
    tpu.vector_store %arg6[%swap3A_23, %swap3A_24], %swap3A_27 {strides = array<i32>} : memref<8x128xi32, #tpu.memory_space<vmem>>, vector<1x16xi32>,
    %shift_right_logical3A = arith.constant 14 : i32
    %shift_right_logical3A_28 = vector.broadcast %shift_right_logical3A : i32 to vector<16xi32>
    %shift_right_logical3A_29 = arith.shrui %get3A_20, %shift_right_logical3A_28 : vector<16xi32>
    %swap3A_30 = arith.constant 1 : i32
    %swap3A_31 = arith.index_cast %swap3A_30 : i32 to index
    %swap3A_32 = arith.constant 0 : index
    %swap3A_33 = tpu.vector_load %arg6[%swap3A_31, %swap3A_32] {strides = array<i32>} : memref<8x128xi32, #tpu.memory_space<vmem>>, vector<1x16xi32>,
    %swap3A_34 = vector.shape_cast %swap3A_33 : vector<1x16xi32> to vector<16xi32>
    %swap3A_35 = vector.shape_cast %shift_right_logical3A_29 : vector<16xi32> to vector<1x16xi32>
    tpu.vector_store %arg6[%swap3A_31, %swap3A_32], %swap3A_35 {strides = array<i32>} : memref<8x128xi32, #tpu.memory_space<vmem>>, vector<1x16xi32>,
    %get3A_36 = arith.constant 0 : i32
    %get3A_37 = arith.index_cast %get3A_36 : i32 to index
    %get3A_38 = arith.constant 16 : index
    %get3A_39 = tpu.vector_load %arg5[%get3A_37, %get3A_38] {strides = array<i32>} : memref<79x128xi32, #tpu.memory_space<vmem>>, vector<1x16xi32>,
    %get3A_40 = vector.shape_cast %get3A_39 : vector<1x16xi32> to vector<16xi32>
    %and3A_41 = arith.constant 16383 : i32
    %and3A_42 = vector.broadcast %and3A_41 : i32 to vector<16xi32>
    %and3A_43 = arith.andi %get3A_40, %and3A_42 : vector<16xi32>
    %swap3A_44 = arith.constant 0 : i32
    %swap3A_45 = arith.index_cast %swap3A_44 : i32 to index
    %swap3A_46 = arith.constant 16 : index
    %swap3A_47 = tpu.vector_load %arg6[%swap3A_45, %swap3A_46] {strides = array<i32>} : memref<8x128xi32, #tpu.memory_space<vmem>>, vector<1x16xi32>,
    %swap3A_48 = vector.shape_cast %swap3A_47 : vector<1x16xi32> to vector<16xi32>
    %swap3A_49 = vector.shape_cast %and3A_43 : vector<16xi32> to vector<1x16xi32>
    tpu.vector_store %arg6[%swap3A_45, %swap3A_46], %swap3A_49 {strides = array<i32>} : memref<8x128xi32, #tpu.memory_space<vmem>>, vector<1x16xi32>,
    %shift_right_logical3A_50 = arith.constant 14 : i32
    %shift_right_logical3A_51 = vector.broadcast %shift_right_logical3A_50 : i32 to vector<16xi32>
    %shift_right_logical3A_52 = arith.shrui %get3A_40, %shift_right_logical3A_51 : vector<16xi32>
    %swap3A_53 = arith.constant 1 : i32
    %swap3A_54 = arith.index_cast %swap3A_53 : i32 to index
    %swap3A_55 = arith.constant 16 : index
    %swap3A_56 = tpu.vector_load %arg6[%swap3A_54, %swap3A_55] {strides = array<i32>} : memref<8x128xi32, #tpu.memory_space<vmem>>, vector<1x16xi32>,
    %swap3A_57 = vector.shape_cast %swap3A_56 : vector<1x16xi32> to vector<16xi32>
    %swap3A_58 = vector.shape_cast %shift_right_logical3A_52 : vector<16xi32> to vector<1x16xi32>
    tpu.vector_store %arg6[%swap3A_54, %swap3A_55], %swap3A_58 {strides = array<i32>} : memref<8x128xi32, #tpu.memory_space<vmem>>, vector<1x16xi32>,
    %get3A_59 = arith.constant 0 : i32
    %get3A_60 = arith.index_cast %get3A_59 : i32 to index
    %get3A_61 = arith.constant 32 : index
    %get3A_62 = tpu.vector_load %arg5[%get3A_60, %get3A_61] {strides = array<i32>} : memref<79x128xi32, #tpu.memory_space<vmem>>, vector<1x16xi32>,
    %get3A_63 = vector.shape_cast %get3A_62 : vector<1x16xi32> to vector<16xi32>
    %and3A_64 = arith.constant 16383 : i32
    %and3A_65 = vector.broadcast %and3A_64 : i32 to vector<16xi32>
    %and3A_66 = arith.andi %get3A_63, %and3A_65 : vector<16xi32>
    %swap3A_67 = arith.constant 0 : i32
    %swap3A_68 = arith.index_cast %swap3A_67 : i32 to index
    %swap3A_69 = arith.constant 32 : index
    %swap3A_70 = tpu.vector_load %arg6[%swap3A_68, %swap3A_69] {strides = array<i32>} : memref<8x128xi32, #tpu.memory_space<vmem>>, vector<1x16xi32>,
    %swap3A_71 = vector.shape_cast %swap3A_70 : vector<1x16xi32> to vector<16xi32>
    %swap3A_72 = vector.shape_cast %and3A_66 : vector<16xi32> to vector<1x16xi32>
    tpu.vector_store %arg6[%swap3A_68, %swap3A_69], %swap3A_72 {strides = array<i32>} : memref<8x128xi32, #tpu.memory_space<vmem>>, vector<1x16xi32>,
    %shift_right_logical3A_73 = arith.constant 14 : i32
    %shift_right_logical3A_74 = vector.broadcast %shift_right_logical3A_73 : i32 to vector<16xi32>
    %shift_right_logical3A_75 = arith.shrui %get3A_63, %shift_right_logical3A_74 : vector<16xi32>
    %swap3A_76 = arith.constant 1 : i32
    %swap3A_77 = arith.index_cast %swap3A_76 : i32 to index
    %swap3A_78 = arith.constant 32 : index
    %swap3A_79 = tpu.vector_load %arg6[%swap3A_77, %swap3A_78] {strides = array<i32>} : memref<8x128xi32, #tpu.memory_space<vmem>>, vector<1x16xi32>,
    %swap3A_80 = vector.shape_cast %swap3A_79 : vector<1x16xi32> to vector<16xi32>
    %swap3A_81 = vector.shape_cast %shift_right_logical3A_75 : vector<16xi32> to vector<1x16xi32>
    tpu.vector_store %arg6[%swap3A_77, %swap3A_78], %swap3A_81 {strides = array<i32>} : memref<8x128xi32, #tpu.memory_space<vmem>>, vector<1x16xi32>,
    %get3A_82 = arith.constant 0 : i32
    %get3A_83 = arith.index_cast %get3A_82 : i32 to index
    %get3A_84 = arith.constant 48 : index
    %get3A_85 = tpu.vector_load %arg5[%get3A_83, %get3A_84] {strides = array<i32>} : memref<79x128xi32, #tpu.memory_space<vmem>>, vector<1x16xi32>,
    %get3A_86 = vector.shape_cast %get3A_85 : vector<1x16xi32> to vector<16xi32>
    %and3A_87 = arith.constant 16383 : i32
    %and3A_88 = vector.broadcast %and3A_87 : i32 to vector<16xi32>
    %and3A_89 = arith.andi %get3A_86, %and3A_88 : vector<16xi32>
    %swap3A_90 = arith.constant 0 : i32
    %swap3A_91 = arith.index_cast %swap3A_90 : i32 to index
    %swap3A_92 = arith.constant 48 : index
    %swap3A_93 = tpu.vector_load %arg6[%swap3A_91, %swap3A_92] {strides = array<i32>} : memref<8x128xi32, #tpu.memory_space<vmem>>, vector<1x16xi32>,
    %swap3A_94 = vector.shape_cast %swap3A_93 : vector<1x16xi32> to vector<16xi32>
    %swap3A_95 = vector.shape_cast %and3A_89 : vector<16xi32> to vector<1x16xi32>
    tpu.vector_store %arg6[%swap3A_91, %swap3A_92], %swap3A_95 {strides = array<i32>} : memref<8x128xi32, #tpu.memory_space<vmem>>, vector<1x16xi32>,
    %shift_right_logical3A_96 = arith.constant 14 : i32
    %shift_right_logical3A_97 = vector.broadcast %shift_right_logical3A_96 : i32 to vector<16xi32>
    %shift_right_logical3A_98 = arith.shrui %get3A_86, %shift_right_logical3A_97 : vector<16xi32>
    %swap3A_99 = arith.constant 1 : i32
    %swap3A_100 = arith.index_cast %swap3A_99 : i32 to index
    %swap3A_101 = arith.constant 48 : index
    %swap3A_102 = tpu.vector_load %arg6[%swap3A_100, %swap3A_101] {strides = array<i32>} : memref<8x128xi32, #tpu.memory_space<vmem>>, vector<1x16xi32>,
    %swap3A_103 = vector.shape_cast %swap3A_102 : vector<1x16xi32> to vector<16xi32>
    %swap3A_104 = vector.shape_cast %shift_right_logical3A_98 : vector<16xi32> to vector<1x16xi32>
    tpu.vector_store %arg6[%swap3A_100, %swap3A_101], %swap3A_104 {strides = array<i32>} : memref<8x128xi32, #tpu.memory_space<vmem>>, vector<1x16xi32>,
    %get3A_105 = arith.constant 0 : i32
    %get3A_106 = arith.index_cast %get3A_105 : i32 to index
    %get3A_107 = arith.constant 64 : index
    %get3A_108 = tpu.vector_load %arg5[%get3A_106, %get3A_107] {strides = array<i32>} : memref<79x128xi32, #tpu.memory_space<vmem>>, vector<1x16xi32>,
    %get3A_109 = vector.shape_cast %get3A_108 : vector<1x16xi32> to vector<16xi32>
    %and3A_110 = arith.constant 16383 : i32
    %and3A_111 = vector.broadcast %and3A_110 : i32 to vector<16xi32>
    %and3A_112 = arith.andi %get3A_109, %and3A_111 : vector<16xi32>
    %swap3A_113 = arith.constant 0 : i32
    %swap3A_114 = arith.index_cast %swap3A_113 : i32 to index
    %swap3A_115 = arith.constant 64 : index
    %swap3A_116 = tpu.vector_load %arg6[%swap3A_114, %swap3A_115] {strides = array<i32>} : memref<8x128xi32, #tpu.memory_space<vmem>>, vector<1x16xi32>,
    %swap3A_117 = vector.shape_cast %swap3A_116 : vector<1x16xi32> to vector<16xi32>
    %swap3A_118 = vector.shape_cast %and3A_112 : vector<16xi32> to vector<1x16xi32>
    tpu.vector_store %arg6[%swap3A_114, %swap3A_115], %swap3A_118 {strides = array<i32>} : memref<8x128xi32, #tpu.memory_space<vmem>>, vector<1x16xi32>,
    %shift_right_logical3A_119 = arith.constant 14 : i32
    %shift_right_logical3A_120 = vector.broadcast %shift_right_logical3A_119 : i32 to vector<16xi32>
    %shift_right_logical3A_121 = arith.shrui %get3A_109, %shift_right_logical3A_120 : vector<16xi32>
    %swap3A_122 = arith.constant 1 : i32
    %swap3A_123 = arith.index_cast %swap3A_122 : i32 to index
    %swap3A_124 = arith.constant 64 : index
    %swap3A_125 = tpu.vector_load %arg6[%swap3A_123, %swap3A_124] {strides = array<i32>} : memref<8x128xi32, #tpu.memory_space<vmem>>, vector<1x16xi32>,
    %swap3A_126 = vector.shape_cast %swap3A_125 : vector<1x16xi32> to vector<16xi32>
    %swap3A_127 = vector.shape_cast %shift_right_logical3A_121 : vector<16xi32> to vector<1x16xi32>
    tpu.vector_store %arg6[%swap3A_123, %swap3A_124], %swap3A_127 {strides = array<i32>} : memref<8x128xi32, #tpu.memory_space<vmem>>, vector<1x16xi32>,
    %get3A_128 = arith.constant 0 : i32
    %get3A_129 = arith.index_cast %get3A_128 : i32 to index
    %get3A_130 = arith.constant 80 : index
    %get3A_131 = tpu.vector_load %arg5[%get3A_129, %get3A_130] {strides = array<i32>} : memref<79x128xi32, #tpu.memory_space<vmem>>, vector<1x16xi32>,
    %get3A_132 = vector.shape_cast %get3A_131 : vector<1x16xi32> to vector<16xi32>
    %and3A_133 = arith.constant 16383 : i32
    %and3A_134 = vector.broadcast %and3A_133 : i32 to vector<16xi32>
    %and3A_135 = arith.andi %get3A_132, %and3A_134 : vector<16xi32>
    %swap3A_136 = arith.constant 0 : i32
    %swap3A_137 = arith.index_cast %swap3A_136 : i32 to index
    %swap3A_138 = arith.constant 80 : index
    %swap3A_139 = tpu.vector_load %arg6[%swap3A_137, %swap3A_138] {strides = array<i32>} : memref<8x128xi32, #tpu.memory_space<vmem>>, vector<1x16xi32>,
    %swap3A_140 = vector.shape_cast %swap3A_139 : vector<1x16xi32> to vector<16xi32>
    %swap3A_141 = vector.shape_cast %and3A_135 : vector<16xi32> to vector<1x16xi32>
    tpu.vector_store %arg6[%swap3A_137, %swap3A_138], %swap3A_141 {strides = array<i32>} : memref<8x128xi32, #tpu.memory_space<vmem>>, vector<1x16xi32>,
    %shift_right_logical3A_142 = arith.constant 14 : i32
    %shift_right_logical3A_143 = vector.broadcast %shift_right_logical3A_142 : i32 to vector<16xi32>
    %shift_right_logical3A_144 = arith.shrui %get3A_132, %shift_right_logical3A_143 : vector<16xi32>
    %swap3A_145 = arith.constant 1 : i32
    %swap3A_146 = arith.index_cast %swap3A_145 : i32 to index
    %swap3A_147 = arith.constant 80 : index
    %swap3A_148 = tpu.vector_load %arg6[%swap3A_146, %swap3A_147] {strides = array<i32>} : memref<8x128xi32, #tpu.memory_space<vmem>>, vector<1x16xi32>,
    %swap3A_149 = vector.shape_cast %swap3A_148 : vector<1x16xi32> to vector<16xi32>
    %swap3A_150 = vector.shape_cast %shift_right_logical3A_144 : vector<16xi32> to vector<1x16xi32>
    tpu.vector_store %arg6[%swap3A_146, %swap3A_147], %swap3A_150 {strides = array<i32>} : memref<8x128xi32, #tpu.memory_space<vmem>>, vector<1x16xi32>,
    %get3A_151 = arith.constant 0 : i32
    %get3A_152 = arith.index_cast %get3A_151 : i32 to index
    %get3A_153 = arith.constant 96 : index
    %get3A_154 = tpu.vector_load %arg5[%get3A_152, %get3A_153] {strides = array<i32>} : memref<79x128xi32, #tpu.memory_space<vmem>>, vector<1x16xi32>,
    %get3A_155 = vector.shape_cast %get3A_154 : vector<1x16xi32> to vector<16xi32>
    %and3A_156 = arith.constant 16383 : i32
    %and3A_157 = vector.broadcast %and3A_156 : i32 to vector<16xi32>
    %and3A_158 = arith.andi %get3A_155, %and3A_157 : vector<16xi32>
    %swap3A_159 = arith.constant 0 : i32
    %swap3A_160 = arith.index_cast %swap3A_159 : i32 to index
    %swap3A_161 = arith.constant 96 : index
    %swap3A_162 = tpu.vector_load %arg6[%swap3A_160, %swap3A_161] {strides = array<i32>} : memref<8x128xi32, #tpu.memory_space<vmem>>, vector<1x16xi32>,
    %swap3A_163 = vector.shape_cast %swap3A_162 : vector<1x16xi32> to vector<16xi32>
    %swap3A_164 = vector.shape_cast %and3A_158 : vector<16xi32> to vector<1x16xi32>
    tpu.vector_store %arg6[%swap3A_160, %swap3A_161], %swap3A_164 {strides = array<i32>} : memref<8x128xi32, #tpu.memory_space<vmem>>, vector<1x16xi32>,
    %shift_right_logical3A_165 = arith.constant 14 : i32
    %shift_right_logical3A_166 = vector.broadcast %shift_right_logical3A_165 : i32 to vector<16xi32>
    %shift_right_logical3A_167 = arith.shrui %get3A_155, %shift_right_logical3A_166 : vector<16xi32>
    %swap3A_168 = arith.constant 1 : i32
    %swap3A_169 = arith.index_cast %swap3A_168 : i32 to index
    %swap3A_170 = arith.constant 96 : index
    %swap3A_171 = tpu.vector_load %arg6[%swap3A_169, %swap3A_170] {strides = array<i32>} : memref<8x128xi32, #tpu.memory_space<vmem>>, vector<1x16xi32>,
    %swap3A_172 = vector.shape_cast %swap3A_171 : vector<1x16xi32> to vector<16xi32>
    %swap3A_173 = vector.shape_cast %shift_right_logical3A_167 : vector<16xi32> to vector<1x16xi32>
    tpu.vector_store %arg6[%swap3A_169, %swap3A_170], %swap3A_173 {strides = array<i32>} : memref<8x128xi32, #tpu.memory_space<vmem>>, vector<1x16xi32>,
    %get3A_174 = arith.constant 0 : i32
    %get3A_175 = arith.index_cast %get3A_174 : i32 to index
    %get3A_176 = arith.constant 112 : index
    %get3A_177 = tpu.vector_load %arg5[%get3A_175, %get3A_176] {strides = array<i32>} : memref<79x128xi32, #tpu.memory_space<vmem>>, vector<1x16xi32>,
    %get3A_178 = vector.shape_cast %get3A_177 : vector<1x16xi32> to vector<16xi32>
    %and3A_179 = arith.constant 16383 : i32
    %and3A_180 = vector.broadcast %and3A_179 : i32 to vector<16xi32>
    %and3A_181 = arith.andi %get3A_178, %and3A_180 : vector<16xi32>
    %swap3A_182 = arith.constant 0 : i32
    %swap3A_183 = arith.index_cast %swap3A_182 : i32 to index
    %swap3A_184 = arith.constant 112 : index
    %swap3A_185 = tpu.vector_load %arg6[%swap3A_183, %swap3A_184] {strides = array<i32>} : memref<8x128xi32, #tpu.memory_space<vmem>>, vector<1x16xi32>,
    %swap3A_186 = vector.shape_cast %swap3A_185 : vector<1x16xi32> to vector<16xi32>
    %swap3A_187 = vector.shape_cast %and3A_181 : vector<16xi32> to vector<1x16xi32>
    tpu.vector_store %arg6[%swap3A_183, %swap3A_184], %swap3A_187 {strides = array<i32>} : memref<8x128xi32, #tpu.memory_space<vmem>>, vector<1x16xi32>,
    %shift_right_logical3A_188 = arith.constant 14 : i32
    %shift_right_logical3A_189 = vector.broadcast %shift_right_logical3A_188 : i32 to vector<16xi32>
    %shift_right_logical3A_190 = arith.shrui %get3A_178, %shift_right_logical3A_189 : vector<16xi32>
    %swap3A_191 = arith.constant 1 : i32
    %swap3A_192 = arith.index_cast %swap3A_191 : i32 to index
    %swap3A_193 = arith.constant 112 : index
    %swap3A_194 = tpu.vector_load %arg6[%swap3A_192, %swap3A_193] {strides = array<i32>} : memref<8x128xi32, #tpu.memory_space<vmem>>, vector<1x16xi32>,
    %swap3A_195 = vector.shape_cast %swap3A_194 : vector<1x16xi32> to vector<16xi32>
    %swap3A_196 = vector.shape_cast %shift_right_logical3A_190 : vector<16xi32> to vector<1x16xi32>
    tpu.vector_store %arg6[%swap3A_192, %swap3A_193], %swap3A_196 {strides = array<i32>} : memref<8x128xi32, #tpu.memory_space<vmem>>, vector<1x16xi32>,
    %dma_start3A = arith.constant 0 : i32
    %dma_start3A_197 = arith.constant 0 : i32
    %dma_start3A_198 = tpu.memref_slice %arg6[%dma_start3A, %dma_start3A_197] : memref<8x128xi32, #tpu.memory_space<vmem>> -> memref<1x128xi32, #tpu.memory_space<vmem>>
    %dma_start3A_199 = tpu.memref_squeeze %dma_start3A_198 : memref<1x128xi32, #tpu.memory_space<vmem>> -> memref<128xi32, #tpu.memory_space<vmem>>
    %dma_start3A_200 = arith.constant 0 : i32
    %dma_start3A_201 = arith.constant 0 : i32
    %dma_start3A_202 = tpu.memref_slice %arg2[%dma_start3A_200, %dma_start3A_201] : memref<10240x128xf32, #tpu.memory_space<hbm>> -> memref<10240x128xf32, #tpu.memory_space<hbm>>
    tpu.enqueue_indirect_dma source(%dma_start3A_202 : memref<10240x128xf32, #tpu.memory_space<hbm>>) target(%arg7 : memref<128x128xf32, #tpu.memory_space<vmem>>) offsets(%dma_start3A_199 : memref<128xi32, #tpu.memory_space<vmem>>) semaphore(%arg10 : memref<!tpu.dma_semaphore, #tpu.memory_space<semaphore_mem>>)
    %scan3A_203 = arith.constant 0 : i32
    %scan3A_204 = arith.constant 0 : i32
    %scan3A_205 = arith.constant 40 : i32
    %scan3A_206 = arith.addi %scan3A_204, %scan3A_205 : i32
    %scan3A_207 = arith.constant 1 : i32
    %scan3A_208 = scf.for %scan3A_224 = %scan3A_204 to %scan3A_206 step %scan3A_207 iter_args(%scan3A_225 = %scan3A_203) -> (i32)  : i32 {
      %mul3A_226 = arith.constant 2 : i32
      %mul3A_227 = arith.muli %scan3A_224, %mul3A_226 : i32
      %add3A_228 = arith.constant 0 : i32
      %add3A_229 = arith.addi %mul3A_227, %add3A_228 : i32
      %lt3A = arith.constant 79 : i32
      %lt3A_230 = arith.cmpi slt, %add3A_229, %lt3A : i32
      %convert_element_type3A = arith.extui %lt3A_230 : i1 to i32
      %cond3A = arith.constant 0 : i32
      %cond3A_231 = arith.cmpi ne, %convert_element_type3A, %cond3A : i32
      scf.if %cond3A_231 {
        %add3A_242 = arith.constant 1 : i32
        %add3A_243 = arith.addi %add3A_229, %add3A_242 : i32
        %lt3A_244 = arith.constant 79 : i32
        %lt3A_245 = arith.cmpi slt, %add3A_243, %lt3A_244 : i32
        %convert_element_type3A_246 = arith.extui %lt3A_245 : i1 to i32
        %cond3A_247 = arith.constant 0 : i32
        %cond3A_248 = arith.cmpi ne, %convert_element_type3A_246, %cond3A_247 : i32
        scf.if %cond3A_248 {
          %ge3A = arith.constant 2 : i32
          %ge3A_263 = arith.cmpi sge, %add3A_243, %ge3A : i32
          %convert_element_type3A_264 = arith.extui %ge3A_263 : i1 to i32
          %cond3A_265 = arith.constant 0 : i32
          %cond3A_266 = arith.cmpi ne, %convert_element_type3A_264, %cond3A_265 : i32
          scf.if %cond3A_266 {
            %dma_wait3A_450 = arith.constant 3 : i32
            %dma_wait3A_451 = arith.constant 0 : i32
            %dma_wait3A_452 = tpu.memref_slice %arg6[%dma_wait3A_450, %dma_wait3A_451] : memref<8x128xi32, #tpu.memory_space<vmem>> -> memref<1x128xi32, #tpu.memory_space<vmem>>
            %dma_wait3A_453 = tpu.memref_squeeze %dma_wait3A_452 : memref<1x128xi32, #tpu.memory_space<vmem>> -> memref<128xi32, #tpu.memory_space<vmem>>
            %dma_wait3A_454 = arith.constant 0 : i32
            %dma_wait3A_455 = arith.constant 0 : i32
            %dma_wait3A_456 = tpu.memref_slice %arg9[%dma_wait3A_454, %dma_wait3A_455] : memref<10240x128xf32, #tpu.memory_space<vmem_shared>> -> memref<10240x128xf32, #tpu.memory_space<vmem_shared>>
            tpu.wait_indirect_dma semaphore(%arg13 : memref<!tpu.dma_semaphore, #tpu.memory_space<semaphore_mem>>) src(%arg8 : memref<128x128xf32, #tpu.memory_space<vmem>>) dst(%dma_wait3A_456 : memref<10240x128xf32, #tpu.memory_space<vmem_shared>>)
          } else {
          }
          %get3A_267 = arith.index_cast %add3A_243 : i32 to index
          %get3A_268 = arith.constant 0 : index
          %get3A_269 = tpu.vector_load %arg5[%get3A_267, %get3A_268] {strides = array<i32>} : memref<79x128xi32, #tpu.memory_space<vmem>>, vector<1x16xi32>,
          %get3A_270 = vector.shape_cast %get3A_269 : vector<1x16xi32> to vector<16xi32>
          %and3A_271 = arith.constant 16383 : i32
          %and3A_272 = vector.broadcast %and3A_271 : i32 to vector<16xi32>
          %and3A_273 = arith.andi %get3A_270, %and3A_272 : vector<16xi32>
          %swap3A_274 = arith.constant 2 : i32
          %swap3A_275 = arith.index_cast %swap3A_274 : i32 to index
          %swap3A_276 = arith.constant 0 : index
          %swap3A_277 = tpu.vector_load %arg6[%swap3A_275, %swap3A_276] {strides = array<i32>} : memref<8x128xi32, #tpu.memory_space<vmem>>, vector<1x16xi32>,
          %swap3A_278 = vector.shape_cast %swap3A_277 : vector<1x16xi32> to vector<16xi32>
          %swap3A_279 = vector.shape_cast %and3A_273 : vector<16xi32> to vector<1x16xi32>
          tpu.vector_store %arg6[%swap3A_275, %swap3A_276], %swap3A_279 {strides = array<i32>} : memref<8x128xi32, #tpu.memory_space<vmem>>, vector<1x16xi32>,
          %shift_right_logical3A_280 = arith.constant 14 : i32
          %shift_right_logical3A_281 = vector.broadcast %shift_right_logical3A_280 : i32 to vector<16xi32>
          %shift_right_logical3A_282 = arith.shrui %get3A_270, %shift_right_logical3A_281 : vector<16xi32>
          %swap3A_283 = arith.constant 3 : i32
          %swap3A_284 = arith.index_cast %swap3A_283 : i32 to index
          %swap3A_285 = arith.constant 0 : index
          %swap3A_286 = tpu.vector_load %arg6[%swap3A_284, %swap3A_285] {strides = array<i32>} : memref<8x128xi32, #tpu.memory_space<vmem>>, vector<1x16xi32>,
          %swap3A_287 = vector.shape_cast %swap3A_286 : vector<1x16xi32> to vector<16xi32>
          %swap3A_288 = vector.shape_cast %shift_right_logical3A_282 : vector<16xi32> to vector<1x16xi32>
          tpu.vector_store %arg6[%swap3A_284, %swap3A_285], %swap3A_288 {strides = array<i32>} : memref<8x128xi32, #tpu.memory_space<vmem>>, vector<1x16xi32>,
          %get3A_289 = arith.index_cast %add3A_243 : i32 to index
          %get3A_290 = arith.constant 16 : index
          %get3A_291 = tpu.vector_load %arg5[%get3A_289, %get3A_290] {strides = array<i32>} : memref<79x128xi32, #tpu.memory_space<vmem>>, vector<1x16xi32>,
          %get3A_292 = vector.shape_cast %get3A_291 : vector<1x16xi32> to vector<16xi32>
          %and3A_293 = arith.constant 16383 : i32
          %and3A_294 = vector.broadcast %and3A_293 : i32 to vector<16xi32>
          %and3A_295 = arith.andi %get3A_292, %and3A_294 : vector<16xi32>
          %swap3A_296 = arith.constant 2 : i32
          %swap3A_297 = arith.index_cast %swap3A_296 : i32 to index
          %swap3A_298 = arith.constant 16 : index
          %swap3A_299 = tpu.vector_load %arg6[%swap3A_297, %swap3A_298] {strides = array<i32>} : memref<8x128xi32, #tpu.memory_space<vmem>>, vector<1x16xi32>,
          %swap3A_300 = vector.shape_cast %swap3A_299 : vector<1x16xi32> to vector<16xi32>
          %swap3A_301 = vector.shape_cast %and3A_295 : vector<16xi32> to vector<1x16xi32>
          tpu.vector_store %arg6[%swap3A_297, %swap3A_298], %swap3A_301 {strides = array<i32>} : memref<8x128xi32, #tpu.memory_space<vmem>>, vector<1x16xi32>,
          %shift_right_logical3A_302 = arith.constant 14 : i32
          %shift_right_logical3A_303 = vector.broadcast %shift_right_logical3A_302 : i32 to vector<16xi32>
          %shift_right_logical3A_304 = arith.shrui %get3A_292, %shift_right_logical3A_303 : vector<16xi32>
          %swap3A_305 = arith.constant 3 : i32
          %swap3A_306 = arith.index_cast %swap3A_305 : i32 to index
          %swap3A_307 = arith.constant 16 : index
          %swap3A_308 = tpu.vector_load %arg6[%swap3A_306, %swap3A_307] {strides = array<i32>} : memref<8x128xi32, #tpu.memory_space<vmem>>, vector<1x16xi32>,
          %swap3A_309 = vector.shape_cast %swap3A_308 : vector<1x16xi32> to vector<16xi32>
          %swap3A_310 = vector.shape_cast %shift_right_logical3A_304 : vector<16xi32> to vector<1x16xi32>
          tpu.vector_store %arg6[%swap3A_306, %swap3A_307], %swap3A_310 {strides = array<i32>} : memref<8x128xi32, #tpu.memory_space<vmem>>, vector<1x16xi32>,
          %get3A_311 = arith.index_cast %add3A_243 : i32 to index
          %get3A_312 = arith.constant 32 : index
          %get3A_313 = tpu.vector_load %arg5[%get3A_311, %get3A_312] {strides = array<i32>} : memref<79x128xi32, #tpu.memory_space<vmem>>, vector<1x16xi32>,
          %get3A_314 = vector.shape_cast %get3A_313 : vector<1x16xi32> to vector<16xi32>
          %and3A_315 = arith.constant 16383 : i32
          %and3A_316 = vector.broadcast %and3A_315 : i32 to vector<16xi32>
          %and3A_317 = arith.andi %get3A_314, %and3A_316 : vector<16xi32>
          %swap3A_318 = arith.constant 2 : i32
          %swap3A_319 = arith.index_cast %swap3A_318 : i32 to index
          %swap3A_320 = arith.constant 32 : index
          %swap3A_321 = tpu.vector_load %arg6[%swap3A_319, %swap3A_320] {strides = array<i32>} : memref<8x128xi32, #tpu.memory_space<vmem>>, vector<1x16xi32>,
          %swap3A_322 = vector.shape_cast %swap3A_321 : vector<1x16xi32> to vector<16xi32>
          %swap3A_323 = vector.shape_cast %and3A_317 : vector<16xi32> to vector<1x16xi32>
          tpu.vector_store %arg6[%swap3A_319, %swap3A_320], %swap3A_323 {strides = array<i32>} : memref<8x128xi32, #tpu.memory_space<vmem>>, vector<1x16xi32>,
          %shift_right_logical3A_324 = arith.constant 14 : i32
          %shift_right_logical3A_325 = vector.broadcast %shift_right_logical3A_324 : i32 to vector<16xi32>
          %shift_right_logical3A_326 = arith.shrui %get3A_314, %shift_right_logical3A_325 : vector<16xi32>
          %swap3A_327 = arith.constant 3 : i32
          %swap3A_328 = arith.index_cast %swap3A_327 : i32 to index
          %swap3A_329 = arith.constant 32 : index
          %swap3A_330 = tpu.vector_load %arg6[%swap3A_328, %swap3A_329] {strides = array<i32>} : memref<8x128xi32, #tpu.memory_space<vmem>>, vector<1x16xi32>,
          %swap3A_331 = vector.shape_cast %swap3A_330 : vector<1x16xi32> to vector<16xi32>
          %swap3A_332 = vector.shape_cast %shift_right_logical3A_326 : vector<16xi32> to vector<1x16xi32>
          tpu.vector_store %arg6[%swap3A_328, %swap3A_329], %swap3A_332 {strides = array<i32>} : memref<8x128xi32, #tpu.memory_space<vmem>>, vector<1x16xi32>,
          %get3A_333 = arith.index_cast %add3A_243 : i32 to index
          %get3A_334 = arith.constant 48 : index
          %get3A_335 = tpu.vector_load %arg5[%get3A_333, %get3A_334] {strides = array<i32>} : memref<79x128xi32, #tpu.memory_space<vmem>>, vector<1x16xi32>,
          %get3A_336 = vector.shape_cast %get3A_335 : vector<1x16xi32> to vector<16xi32>
          %and3A_337 = arith.constant 16383 : i32
          %and3A_338 = vector.broadcast %and3A_337 : i32 to vector<16xi32>
          %and3A_339 = arith.andi %get3A_336, %and3A_338 : vector<16xi32>
          %swap3A_340 = arith.constant 2 : i32
          %swap3A_341 = arith.index_cast %swap3A_340 : i32 to index
          %swap3A_342 = arith.constant 48 : index
          %swap3A_343 = tpu.vector_load %arg6[%swap3A_341, %swap3A_342] {strides = array<i32>} : memref<8x128xi32, #tpu.memory_space<vmem>>, vector<1x16xi32>,
          %swap3A_344 = vector.shape_cast %swap3A_343 : vector<1x16xi32> to vector<16xi32>
          %swap3A_345 = vector.shape_cast %and3A_339 : vector<16xi32> to vector<1x16xi32>
          tpu.vector_store %arg6[%swap3A_341, %swap3A_342], %swap3A_345 {strides = array<i32>} : memref<8x128xi32, #tpu.memory_space<vmem>>, vector<1x16xi32>,
          %shift_right_logical3A_346 = arith.constant 14 : i32
          %shift_right_logical3A_347 = vector.broadcast %shift_right_logical3A_346 : i32 to vector<16xi32>
          %shift_right_logical3A_348 = arith.shrui %get3A_336, %shift_right_logical3A_347 : vector<16xi32>
          %swap3A_349 = arith.constant 3 : i32
          %swap3A_350 = arith.index_cast %swap3A_349 : i32 to index
          %swap3A_351 = arith.constant 48 : index
          %swap3A_352 = tpu.vector_load %arg6[%swap3A_350, %swap3A_351] {strides = array<i32>} : memref<8x128xi32, #tpu.memory_space<vmem>>, vector<1x16xi32>,
          %swap3A_353 = vector.shape_cast %swap3A_352 : vector<1x16xi32> to vector<16xi32>
          %swap3A_354 = vector.shape_cast %shift_right_logical3A_348 : vector<16xi32> to vector<1x16xi32>
          tpu.vector_store %arg6[%swap3A_350, %swap3A_351], %swap3A_354 {strides = array<i32>} : memref<8x128xi32, #tpu.memory_space<vmem>>, vector<1x16xi32>,
          %get3A_355 = arith.index_cast %add3A_243 : i32 to index
          %get3A_356 = arith.constant 64 : index
          %get3A_357 = tpu.vector_load %arg5[%get3A_355, %get3A_356] {strides = array<i32>} : memref<79x128xi32, #tpu.memory_space<vmem>>, vector<1x16xi32>,
          %get3A_358 = vector.shape_cast %get3A_357 : vector<1x16xi32> to vector<16xi32>
          %and3A_359 = arith.constant 16383 : i32
          %and3A_360 = vector.broadcast %and3A_359 : i32 to vector<16xi32>
          %and3A_361 = arith.andi %get3A_358, %and3A_360 : vector<16xi32>
          %swap3A_362 = arith.constant 2 : i32
          %swap3A_363 = arith.index_cast %swap3A_362 : i32 to index
          %swap3A_364 = arith.constant 64 : index
          %swap3A_365 = tpu.vector_load %arg6[%swap3A_363, %swap3A_364] {strides = array<i32>} : memref<8x128xi32, #tpu.memory_space<vmem>>, vector<1x16xi32>,
          %swap3A_366 = vector.shape_cast %swap3A_365 : vector<1x16xi32> to vector<16xi32>
          %swap3A_367 = vector.shape_cast %and3A_361 : vector<16xi32> to vector<1x16xi32>
          tpu.vector_store %arg6[%swap3A_363, %swap3A_364], %swap3A_367 {strides = array<i32>} : memref<8x128xi32, #tpu.memory_space<vmem>>, vector<1x16xi32>,
          %shift_right_logical3A_368 = arith.constant 14 : i32
          %shift_right_logical3A_369 = vector.broadcast %shift_right_logical3A_368 : i32 to vector<16xi32>
          %shift_right_logical3A_370 = arith.shrui %get3A_358, %shift_right_logical3A_369 : vector<16xi32>
          %swap3A_371 = arith.constant 3 : i32
          %swap3A_372 = arith.index_cast %swap3A_371 : i32 to index
          %swap3A_373 = arith.constant 64 : index
          %swap3A_374 = tpu.vector_load %arg6[%swap3A_372, %swap3A_373] {strides = array<i32>} : memref<8x128xi32, #tpu.memory_space<vmem>>, vector<1x16xi32>,
          %swap3A_375 = vector.shape_cast %swap3A_374 : vector<1x16xi32> to vector<16xi32>
          %swap3A_376 = vector.shape_cast %shift_right_logical3A_370 : vector<16xi32> to vector<1x16xi32>
          tpu.vector_store %arg6[%swap3A_372, %swap3A_373], %swap3A_376 {strides = array<i32>} : memref<8x128xi32, #tpu.memory_space<vmem>>, vector<1x16xi32>,
          %get3A_377 = arith.index_cast %add3A_243 : i32 to index
          %get3A_378 = arith.constant 80 : index
          %get3A_379 = tpu.vector_load %arg5[%get3A_377, %get3A_378] {strides = array<i32>} : memref<79x128xi32, #tpu.memory_space<vmem>>, vector<1x16xi32>,
          %get3A_380 = vector.shape_cast %get3A_379 : vector<1x16xi32> to vector<16xi32>
          %and3A_381 = arith.constant 16383 : i32
          %and3A_382 = vector.broadcast %and3A_381 : i32 to vector<16xi32>
          %and3A_383 = arith.andi %get3A_380, %and3A_382 : vector<16xi32>
          %swap3A_384 = arith.constant 2 : i32
          %swap3A_385 = arith.index_cast %swap3A_384 : i32 to index
          %swap3A_386 = arith.constant 80 : index
          %swap3A_387 = tpu.vector_load %arg6[%swap3A_385, %swap3A_386] {strides = array<i32>} : memref<8x128xi32, #tpu.memory_space<vmem>>, vector<1x16xi32>,
          %swap3A_388 = vector.shape_cast %swap3A_387 : vector<1x16xi32> to vector<16xi32>
          %swap3A_389 = vector.shape_cast %and3A_383 : vector<16xi32> to vector<1x16xi32>
          tpu.vector_store %arg6[%swap3A_385, %swap3A_386], %swap3A_389 {strides = array<i32>} : memref<8x128xi32, #tpu.memory_space<vmem>>, vector<1x16xi32>,
          %shift_right_logical3A_390 = arith.constant 14 : i32
          %shift_right_logical3A_391 = vector.broadcast %shift_right_logical3A_390 : i32 to vector<16xi32>
          %shift_right_logical3A_392 = arith.shrui %get3A_380, %shift_right_logical3A_391 : vector<16xi32>
          %swap3A_393 = arith.constant 3 : i32
          %swap3A_394 = arith.index_cast %swap3A_393 : i32 to index
          %swap3A_395 = arith.constant 80 : index
          %swap3A_396 = tpu.vector_load %arg6[%swap3A_394, %swap3A_395] {strides = array<i32>} : memref<8x128xi32, #tpu.memory_space<vmem>>, vector<1x16xi32>,
          %swap3A_397 = vector.shape_cast %swap3A_396 : vector<1x16xi32> to vector<16xi32>
          %swap3A_398 = vector.shape_cast %shift_right_logical3A_392 : vector<16xi32> to vector<1x16xi32>
          tpu.vector_store %arg6[%swap3A_394, %swap3A_395], %swap3A_398 {strides = array<i32>} : memref<8x128xi32, #tpu.memory_space<vmem>>, vector<1x16xi32>,
          %get3A_399 = arith.index_cast %add3A_243 : i32 to index
          %get3A_400 = arith.constant 96 : index
          %get3A_401 = tpu.vector_load %arg5[%get3A_399, %get3A_400] {strides = array<i32>} : memref<79x128xi32, #tpu.memory_space<vmem>>, vector<1x16xi32>,
          %get3A_402 = vector.shape_cast %get3A_401 : vector<1x16xi32> to vector<16xi32>
          %and3A_403 = arith.constant 16383 : i32
          %and3A_404 = vector.broadcast %and3A_403 : i32 to vector<16xi32>
          %and3A_405 = arith.andi %get3A_402, %and3A_404 : vector<16xi32>
          %swap3A_406 = arith.constant 2 : i32
          %swap3A_407 = arith.index_cast %swap3A_406 : i32 to index
          %swap3A_408 = arith.constant 96 : index
          %swap3A_409 = tpu.vector_load %arg6[%swap3A_407, %swap3A_408] {strides = array<i32>} : memref<8x128xi32, #tpu.memory_space<vmem>>, vector<1x16xi32>,
          %swap3A_410 = vector.shape_cast %swap3A_409 : vector<1x16xi32> to vector<16xi32>
          %swap3A_411 = vector.shape_cast %and3A_405 : vector<16xi32> to vector<1x16xi32>
          tpu.vector_store %arg6[%swap3A_407, %swap3A_408], %swap3A_411 {strides = array<i32>} : memref<8x128xi32, #tpu.memory_space<vmem>>, vector<1x16xi32>,
          %shift_right_logical3A_412 = arith.constant 14 : i32
          %shift_right_logical3A_413 = vector.broadcast %shift_right_logical3A_412 : i32 to vector<16xi32>
          %shift_right_logical3A_414 = arith.shrui %get3A_402, %shift_right_logical3A_413 : vector<16xi32>
          %swap3A_415 = arith.constant 3 : i32
          %swap3A_416 = arith.index_cast %swap3A_415 : i32 to index
          %swap3A_417 = arith.constant 96 : index
          %swap3A_418 = tpu.vector_load %arg6[%swap3A_416, %swap3A_417] {strides = array<i32>} : memref<8x128xi32, #tpu.memory_space<vmem>>, vector<1x16xi32>,
          %swap3A_419 = vector.shape_cast %swap3A_418 : vector<1x16xi32> to vector<16xi32>
          %swap3A_420 = vector.shape_cast %shift_right_logical3A_414 : vector<16xi32> to vector<1x16xi32>
          tpu.vector_store %arg6[%swap3A_416, %swap3A_417], %swap3A_420 {strides = array<i32>} : memref<8x128xi32, #tpu.memory_space<vmem>>, vector<1x16xi32>,
          %get3A_421 = arith.index_cast %add3A_243 : i32 to index
          %get3A_422 = arith.constant 112 : index
          %get3A_423 = tpu.vector_load %arg5[%get3A_421, %get3A_422] {strides = array<i32>} : memref<79x128xi32, #tpu.memory_space<vmem>>, vector<1x16xi32>,
          %get3A_424 = vector.shape_cast %get3A_423 : vector<1x16xi32> to vector<16xi32>
          %and3A_425 = arith.constant 16383 : i32
          %and3A_426 = vector.broadcast %and3A_425 : i32 to vector<16xi32>
          %and3A_427 = arith.andi %get3A_424, %and3A_426 : vector<16xi32>
          %swap3A_428 = arith.constant 2 : i32
          %swap3A_429 = arith.index_cast %swap3A_428 : i32 to index
          %swap3A_430 = arith.constant 112 : index
          %swap3A_431 = tpu.vector_load %arg6[%swap3A_429, %swap3A_430] {strides = array<i32>} : memref<8x128xi32, #tpu.memory_space<vmem>>, vector<1x16xi32>,
          %swap3A_432 = vector.shape_cast %swap3A_431 : vector<1x16xi32> to vector<16xi32>
          %swap3A_433 = vector.shape_cast %and3A_427 : vector<16xi32> to vector<1x16xi32>
          tpu.vector_store %arg6[%swap3A_429, %swap3A_430], %swap3A_433 {strides = array<i32>} : memref<8x128xi32, #tpu.memory_space<vmem>>, vector<1x16xi32>,
          %shift_right_logical3A_434 = arith.constant 14 : i32
          %shift_right_logical3A_435 = vector.broadcast %shift_right_logical3A_434 : i32 to vector<16xi32>
          %shift_right_logical3A_436 = arith.shrui %get3A_424, %shift_right_logical3A_435 : vector<16xi32>
          %swap3A_437 = arith.constant 3 : i32
          %swap3A_438 = arith.index_cast %swap3A_437 : i32 to index
          %swap3A_439 = arith.constant 112 : index
          %swap3A_440 = tpu.vector_load %arg6[%swap3A_438, %swap3A_439] {strides = array<i32>} : memref<8x128xi32, #tpu.memory_space<vmem>>, vector<1x16xi32>,
          %swap3A_441 = vector.shape_cast %swap3A_440 : vector<1x16xi32> to vector<16xi32>
          %swap3A_442 = vector.shape_cast %shift_right_logical3A_436 : vector<16xi32> to vector<1x16xi32>
          tpu.vector_store %arg6[%swap3A_438, %swap3A_439], %swap3A_442 {strides = array<i32>} : memref<8x128xi32, #tpu.memory_space<vmem>>, vector<1x16xi32>,
          %dma_start3A_443 = arith.constant 2 : i32
          %dma_start3A_444 = arith.constant 0 : i32
          %dma_start3A_445 = tpu.memref_slice %arg6[%dma_start3A_443, %dma_start3A_444] : memref<8x128xi32, #tpu.memory_space<vmem>> -> memref<1x128xi32, #tpu.memory_space<vmem>>
          %dma_start3A_446 = tpu.memref_squeeze %dma_start3A_445 : memref<1x128xi32, #tpu.memory_space<vmem>> -> memref<128xi32, #tpu.memory_space<vmem>>
          %dma_start3A_447 = arith.constant 0 : i32
          %dma_start3A_448 = arith.constant 0 : i32
          %dma_start3A_449 = tpu.memref_slice %arg2[%dma_start3A_447, %dma_start3A_448] : memref<10240x128xf32, #tpu.memory_space<hbm>> -> memref<10240x128xf32, #tpu.memory_space<hbm>>
          tpu.enqueue_indirect_dma source(%dma_start3A_449 : memref<10240x128xf32, #tpu.memory_space<hbm>>) target(%arg8 : memref<128x128xf32, #tpu.memory_space<vmem>>) offsets(%dma_start3A_446 : memref<128xi32, #tpu.memory_space<vmem>>) semaphore(%arg11 : memref<!tpu.dma_semaphore, #tpu.memory_space<semaphore_mem>>)
        } else {
        }
        %dma_wait3A_249 = arith.constant 0 : i32
        %dma_wait3A_250 = arith.constant 0 : i32
        %dma_wait3A_251 = tpu.memref_slice %arg6[%dma_wait3A_249, %dma_wait3A_250] : memref<8x128xi32, #tpu.memory_space<vmem>> -> memref<1x128xi32, #tpu.memory_space<vmem>>
        %dma_wait3A_252 = tpu.memref_squeeze %dma_wait3A_251 : memref<1x128xi32, #tpu.memory_space<vmem>> -> memref<128xi32, #tpu.memory_space<vmem>>
        %dma_wait3A_253 = arith.constant 0 : i32
        %dma_wait3A_254 = arith.constant 0 : i32
        %dma_wait3A_255 = tpu.memref_slice %arg2[%dma_wait3A_253, %dma_wait3A_254] : memref<10240x128xf32, #tpu.memory_space<hbm>> -> memref<10240x128xf32, #tpu.memory_space<hbm>>
        tpu.wait_indirect_dma semaphore(%arg10 : memref<!tpu.dma_semaphore, #tpu.memory_space<semaphore_mem>>) src(%dma_wait3A_255 : memref<10240x128xf32, #tpu.memory_space<hbm>>) dst(%arg7 : memref<128x128xf32, #tpu.memory_space<vmem>>)
        %dma_start3A_256 = arith.constant 1 : i32
        %dma_start3A_257 = arith.constant 0 : i32
        %dma_start3A_258 = tpu.memref_slice %arg6[%dma_start3A_256, %dma_start3A_257] : memref<8x128xi32, #tpu.memory_space<vmem>> -> memref<1x128xi32, #tpu.memory_space<vmem>>
        %dma_start3A_259 = tpu.memref_squeeze %dma_start3A_258 : memref<1x128xi32, #tpu.memory_space<vmem>> -> memref<128xi32, #tpu.memory_space<vmem>>
        %dma_start3A_260 = arith.constant 0 : i32
        %dma_start3A_261 = arith.constant 0 : i32
        %dma_start3A_262 = tpu.memref_slice %arg9[%dma_start3A_260, %dma_start3A_261] : memref<10240x128xf32, #tpu.memory_space<vmem_shared>> -> memref<10240x128xf32, #tpu.memory_space<vmem_shared>>
        tpu.enqueue_indirect_dma source(%arg7 : memref<128x128xf32, #tpu.memory_space<vmem>>) target(%dma_start3A_262 : memref<10240x128xf32, #tpu.memory_space<vmem_shared>>) offsets(%dma_start3A_259 : memref<128xi32, #tpu.memory_space<vmem>>) semaphore(%arg12 : memref<!tpu.dma_semaphore, #tpu.memory_space<semaphore_mem>>) {add = true}
      } else {
      }
      %mul3A_232 = arith.constant 2 : i32
      %mul3A_233 = arith.muli %scan3A_224, %mul3A_232 : i32
      %add3A_234 = arith.constant 1 : i32
      %add3A_235 = arith.addi %mul3A_233, %add3A_234 : i32
      %lt3A_236 = arith.constant 79 : i32
      %lt3A_237 = arith.cmpi slt, %add3A_235, %lt3A_236 : i32
      %convert_element_type3A_238 = arith.extui %lt3A_237 : i1 to i32
      %cond3A_239 = arith.constant 0 : i32
      %cond3A_240 = arith.cmpi ne, %convert_element_type3A_238, %cond3A_239 : i32
      scf.if %cond3A_240 {
        %add3A_242 = arith.constant 1 : i32
        %add3A_243 = arith.addi %add3A_235, %add3A_242 : i32
        %lt3A_244 = arith.constant 79 : i32
        %lt3A_245 = arith.cmpi slt, %add3A_243, %lt3A_244 : i32
        %convert_element_type3A_246 = arith.extui %lt3A_245 : i1 to i32
        %cond3A_247 = arith.constant 0 : i32
        %cond3A_248 = arith.cmpi ne, %convert_element_type3A_246, %cond3A_247 : i32
        scf.if %cond3A_248 {
          %ge3A = arith.constant 2 : i32
          %ge3A_263 = arith.cmpi sge, %add3A_243, %ge3A : i32
          %convert_element_type3A_264 = arith.extui %ge3A_263 : i1 to i32
          %cond3A_265 = arith.constant 0 : i32
          %cond3A_266 = arith.cmpi ne, %convert_element_type3A_264, %cond3A_265 : i32
          scf.if %cond3A_266 {
            %dma_wait3A_450 = arith.constant 1 : i32
            %dma_wait3A_451 = arith.constant 0 : i32
            %dma_wait3A_452 = tpu.memref_slice %arg6[%dma_wait3A_450, %dma_wait3A_451] : memref<8x128xi32, #tpu.memory_space<vmem>> -> memref<1x128xi32, #tpu.memory_space<vmem>>
            %dma_wait3A_453 = tpu.memref_squeeze %dma_wait3A_452 : memref<1x128xi32, #tpu.memory_space<vmem>> -> memref<128xi32, #tpu.memory_space<vmem>>
            %dma_wait3A_454 = arith.constant 0 : i32
            %dma_wait3A_455 = arith.constant 0 : i32
            %dma_wait3A_456 = tpu.memref_slice %arg9[%dma_wait3A_454, %dma_wait3A_455] : memref<10240x128xf32, #tpu.memory_space<vmem_shared>> -> memref<10240x128xf32, #tpu.memory_space<vmem_shared>>
            tpu.wait_indirect_dma semaphore(%arg12 : memref<!tpu.dma_semaphore, #tpu.memory_space<semaphore_mem>>) src(%arg7 : memref<128x128xf32, #tpu.memory_space<vmem>>) dst(%dma_wait3A_456 : memref<10240x128xf32, #tpu.memory_space<vmem_shared>>)
          } else {
          }
          %get3A_267 = arith.index_cast %add3A_243 : i32 to index
          %get3A_268 = arith.constant 0 : index
          %get3A_269 = tpu.vector_load %arg5[%get3A_267, %get3A_268] {strides = array<i32>} : memref<79x128xi32, #tpu.memory_space<vmem>>, vector<1x16xi32>,
          %get3A_270 = vector.shape_cast %get3A_269 : vector<1x16xi32> to vector<16xi32>
          %and3A_271 = arith.constant 16383 : i32
          %and3A_272 = vector.broadcast %and3A_271 : i32 to vector<16xi32>
          %and3A_273 = arith.andi %get3A_270, %and3A_272 : vector<16xi32>
          %swap3A_274 = arith.constant 0 : i32
          %swap3A_275 = arith.index_cast %swap3A_274 : i32 to index
          %swap3A_276 = arith.constant 0 : index
          %swap3A_277 = tpu.vector_load %arg6[%swap3A_275, %swap3A_276] {strides = array<i32>} : memref<8x128xi32, #tpu.memory_space<vmem>>, vector<1x16xi32>,
          %swap3A_278 = vector.shape_cast %swap3A_277 : vector<1x16xi32> to vector<16xi32>
          %swap3A_279 = vector.shape_cast %and3A_273 : vector<16xi32> to vector<1x16xi32>
          tpu.vector_store %arg6[%swap3A_275, %swap3A_276], %swap3A_279 {strides = array<i32>} : memref<8x128xi32, #tpu.memory_space<vmem>>, vector<1x16xi32>,
          %shift_right_logical3A_280 = arith.constant 14 : i32
          %shift_right_logical3A_281 = vector.broadcast %shift_right_logical3A_280 : i32 to vector<16xi32>
          %shift_right_logical3A_282 = arith.shrui %get3A_270, %shift_right_logical3A_281 : vector<16xi32>
          %swap3A_283 = arith.constant 1 : i32
          %swap3A_284 = arith.index_cast %swap3A_283 : i32 to index
          %swap3A_285 = arith.constant 0 : index
          %swap3A_286 = tpu.vector_load %arg6[%swap3A_284, %swap3A_285] {strides = array<i32>} : memref<8x128xi32, #tpu.memory_space<vmem>>, vector<1x16xi32>,
          %swap3A_287 = vector.shape_cast %swap3A_286 : vector<1x16xi32> to vector<16xi32>
          %swap3A_288 = vector.shape_cast %shift_right_logical3A_282 : vector<16xi32> to vector<1x16xi32>
          tpu.vector_store %arg6[%swap3A_284, %swap3A_285], %swap3A_288 {strides = array<i32>} : memref<8x128xi32, #tpu.memory_space<vmem>>, vector<1x16xi32>,
          %get3A_289 = arith.index_cast %add3A_243 : i32 to index
          %get3A_290 = arith.constant 16 : index
          %get3A_291 = tpu.vector_load %arg5[%get3A_289, %get3A_290] {strides = array<i32>} : memref<79x128xi32, #tpu.memory_space<vmem>>, vector<1x16xi32>,
          %get3A_292 = vector.shape_cast %get3A_291 : vector<1x16xi32> to vector<16xi32>
          %and3A_293 = arith.constant 16383 : i32
          %and3A_294 = vector.broadcast %and3A_293 : i32 to vector<16xi32>
          %and3A_295 = arith.andi %get3A_292, %and3A_294 : vector<16xi32>
          %swap3A_296 = arith.constant 0 : i32
          %swap3A_297 = arith.index_cast %swap3A_296 : i32 to index
          %swap3A_298 = arith.constant 16 : index
          %swap3A_299 = tpu.vector_load %arg6[%swap3A_297, %swap3A_298] {strides = array<i32>} : memref<8x128xi32, #tpu.memory_space<vmem>>, vector<1x16xi32>,
          %swap3A_300 = vector.shape_cast %swap3A_299 : vector<1x16xi32> to vector<16xi32>
          %swap3A_301 = vector.shape_cast %and3A_295 : vector<16xi32> to vector<1x16xi32>
          tpu.vector_store %arg6[%swap3A_297, %swap3A_298], %swap3A_301 {strides = array<i32>} : memref<8x128xi32, #tpu.memory_space<vmem>>, vector<1x16xi32>,
          %shift_right_logical3A_302 = arith.constant 14 : i32
          %shift_right_logical3A_303 = vector.broadcast %shift_right_logical3A_302 : i32 to vector<16xi32>
          %shift_right_logical3A_304 = arith.shrui %get3A_292, %shift_right_logical3A_303 : vector<16xi32>
          %swap3A_305 = arith.constant 1 : i32
          %swap3A_306 = arith.index_cast %swap3A_305 : i32 to index
          %swap3A_307 = arith.constant 16 : index
          %swap3A_308 = tpu.vector_load %arg6[%swap3A_306, %swap3A_307] {strides = array<i32>} : memref<8x128xi32, #tpu.memory_space<vmem>>, vector<1x16xi32>,
          %swap3A_309 = vector.shape_cast %swap3A_308 : vector<1x16xi32> to vector<16xi32>
          %swap3A_310 = vector.shape_cast %shift_right_logical3A_304 : vector<16xi32> to vector<1x16xi32>
          tpu.vector_store %arg6[%swap3A_306, %swap3A_307], %swap3A_310 {strides = array<i32>} : memref<8x128xi32, #tpu.memory_space<vmem>>, vector<1x16xi32>,
          %get3A_311 = arith.index_cast %add3A_243 : i32 to index
          %get3A_312 = arith.constant 32 : index
          %get3A_313 = tpu.vector_load %arg5[%get3A_311, %get3A_312] {strides = array<i32>} : memref<79x128xi32, #tpu.memory_space<vmem>>, vector<1x16xi32>,
          %get3A_314 = vector.shape_cast %get3A_313 : vector<1x16xi32> to vector<16xi32>
          %and3A_315 = arith.constant 16383 : i32
          %and3A_316 = vector.broadcast %and3A_315 : i32 to vector<16xi32>
          %and3A_317 = arith.andi %get3A_314, %and3A_316 : vector<16xi32>
          %swap3A_318 = arith.constant 0 : i32
          %swap3A_319 = arith.index_cast %swap3A_318 : i32 to index
          %swap3A_320 = arith.constant 32 : index
          %swap3A_321 = tpu.vector_load %arg6[%swap3A_319, %swap3A_320] {strides = array<i32>} : memref<8x128xi32, #tpu.memory_space<vmem>>, vector<1x16xi32>,
          %swap3A_322 = vector.shape_cast %swap3A_321 : vector<1x16xi32> to vector<16xi32>
          %swap3A_323 = vector.shape_cast %and3A_317 : vector<16xi32> to vector<1x16xi32>
          tpu.vector_store %arg6[%swap3A_319, %swap3A_320], %swap3A_323 {strides = array<i32>} : memref<8x128xi32, #tpu.memory_space<vmem>>, vector<1x16xi32>,
          %shift_right_logical3A_324 = arith.constant 14 : i32
          %shift_right_logical3A_325 = vector.broadcast %shift_right_logical3A_324 : i32 to vector<16xi32>
          %shift_right_logical3A_326 = arith.shrui %get3A_314, %shift_right_logical3A_325 : vector<16xi32>
          %swap3A_327 = arith.constant 1 : i32
          %swap3A_328 = arith.index_cast %swap3A_327 : i32 to index
          %swap3A_329 = arith.constant 32 : index
          %swap3A_330 = tpu.vector_load %arg6[%swap3A_328, %swap3A_329] {strides = array<i32>} : memref<8x128xi32, #tpu.memory_space<vmem>>, vector<1x16xi32>,
          %swap3A_331 = vector.shape_cast %swap3A_330 : vector<1x16xi32> to vector<16xi32>
          %swap3A_332 = vector.shape_cast %shift_right_logical3A_326 : vector<16xi32> to vector<1x16xi32>
          tpu.vector_store %arg6[%swap3A_328, %swap3A_329], %swap3A_332 {strides = array<i32>} : memref<8x128xi32, #tpu.memory_space<vmem>>, vector<1x16xi32>,
          %get3A_333 = arith.index_cast %add3A_243 : i32 to index
          %get3A_334 = arith.constant 48 : index
          %get3A_335 = tpu.vector_load %arg5[%get3A_333, %get3A_334] {strides = array<i32>} : memref<79x128xi32, #tpu.memory_space<vmem>>, vector<1x16xi32>,
          %get3A_336 = vector.shape_cast %get3A_335 : vector<1x16xi32> to vector<16xi32>
          %and3A_337 = arith.constant 16383 : i32
          %and3A_338 = vector.broadcast %and3A_337 : i32 to vector<16xi32>
          %and3A_339 = arith.andi %get3A_336, %and3A_338 : vector<16xi32>
          %swap3A_340 = arith.constant 0 : i32
          %swap3A_341 = arith.index_cast %swap3A_340 : i32 to index
          %swap3A_342 = arith.constant 48 : index
          %swap3A_343 = tpu.vector_load %arg6[%swap3A_341, %swap3A_342] {strides = array<i32>} : memref<8x128xi32, #tpu.memory_space<vmem>>, vector<1x16xi32>,
          %swap3A_344 = vector.shape_cast %swap3A_343 : vector<1x16xi32> to vector<16xi32>
          %swap3A_345 = vector.shape_cast %and3A_339 : vector<16xi32> to vector<1x16xi32>
          tpu.vector_store %arg6[%swap3A_341, %swap3A_342], %swap3A_345 {strides = array<i32>} : memref<8x128xi32, #tpu.memory_space<vmem>>, vector<1x16xi32>,
          %shift_right_logical3A_346 = arith.constant 14 : i32
          %shift_right_logical3A_347 = vector.broadcast %shift_right_logical3A_346 : i32 to vector<16xi32>
          %shift_right_logical3A_348 = arith.shrui %get3A_336, %shift_right_logical3A_347 : vector<16xi32>
          %swap3A_349 = arith.constant 1 : i32
          %swap3A_350 = arith.index_cast %swap3A_349 : i32 to index
          %swap3A_351 = arith.constant 48 : index
          %swap3A_352 = tpu.vector_load %arg6[%swap3A_350, %swap3A_351] {strides = array<i32>} : memref<8x128xi32, #tpu.memory_space<vmem>>, vector<1x16xi32>,
          %swap3A_353 = vector.shape_cast %swap3A_352 : vector<1x16xi32> to vector<16xi32>
          %swap3A_354 = vector.shape_cast %shift_right_logical3A_348 : vector<16xi32> to vector<1x16xi32>
          tpu.vector_store %arg6[%swap3A_350, %swap3A_351], %swap3A_354 {strides = array<i32>} : memref<8x128xi32, #tpu.memory_space<vmem>>, vector<1x16xi32>,
          %get3A_355 = arith.index_cast %add3A_243 : i32 to index
          %get3A_356 = arith.constant 64 : index
          %get3A_357 = tpu.vector_load %arg5[%get3A_355, %get3A_356] {strides = array<i32>} : memref<79x128xi32, #tpu.memory_space<vmem>>, vector<1x16xi32>,
          %get3A_358 = vector.shape_cast %get3A_357 : vector<1x16xi32> to vector<16xi32>
          %and3A_359 = arith.constant 16383 : i32
          %and3A_360 = vector.broadcast %and3A_359 : i32 to vector<16xi32>
          %and3A_361 = arith.andi %get3A_358, %and3A_360 : vector<16xi32>
          %swap3A_362 = arith.constant 0 : i32
          %swap3A_363 = arith.index_cast %swap3A_362 : i32 to index
          %swap3A_364 = arith.constant 64 : index
          %swap3A_365 = tpu.vector_load %arg6[%swap3A_363, %swap3A_364] {strides = array<i32>} : memref<8x128xi32, #tpu.memory_space<vmem>>, vector<1x16xi32>,
          %swap3A_366 = vector.shape_cast %swap3A_365 : vector<1x16xi32> to vector<16xi32>
          %swap3A_367 = vector.shape_cast %and3A_361 : vector<16xi32> to vector<1x16xi32>
          tpu.vector_store %arg6[%swap3A_363, %swap3A_364], %swap3A_367 {strides = array<i32>} : memref<8x128xi32, #tpu.memory_space<vmem>>, vector<1x16xi32>,
          %shift_right_logical3A_368 = arith.constant 14 : i32
          %shift_right_logical3A_369 = vector.broadcast %shift_right_logical3A_368 : i32 to vector<16xi32>
          %shift_right_logical3A_370 = arith.shrui %get3A_358, %shift_right_logical3A_369 : vector<16xi32>
          %swap3A_371 = arith.constant 1 : i32
          %swap3A_372 = arith.index_cast %swap3A_371 : i32 to index
          %swap3A_373 = arith.constant 64 : index
          %swap3A_374 = tpu.vector_load %arg6[%swap3A_372, %swap3A_373] {strides = array<i32>} : memref<8x128xi32, #tpu.memory_space<vmem>>, vector<1x16xi32>,
          %swap3A_375 = vector.shape_cast %swap3A_374 : vector<1x16xi32> to vector<16xi32>
          %swap3A_376 = vector.shape_cast %shift_right_logical3A_370 : vector<16xi32> to vector<1x16xi32>
          tpu.vector_store %arg6[%swap3A_372, %swap3A_373], %swap3A_376 {strides = array<i32>} : memref<8x128xi32, #tpu.memory_space<vmem>>, vector<1x16xi32>,
          %get3A_377 = arith.index_cast %add3A_243 : i32 to index
          %get3A_378 = arith.constant 80 : index
          %get3A_379 = tpu.vector_load %arg5[%get3A_377, %get3A_378] {strides = array<i32>} : memref<79x128xi32, #tpu.memory_space<vmem>>, vector<1x16xi32>,
          %get3A_380 = vector.shape_cast %get3A_379 : vector<1x16xi32> to vector<16xi32>
          %and3A_381 = arith.constant 16383 : i32
          %and3A_382 = vector.broadcast %and3A_381 : i32 to vector<16xi32>
          %and3A_383 = arith.andi %get3A_380, %and3A_382 : vector<16xi32>
          %swap3A_384 = arith.constant 0 : i32
          %swap3A_385 = arith.index_cast %swap3A_384 : i32 to index
          %swap3A_386 = arith.constant 80 : index
          %swap3A_387 = tpu.vector_load %arg6[%swap3A_385, %swap3A_386] {strides = array<i32>} : memref<8x128xi32, #tpu.memory_space<vmem>>, vector<1x16xi32>,
          %swap3A_388 = vector.shape_cast %swap3A_387 : vector<1x16xi32> to vector<16xi32>
          %swap3A_389 = vector.shape_cast %and3A_383 : vector<16xi32> to vector<1x16xi32>
          tpu.vector_store %arg6[%swap3A_385, %swap3A_386], %swap3A_389 {strides = array<i32>} : memref<8x128xi32, #tpu.memory_space<vmem>>, vector<1x16xi32>,
          %shift_right_logical3A_390 = arith.constant 14 : i32
          %shift_right_logical3A_391 = vector.broadcast %shift_right_logical3A_390 : i32 to vector<16xi32>
          %shift_right_logical3A_392 = arith.shrui %get3A_380, %shift_right_logical3A_391 : vector<16xi32>
          %swap3A_393 = arith.constant 1 : i32
          %swap3A_394 = arith.index_cast %swap3A_393 : i32 to index
          %swap3A_395 = arith.constant 80 : index
          %swap3A_396 = tpu.vector_load %arg6[%swap3A_394, %swap3A_395] {strides = array<i32>} : memref<8x128xi32, #tpu.memory_space<vmem>>, vector<1x16xi32>,
          %swap3A_397 = vector.shape_cast %swap3A_396 : vector<1x16xi32> to vector<16xi32>
          %swap3A_398 = vector.shape_cast %shift_right_logical3A_392 : vector<16xi32> to vector<1x16xi32>
          tpu.vector_store %arg6[%swap3A_394, %swap3A_395], %swap3A_398 {strides = array<i32>} : memref<8x128xi32, #tpu.memory_space<vmem>>, vector<1x16xi32>,
          %get3A_399 = arith.index_cast %add3A_243 : i32 to index
          %get3A_400 = arith.constant 96 : index
          %get3A_401 = tpu.vector_load %arg5[%get3A_399, %get3A_400] {strides = array<i32>} : memref<79x128xi32, #tpu.memory_space<vmem>>, vector<1x16xi32>,
          %get3A_402 = vector.shape_cast %get3A_401 : vector<1x16xi32> to vector<16xi32>
          %and3A_403 = arith.constant 16383 : i32
          %and3A_404 = vector.broadcast %and3A_403 : i32 to vector<16xi32>
          %and3A_405 = arith.andi %get3A_402, %and3A_404 : vector<16xi32>
          %swap3A_406 = arith.constant 0 : i32
          %swap3A_407 = arith.index_cast %swap3A_406 : i32 to index
          %swap3A_408 = arith.constant 96 : index
          %swap3A_409 = tpu.vector_load %arg6[%swap3A_407, %swap3A_408] {strides = array<i32>} : memref<8x128xi32, #tpu.memory_space<vmem>>, vector<1x16xi32>,
          %swap3A_410 = vector.shape_cast %swap3A_409 : vector<1x16xi32> to vector<16xi32>
          %swap3A_411 = vector.shape_cast %and3A_405 : vector<16xi32> to vector<1x16xi32>
          tpu.vector_store %arg6[%swap3A_407, %swap3A_408], %swap3A_411 {strides = array<i32>} : memref<8x128xi32, #tpu.memory_space<vmem>>, vector<1x16xi32>,
          %shift_right_logical3A_412 = arith.constant 14 : i32
          %shift_right_logical3A_413 = vector.broadcast %shift_right_logical3A_412 : i32 to vector<16xi32>
          %shift_right_logical3A_414 = arith.shrui %get3A_402, %shift_right_logical3A_413 : vector<16xi32>
          %swap3A_415 = arith.constant 1 : i32
          %swap3A_416 = arith.index_cast %swap3A_415 : i32 to index
          %swap3A_417 = arith.constant 96 : index
          %swap3A_418 = tpu.vector_load %arg6[%swap3A_416, %swap3A_417] {strides = array<i32>} : memref<8x128xi32, #tpu.memory_space<vmem>>, vector<1x16xi32>,
          %swap3A_419 = vector.shape_cast %swap3A_418 : vector<1x16xi32> to vector<16xi32>
          %swap3A_420 = vector.shape_cast %shift_right_logical3A_414 : vector<16xi32> to vector<1x16xi32>
          tpu.vector_store %arg6[%swap3A_416, %swap3A_417], %swap3A_420 {strides = array<i32>} : memref<8x128xi32, #tpu.memory_space<vmem>>, vector<1x16xi32>,
          %get3A_421 = arith.index_cast %add3A_243 : i32 to index
          %get3A_422 = arith.constant 112 : index
          %get3A_423 = tpu.vector_load %arg5[%get3A_421, %get3A_422] {strides = array<i32>} : memref<79x128xi32, #tpu.memory_space<vmem>>, vector<1x16xi32>,
          %get3A_424 = vector.shape_cast %get3A_423 : vector<1x16xi32> to vector<16xi32>
          %and3A_425 = arith.constant 16383 : i32
          %and3A_426 = vector.broadcast %and3A_425 : i32 to vector<16xi32>
          %and3A_427 = arith.andi %get3A_424, %and3A_426 : vector<16xi32>
          %swap3A_428 = arith.constant 0 : i32
          %swap3A_429 = arith.index_cast %swap3A_428 : i32 to index
          %swap3A_430 = arith.constant 112 : index
          %swap3A_431 = tpu.vector_load %arg6[%swap3A_429, %swap3A_430] {strides = array<i32>} : memref<8x128xi32, #tpu.memory_space<vmem>>, vector<1x16xi32>,
          %swap3A_432 = vector.shape_cast %swap3A_431 : vector<1x16xi32> to vector<16xi32>
          %swap3A_433 = vector.shape_cast %and3A_427 : vector<16xi32> to vector<1x16xi32>
          tpu.vector_store %arg6[%swap3A_429, %swap3A_430], %swap3A_433 {strides = array<i32>} : memref<8x128xi32, #tpu.memory_space<vmem>>, vector<1x16xi32>,
          %shift_right_logical3A_434 = arith.constant 14 : i32
          %shift_right_logical3A_435 = vector.broadcast %shift_right_logical3A_434 : i32 to vector<16xi32>
          %shift_right_logical3A_436 = arith.shrui %get3A_424, %shift_right_logical3A_435 : vector<16xi32>
          %swap3A_437 = arith.constant 1 : i32
          %swap3A_438 = arith.index_cast %swap3A_437 : i32 to index
          %swap3A_439 = arith.constant 112 : index
          %swap3A_440 = tpu.vector_load %arg6[%swap3A_438, %swap3A_439] {strides = array<i32>} : memref<8x128xi32, #tpu.memory_space<vmem>>, vector<1x16xi32>,
          %swap3A_441 = vector.shape_cast %swap3A_440 : vector<1x16xi32> to vector<16xi32>
          %swap3A_442 = vector.shape_cast %shift_right_logical3A_436 : vector<16xi32> to vector<1x16xi32>
          tpu.vector_store %arg6[%swap3A_438, %swap3A_439], %swap3A_442 {strides = array<i32>} : memref<8x128xi32, #tpu.memory_space<vmem>>, vector<1x16xi32>,
          %dma_start3A_443 = arith.constant 0 : i32
          %dma_start3A_444 = arith.constant 0 : i32
          %dma_start3A_445 = tpu.memref_slice %arg6[%dma_start3A_443, %dma_start3A_444] : memref<8x128xi32, #tpu.memory_space<vmem>> -> memref<1x128xi32, #tpu.memory_space<vmem>>
          %dma_start3A_446 = tpu.memref_squeeze %dma_start3A_445 : memref<1x128xi32, #tpu.memory_space<vmem>> -> memref<128xi32, #tpu.memory_space<vmem>>
          %dma_start3A_447 = arith.constant 0 : i32
          %dma_start3A_448 = arith.constant 0 : i32
          %dma_start3A_449 = tpu.memref_slice %arg2[%dma_start3A_447, %dma_start3A_448] : memref<10240x128xf32, #tpu.memory_space<hbm>> -> memref<10240x128xf32, #tpu.memory_space<hbm>>
          tpu.enqueue_indirect_dma source(%dma_start3A_449 : memref<10240x128xf32, #tpu.memory_space<hbm>>) target(%arg7 : memref<128x128xf32, #tpu.memory_space<vmem>>) offsets(%dma_start3A_446 : memref<128xi32, #tpu.memory_space<vmem>>) semaphore(%arg10 : memref<!tpu.dma_semaphore, #tpu.memory_space<semaphore_mem>>)
        } else {
        }
        %dma_wait3A_249 = arith.constant 2 : i32
        %dma_wait3A_250 = arith.constant 0 : i32
        %dma_wait3A_251 = tpu.memref_slice %arg6[%dma_wait3A_249, %dma_wait3A_250] : memref<8x128xi32, #tpu.memory_space<vmem>> -> memref<1x128xi32, #tpu.memory_space<vmem>>
        %dma_wait3A_252 = tpu.memref_squeeze %dma_wait3A_251 : memref<1x128xi32, #tpu.memory_space<vmem>> -> memref<128xi32, #tpu.memory_space<vmem>>
        %dma_wait3A_253 = arith.constant 0 : i32
        %dma_wait3A_254 = arith.constant 0 : i32
        %dma_wait3A_255 = tpu.memref_slice %arg2[%dma_wait3A_253, %dma_wait3A_254] : memref<10240x128xf32, #tpu.memory_space<hbm>> -> memref<10240x128xf32, #tpu.memory_space<hbm>>
        tpu.wait_indirect_dma semaphore(%arg11 : memref<!tpu.dma_semaphore, #tpu.memory_space<semaphore_mem>>) src(%dma_wait3A_255 : memref<10240x128xf32, #tpu.memory_space<hbm>>) dst(%arg8 : memref<128x128xf32, #tpu.memory_space<vmem>>)
        %dma_start3A_256 = arith.constant 3 : i32
        %dma_start3A_257 = arith.constant 0 : i32
        %dma_start3A_258 = tpu.memref_slice %arg6[%dma_start3A_256, %dma_start3A_257] : memref<8x128xi32, #tpu.memory_space<vmem>> -> memref<1x128xi32, #tpu.memory_space<vmem>>
        %dma_start3A_259 = tpu.memref_squeeze %dma_start3A_258 : memref<1x128xi32, #tpu.memory_space<vmem>> -> memref<128xi32, #tpu.memory_space<vmem>>
        %dma_start3A_260 = arith.constant 0 : i32
        %dma_start3A_261 = arith.constant 0 : i32
        %dma_start3A_262 = tpu.memref_slice %arg9[%dma_start3A_260, %dma_start3A_261] : memref<10240x128xf32, #tpu.memory_space<vmem_shared>> -> memref<10240x128xf32, #tpu.memory_space<vmem_shared>>
        tpu.enqueue_indirect_dma source(%arg8 : memref<128x128xf32, #tpu.memory_space<vmem>>) target(%dma_start3A_262 : memref<10240x128xf32, #tpu.memory_space<vmem_shared>>) offsets(%dma_start3A_259 : memref<128xi32, #tpu.memory_space<vmem>>) semaphore(%arg13 : memref<!tpu.dma_semaphore, #tpu.memory_space<semaphore_mem>>) {add = true}
      } else {
      }
      %scan3A_241 = arith.constant 0 : i32
      scf.yield %scan3A_241 : i32
    }
    %scan3A_209 = arith.constant 40 : i32
    %dma_wait3A = arith.constant 3 : i32
    %dma_wait3A_210 = arith.constant 0 : i32
    %dma_wait3A_211 = tpu.memref_slice %arg6[%dma_wait3A, %dma_wait3A_210] : memref<8x128xi32, #tpu.memory_space<vmem>> -> memref<1x128xi32, #tpu.memory_space<vmem>>
    %dma_wait3A_212 = tpu.memref_squeeze %dma_wait3A_211 : memref<1x128xi32, #tpu.memory_space<vmem>> -> memref<128xi32, #tpu.memory_space<vmem>>
    %dma_wait3A_213 = arith.constant 0 : i32
    %dma_wait3A_214 = arith.constant 0 : i32
    %dma_wait3A_215 = tpu.memref_slice %arg9[%dma_wait3A_213, %dma_wait3A_214] : memref<10240x128xf32, #tpu.memory_space<vmem_shared>> -> memref<10240x128xf32, #tpu.memory_space<vmem_shared>>
    tpu.wait_indirect_dma semaphore(%arg13 : memref<!tpu.dma_semaphore, #tpu.memory_space<semaphore_mem>>) src(%arg8 : memref<128x128xf32, #tpu.memory_space<vmem>>) dst(%dma_wait3A_215 : memref<10240x128xf32, #tpu.memory_space<vmem_shared>>)
    %dma_wait3A_216 = arith.constant 1 : i32
    %dma_wait3A_217 = arith.constant 0 : i32
    %dma_wait3A_218 = tpu.memref_slice %arg6[%dma_wait3A_216, %dma_wait3A_217] : memref<8x128xi32, #tpu.memory_space<vmem>> -> memref<1x128xi32, #tpu.memory_space<vmem>>
    %dma_wait3A_219 = tpu.memref_squeeze %dma_wait3A_218 : memref<1x128xi32, #tpu.memory_space<vmem>> -> memref<128xi32, #tpu.memory_space<vmem>>
    %dma_wait3A_220 = arith.constant 0 : i32
    %dma_wait3A_221 = arith.constant 0 : i32
    %dma_wait3A_222 = tpu.memref_slice %arg9[%dma_wait3A_220, %dma_wait3A_221] : memref<10240x128xf32, #tpu.memory_space<vmem_shared>> -> memref<10240x128xf32, #tpu.memory_space<vmem_shared>>
    tpu.wait_indirect_dma semaphore(%arg12 : memref<!tpu.dma_semaphore, #tpu.memory_space<semaphore_mem>>) src(%arg7 : memref<128x128xf32, #tpu.memory_space<vmem>>) dst(%dma_wait3A_222 : memref<10240x128xf32, #tpu.memory_space<vmem_shared>>)
    %barrier3A_223 = arith.constant 0 : index
    tpu.barrier barrier_id(%barrier3A_223)
    "tpu.region"() ({
      %run_scoped3A = tpu.sem_alloc : memref<!tpu.dma_semaphore, #tpu.memory_space<semaphore_mem>>
      %dma_start3A_224 = arith.constant 0 : i32
      %dma_start3A_225 = tpu.memref_slice %arg4[%arg0, %mul3A_2, %dma_start3A_224] : memref<2x10240x128xf32, #tpu.memory_space<hbm>> -> memref<1x640x128xf32, #tpu.memory_space<hbm>>
      %dma_start3A_226 = tpu.memref_squeeze %dma_start3A_225 : memref<1x640x128xf32, #tpu.memory_space<hbm>> -> memref<640x128xf32, #tpu.memory_space<hbm>>
      %dma_start3A_227 = arith.constant 0 : i32
      %dma_start3A_228 = tpu.memref_slice %arg9[%mul3A_2, %dma_start3A_227] : memref<10240x128xf32, #tpu.memory_space<vmem_shared>> -> memref<640x128xf32, #tpu.memory_space<vmem_shared>>
      tpu.enqueue_dma source(%dma_start3A_228 : memref<640x128xf32, #tpu.memory_space<vmem_shared>>) target(%dma_start3A_226 : memref<640x128xf32, #tpu.memory_space<hbm>>) target_semaphore(%run_scoped3A : memref<!tpu.dma_semaphore, #tpu.memory_space<semaphore_mem>>)
      %dma_wait3A_229 = arith.constant 0 : i32
      %dma_wait3A_230 = tpu.memref_slice %arg4[%arg0, %mul3A_2, %dma_wait3A_229] : memref<2x10240x128xf32, #tpu.memory_space<hbm>> -> memref<1x640x128xf32, #tpu.memory_space<hbm>>
      %dma_wait3A_231 = tpu.memref_squeeze %dma_wait3A_230 : memref<1x640x128xf32, #tpu.memory_space<hbm>> -> memref<640x128xf32, #tpu.memory_space<hbm>>
      %dma_wait3A_232 = arith.constant 0 : i32
      %dma_wait3A_233 = tpu.memref_slice %arg9[%mul3A_2, %dma_wait3A_232] : memref<10240x128xf32, #tpu.memory_space<vmem_shared>> -> memref<640x128xf32, #tpu.memory_space<vmem_shared>>
      tpu.wait_dma2 semaphore(%run_scoped3A : memref<!tpu.dma_semaphore, #tpu.memory_space<semaphore_mem>>) src(%dma_wait3A_233 : memref<640x128xf32, #tpu.memory_space<vmem_shared>>) dst(%dma_wait3A_231 : memref<640x128xf32, #tpu.memory_space<hbm>>)
      tpu.yield
    }) : () -> ()
    return
  }
}

#map = affine_map<(d0, d1) -> (0, 0, 0)>
module attributes {stable_mosaic.version = 14 : i64} {
  func.func @_sc_deg_body(%arg0: i32, %arg1: i32, %arg2: memref<32x79x128xi32, #tpu.memory_space<hbm>>, %arg3: memref<2x10240x128xf32, #tpu.memory_space<hbm>>, %arg4: memref<79x128xi32, #tpu.memory_space<vmem>>, %arg5: memref<8x128xi32, #tpu.memory_space<vmem>>, %arg6: memref<128x128xf32, #tpu.memory_space<vmem>>, %arg7: memref<10240x128xf32, #tpu.memory_space<vmem_shared>>, %arg8: memref<!tpu.dma_semaphore, #tpu.memory_space<semaphore_mem>>, %arg9: memref<!tpu.dma_semaphore, #tpu.memory_space<semaphore_mem>>) attributes {dimension_semantics = [#tpu.dimension_semantics<core_parallel>, #tpu.dimension_semantics<subcore_parallel>], iteration_bounds = array<i64: 2, 16>, scalar_prefetch = 0 : i64, scratch_operands = 6 : i64, tpu.core_type = #tpu.core_type<sc_vector_subcore>, window_params = [{transform_indices = #map}, {transform_indices = #map}]} {
    %mul3A = arith.constant 2 : i32
    %mul3A_0 = arith.muli %arg1, %mul3A : i32
    %add3A = arith.addi %mul3A_0, %arg0 : i32
    %mul3A_1 = arith.constant 640 : i32
    %mul3A_2 = arith.muli %arg1, %mul3A_1 : i32
    %broadcast_in_dim3A = arith.constant 0.000000e+00 : f32
    %broadcast_in_dim3A_3 = vector.broadcast %broadcast_in_dim3A : f32 to vector<16xf32>
    %scan3A = arith.constant 0 : i32
    %scan3A_4 = arith.constant 0 : i32
    %scan3A_5 = arith.constant 128 : i32
    %scan3A_6 = arith.addi %scan3A_4, %scan3A_5 : i32
    %scan3A_7 = arith.constant 1 : i32
    %scan3A_8 = scf.for %scan3A_47 = %scan3A_4 to %scan3A_6 step %scan3A_7 iter_args(%scan3A_48 = %scan3A) -> (i32)  : i32 {
      %swap3A = arith.index_cast %scan3A_47 : i32 to index
      %swap3A_49 = arith.constant 0 : index
      %swap3A_50 = tpu.vector_load %arg6[%swap3A, %swap3A_49] {strides = array<i32>} : memref<128x128xf32, #tpu.memory_space<vmem>>, vector<1x16xf32>,
      %swap3A_51 = vector.shape_cast %swap3A_50 : vector<1x16xf32> to vector<16xf32>
      %swap3A_52 = vector.shape_cast %broadcast_in_dim3A_3 : vector<16xf32> to vector<1x16xf32>
      tpu.vector_store %arg6[%swap3A, %swap3A_49], %swap3A_52 {strides = array<i32>} : memref<128x128xf32, #tpu.memory_space<vmem>>, vector<1x16xf32>,
      %swap3A_53 = arith.index_cast %scan3A_47 : i32 to index
      %swap3A_54 = arith.constant 16 : index
      %swap3A_55 = tpu.vector_load %arg6[%swap3A_53, %swap3A_54] {strides = array<i32>} : memref<128x128xf32, #tpu.memory_space<vmem>>, vector<1x16xf32>,
      %swap3A_56 = vector.shape_cast %swap3A_55 : vector<1x16xf32> to vector<16xf32>
      %swap3A_57 = vector.shape_cast %broadcast_in_dim3A_3 : vector<16xf32> to vector<1x16xf32>
      tpu.vector_store %arg6[%swap3A_53, %swap3A_54], %swap3A_57 {strides = array<i32>} : memref<128x128xf32, #tpu.memory_space<vmem>>, vector<1x16xf32>,
      %swap3A_58 = arith.index_cast %scan3A_47 : i32 to index
      %swap3A_59 = arith.constant 32 : index
      %swap3A_60 = tpu.vector_load %arg6[%swap3A_58, %swap3A_59] {strides = array<i32>} : memref<128x128xf32, #tpu.memory_space<vmem>>, vector<1x16xf32>,
      %swap3A_61 = vector.shape_cast %swap3A_60 : vector<1x16xf32> to vector<16xf32>
      %swap3A_62 = vector.shape_cast %broadcast_in_dim3A_3 : vector<16xf32> to vector<1x16xf32>
      tpu.vector_store %arg6[%swap3A_58, %swap3A_59], %swap3A_62 {strides = array<i32>} : memref<128x128xf32, #tpu.memory_space<vmem>>, vector<1x16xf32>,
      %swap3A_63 = arith.index_cast %scan3A_47 : i32 to index
      %swap3A_64 = arith.constant 48 : index
      %swap3A_65 = tpu.vector_load %arg6[%swap3A_63, %swap3A_64] {strides = array<i32>} : memref<128x128xf32, #tpu.memory_space<vmem>>, vector<1x16xf32>,
      %swap3A_66 = vector.shape_cast %swap3A_65 : vector<1x16xf32> to vector<16xf32>
      %swap3A_67 = vector.shape_cast %broadcast_in_dim3A_3 : vector<16xf32> to vector<1x16xf32>
      tpu.vector_store %arg6[%swap3A_63, %swap3A_64], %swap3A_67 {strides = array<i32>} : memref<128x128xf32, #tpu.memory_space<vmem>>, vector<1x16xf32>,
      %swap3A_68 = arith.index_cast %scan3A_47 : i32 to index
      %swap3A_69 = arith.constant 64 : index
      %swap3A_70 = tpu.vector_load %arg6[%swap3A_68, %swap3A_69] {strides = array<i32>} : memref<128x128xf32, #tpu.memory_space<vmem>>, vector<1x16xf32>,
      %swap3A_71 = vector.shape_cast %swap3A_70 : vector<1x16xf32> to vector<16xf32>
      %swap3A_72 = vector.shape_cast %broadcast_in_dim3A_3 : vector<16xf32> to vector<1x16xf32>
      tpu.vector_store %arg6[%swap3A_68, %swap3A_69], %swap3A_72 {strides = array<i32>} : memref<128x128xf32, #tpu.memory_space<vmem>>, vector<1x16xf32>,
      %swap3A_73 = arith.index_cast %scan3A_47 : i32 to index
      %swap3A_74 = arith.constant 80 : index
      %swap3A_75 = tpu.vector_load %arg6[%swap3A_73, %swap3A_74] {strides = array<i32>} : memref<128x128xf32, #tpu.memory_space<vmem>>, vector<1x16xf32>,
      %swap3A_76 = vector.shape_cast %swap3A_75 : vector<1x16xf32> to vector<16xf32>
      %swap3A_77 = vector.shape_cast %broadcast_in_dim3A_3 : vector<16xf32> to vector<1x16xf32>
      tpu.vector_store %arg6[%swap3A_73, %swap3A_74], %swap3A_77 {strides = array<i32>} : memref<128x128xf32, #tpu.memory_space<vmem>>, vector<1x16xf32>,
      %swap3A_78 = arith.index_cast %scan3A_47 : i32 to index
      %swap3A_79 = arith.constant 96 : index
      %swap3A_80 = tpu.vector_load %arg6[%swap3A_78, %swap3A_79] {strides = array<i32>} : memref<128x128xf32, #tpu.memory_space<vmem>>, vector<1x16xf32>,
      %swap3A_81 = vector.shape_cast %swap3A_80 : vector<1x16xf32> to vector<16xf32>
      %swap3A_82 = vector.shape_cast %broadcast_in_dim3A_3 : vector<16xf32> to vector<1x16xf32>
      tpu.vector_store %arg6[%swap3A_78, %swap3A_79], %swap3A_82 {strides = array<i32>} : memref<128x128xf32, #tpu.memory_space<vmem>>, vector<1x16xf32>,
      %swap3A_83 = arith.index_cast %scan3A_47 : i32 to index
      %swap3A_84 = arith.constant 112 : index
      %swap3A_85 = tpu.vector_load %arg6[%swap3A_83, %swap3A_84] {strides = array<i32>} : memref<128x128xf32, #tpu.memory_space<vmem>>, vector<1x16xf32>,
      %swap3A_86 = vector.shape_cast %swap3A_85 : vector<1x16xf32> to vector<16xf32>
      %swap3A_87 = vector.shape_cast %broadcast_in_dim3A_3 : vector<16xf32> to vector<1x16xf32>
      tpu.vector_store %arg6[%swap3A_83, %swap3A_84], %swap3A_87 {strides = array<i32>} : memref<128x128xf32, #tpu.memory_space<vmem>>, vector<1x16xf32>,
      %scan3A_88 = arith.constant 0 : i32
      scf.yield %scan3A_88 : i32
    }
    %scan3A_9 = arith.constant 128 : i32
    %scan3A_10 = arith.constant 0 : i32
    %scan3A_11 = arith.constant 0 : i32
    %scan3A_12 = arith.constant 5 : i32
    %scan3A_13 = arith.addi %scan3A_11, %scan3A_12 : i32
    %scan3A_14 = arith.constant 1 : i32
    %scan3A_15 = scf.for %scan3A_47 = %scan3A_11 to %scan3A_13 step %scan3A_14 iter_args(%scan3A_48 = %scan3A_10) -> (i32)  : i32 {
      %mul3A_49 = arith.constant 128 : i32
      %mul3A_50 = arith.muli %scan3A_47, %mul3A_49 : i32
      %add3A_51 = arith.addi %mul3A_2, %mul3A_50 : i32
      "tpu.region"() ({
        %run_scoped3A = tpu.sem_alloc : memref<!tpu.dma_semaphore, #tpu.memory_space<semaphore_mem>>
        %dma_start3A = arith.constant 0 : i32
        %dma_start3A_53 = tpu.memref_slice %arg7[%add3A_51, %dma_start3A] : memref<10240x128xf32, #tpu.memory_space<vmem_shared>> -> memref<128x128xf32, #tpu.memory_space<vmem_shared>>
        %dma_start3A_54 = arith.constant 0 : i32
        %dma_start3A_55 = tpu.memref_slice %arg7[%add3A_51, %dma_start3A_54] : memref<10240x128xf32, #tpu.memory_space<vmem_shared>> -> memref<128x128xf32, #tpu.memory_space<vmem_shared>>
        tpu.enqueue_dma source(%arg6 : memref<128x128xf32, #tpu.memory_space<vmem>>) target(%dma_start3A_55 : memref<128x128xf32, #tpu.memory_space<vmem_shared>>) target_semaphore(%run_scoped3A : memref<!tpu.dma_semaphore, #tpu.memory_space<semaphore_mem>>)
        %dma_wait3A_56 = arith.constant 0 : i32
        %dma_wait3A_57 = tpu.memref_slice %arg7[%add3A_51, %dma_wait3A_56] : memref<10240x128xf32, #tpu.memory_space<vmem_shared>> -> memref<128x128xf32, #tpu.memory_space<vmem_shared>>
        %dma_wait3A_58 = arith.constant 0 : i32
        %dma_wait3A_59 = tpu.memref_slice %arg7[%add3A_51, %dma_wait3A_58] : memref<10240x128xf32, #tpu.memory_space<vmem_shared>> -> memref<128x128xf32, #tpu.memory_space<vmem_shared>>
        tpu.wait_dma2 semaphore(%run_scoped3A : memref<!tpu.dma_semaphore, #tpu.memory_space<semaphore_mem>>) src(%arg6 : memref<128x128xf32, #tpu.memory_space<vmem>>) dst(%dma_wait3A_59 : memref<128x128xf32, #tpu.memory_space<vmem_shared>>)
        tpu.yield
      }) : () -> ()
      %scan3A_52 = arith.constant 0 : i32
      scf.yield %scan3A_52 : i32
    }
    %scan3A_16 = arith.constant 5 : i32
    %broadcast_in_dim3A_17 = arith.constant 1.000000e+00 : f32
    %broadcast_in_dim3A_18 = vector.broadcast %broadcast_in_dim3A_17 : f32 to vector<16xf32>
    %scan3A_19 = arith.constant 0 : i32
    %scan3A_20 = arith.constant 0 : i32
    %scan3A_21 = arith.constant 128 : i32
    %scan3A_22 = arith.addi %scan3A_20, %scan3A_21 : i32
    %scan3A_23 = arith.constant 1 : i32
    %scan3A_24 = scf.for %scan3A_47 = %scan3A_20 to %scan3A_22 step %scan3A_23 iter_args(%scan3A_48 = %scan3A_19) -> (i32)  : i32 {
      %swap3A = arith.index_cast %scan3A_47 : i32 to index
      %swap3A_49 = arith.constant 0 : index
      %swap3A_50 = tpu.vector_load %arg6[%swap3A, %swap3A_49] {strides = array<i32>} : memref<128x128xf32, #tpu.memory_space<vmem>>, vector<1x16xf32>,
      %swap3A_51 = vector.shape_cast %swap3A_50 : vector<1x16xf32> to vector<16xf32>
      %swap3A_52 = vector.shape_cast %broadcast_in_dim3A_18 : vector<16xf32> to vector<1x16xf32>
      tpu.vector_store %arg6[%swap3A, %swap3A_49], %swap3A_52 {strides = array<i32>} : memref<128x128xf32, #tpu.memory_space<vmem>>, vector<1x16xf32>,
      %swap3A_53 = arith.index_cast %scan3A_47 : i32 to index
      %swap3A_54 = arith.constant 16 : index
      %swap3A_55 = tpu.vector_load %arg6[%swap3A_53, %swap3A_54] {strides = array<i32>} : memref<128x128xf32, #tpu.memory_space<vmem>>, vector<1x16xf32>,
      %swap3A_56 = vector.shape_cast %swap3A_55 : vector<1x16xf32> to vector<16xf32>
      %swap3A_57 = vector.shape_cast %broadcast_in_dim3A_18 : vector<16xf32> to vector<1x16xf32>
      tpu.vector_store %arg6[%swap3A_53, %swap3A_54], %swap3A_57 {strides = array<i32>} : memref<128x128xf32, #tpu.memory_space<vmem>>, vector<1x16xf32>,
      %swap3A_58 = arith.index_cast %scan3A_47 : i32 to index
      %swap3A_59 = arith.constant 32 : index
      %swap3A_60 = tpu.vector_load %arg6[%swap3A_58, %swap3A_59] {strides = array<i32>} : memref<128x128xf32, #tpu.memory_space<vmem>>, vector<1x16xf32>,
      %swap3A_61 = vector.shape_cast %swap3A_60 : vector<1x16xf32> to vector<16xf32>
      %swap3A_62 = vector.shape_cast %broadcast_in_dim3A_18 : vector<16xf32> to vector<1x16xf32>
      tpu.vector_store %arg6[%swap3A_58, %swap3A_59], %swap3A_62 {strides = array<i32>} : memref<128x128xf32, #tpu.memory_space<vmem>>, vector<1x16xf32>,
      %swap3A_63 = arith.index_cast %scan3A_47 : i32 to index
      %swap3A_64 = arith.constant 48 : index
      %swap3A_65 = tpu.vector_load %arg6[%swap3A_63, %swap3A_64] {strides = array<i32>} : memref<128x128xf32, #tpu.memory_space<vmem>>, vector<1x16xf32>,
      %swap3A_66 = vector.shape_cast %swap3A_65 : vector<1x16xf32> to vector<16xf32>
      %swap3A_67 = vector.shape_cast %broadcast_in_dim3A_18 : vector<16xf32> to vector<1x16xf32>
      tpu.vector_store %arg6[%swap3A_63, %swap3A_64], %swap3A_67 {strides = array<i32>} : memref<128x128xf32, #tpu.memory_space<vmem>>, vector<1x16xf32>,
      %swap3A_68 = arith.index_cast %scan3A_47 : i32 to index
      %swap3A_69 = arith.constant 64 : index
      %swap3A_70 = tpu.vector_load %arg6[%swap3A_68, %swap3A_69] {strides = array<i32>} : memref<128x128xf32, #tpu.memory_space<vmem>>, vector<1x16xf32>,
      %swap3A_71 = vector.shape_cast %swap3A_70 : vector<1x16xf32> to vector<16xf32>
      %swap3A_72 = vector.shape_cast %broadcast_in_dim3A_18 : vector<16xf32> to vector<1x16xf32>
      tpu.vector_store %arg6[%swap3A_68, %swap3A_69], %swap3A_72 {strides = array<i32>} : memref<128x128xf32, #tpu.memory_space<vmem>>, vector<1x16xf32>,
      %swap3A_73 = arith.index_cast %scan3A_47 : i32 to index
      %swap3A_74 = arith.constant 80 : index
      %swap3A_75 = tpu.vector_load %arg6[%swap3A_73, %swap3A_74] {strides = array<i32>} : memref<128x128xf32, #tpu.memory_space<vmem>>, vector<1x16xf32>,
      %swap3A_76 = vector.shape_cast %swap3A_75 : vector<1x16xf32> to vector<16xf32>
      %swap3A_77 = vector.shape_cast %broadcast_in_dim3A_18 : vector<16xf32> to vector<1x16xf32>
      tpu.vector_store %arg6[%swap3A_73, %swap3A_74], %swap3A_77 {strides = array<i32>} : memref<128x128xf32, #tpu.memory_space<vmem>>, vector<1x16xf32>,
      %swap3A_78 = arith.index_cast %scan3A_47 : i32 to index
      %swap3A_79 = arith.constant 96 : index
      %swap3A_80 = tpu.vector_load %arg6[%swap3A_78, %swap3A_79] {strides = array<i32>} : memref<128x128xf32, #tpu.memory_space<vmem>>, vector<1x16xf32>,
      %swap3A_81 = vector.shape_cast %swap3A_80 : vector<1x16xf32> to vector<16xf32>
      %swap3A_82 = vector.shape_cast %broadcast_in_dim3A_18 : vector<16xf32> to vector<1x16xf32>
      tpu.vector_store %arg6[%swap3A_78, %swap3A_79], %swap3A_82 {strides = array<i32>} : memref<128x128xf32, #tpu.memory_space<vmem>>, vector<1x16xf32>,
      %swap3A_83 = arith.index_cast %scan3A_47 : i32 to index
      %swap3A_84 = arith.constant 112 : index
      %swap3A_85 = tpu.vector_load %arg6[%swap3A_83, %swap3A_84] {strides = array<i32>} : memref<128x128xf32, #tpu.memory_space<vmem>>, vector<1x16xf32>,
      %swap3A_86 = vector.shape_cast %swap3A_85 : vector<1x16xf32> to vector<16xf32>
      %swap3A_87 = vector.shape_cast %broadcast_in_dim3A_18 : vector<16xf32> to vector<1x16xf32>
      tpu.vector_store %arg6[%swap3A_83, %swap3A_84], %swap3A_87 {strides = array<i32>} : memref<128x128xf32, #tpu.memory_space<vmem>>, vector<1x16xf32>,
      %scan3A_88 = arith.constant 0 : i32
      scf.yield %scan3A_88 : i32
    }
    %scan3A_25 = arith.constant 128 : i32
    "tpu.region"() ({
      %run_scoped3A = tpu.sem_alloc : memref<!tpu.dma_semaphore, #tpu.memory_space<semaphore_mem>>
      %dma_start3A = arith.constant 0 : i32
      %dma_start3A_47 = arith.constant 0 : i32
      %dma_start3A_48 = tpu.memref_slice %arg2[%add3A, %dma_start3A, %dma_start3A_47] : memref<32x79x128xi32, #tpu.memory_space<hbm>> -> memref<1x79x128xi32, #tpu.memory_space<hbm>>
      %dma_start3A_49 = tpu.memref_squeeze %dma_start3A_48 : memref<1x79x128xi32, #tpu.memory_space<hbm>> -> memref<79x128xi32, #tpu.memory_space<hbm>>
      %dma_start3A_50 = arith.constant 0 : i32
      %dma_start3A_51 = arith.constant 0 : i32
      %dma_start3A_52 = tpu.memref_slice %arg2[%add3A, %dma_start3A_50, %dma_start3A_51] : memref<32x79x128xi32, #tpu.memory_space<hbm>> -> memref<1x79x128xi32, #tpu.memory_space<hbm>>
      %dma_start3A_53 = tpu.memref_squeeze %dma_start3A_52 : memref<1x79x128xi32, #tpu.memory_space<hbm>> -> memref<79x128xi32, #tpu.memory_space<hbm>>
      tpu.enqueue_dma source(%dma_start3A_53 : memref<79x128xi32, #tpu.memory_space<hbm>>) target(%arg4 : memref<79x128xi32, #tpu.memory_space<vmem>>) target_semaphore(%run_scoped3A : memref<!tpu.dma_semaphore, #tpu.memory_space<semaphore_mem>>)
      %dma_wait3A_54 = arith.constant 0 : i32
      %dma_wait3A_55 = arith.constant 0 : i32
      %dma_wait3A_56 = tpu.memref_slice %arg2[%add3A, %dma_wait3A_54, %dma_wait3A_55] : memref<32x79x128xi32, #tpu.memory_space<hbm>> -> memref<1x79x128xi32, #tpu.memory_space<hbm>>
      %dma_wait3A_57 = tpu.memref_squeeze %dma_wait3A_56 : memref<1x79x128xi32, #tpu.memory_space<hbm>> -> memref<79x128xi32, #tpu.memory_space<hbm>>
      %dma_wait3A_58 = arith.constant 0 : i32
      %dma_wait3A_59 = arith.constant 0 : i32
      %dma_wait3A_60 = tpu.memref_slice %arg2[%add3A, %dma_wait3A_58, %dma_wait3A_59] : memref<32x79x128xi32, #tpu.memory_space<hbm>> -> memref<1x79x128xi32, #tpu.memory_space<hbm>>
      %dma_wait3A_61 = tpu.memref_squeeze %dma_wait3A_60 : memref<1x79x128xi32, #tpu.memory_space<hbm>> -> memref<79x128xi32, #tpu.memory_space<hbm>>
      tpu.wait_dma2 semaphore(%run_scoped3A : memref<!tpu.dma_semaphore, #tpu.memory_space<semaphore_mem>>) src(%dma_wait3A_61 : memref<79x128xi32, #tpu.memory_space<hbm>>) dst(%arg4 : memref<79x128xi32, #tpu.memory_space<vmem>>)
      tpu.yield
    }) : () -> ()
    %barrier3A = arith.constant 0 : index
    tpu.barrier barrier_id(%barrier3A)
    %scan3A_26 = arith.constant 0 : i32
    %scan3A_27 = arith.constant 0 : i32
    %scan3A_28 = arith.constant 40 : i32
    %scan3A_29 = arith.addi %scan3A_27, %scan3A_28 : i32
    %scan3A_30 = arith.constant 1 : i32
    %scan3A_31 = scf.for %scan3A_47 = %scan3A_27 to %scan3A_29 step %scan3A_30 iter_args(%scan3A_48 = %scan3A_26) -> (i32)  : i32 {
      %mul3A_49 = arith.constant 2 : i32
      %mul3A_50 = arith.muli %scan3A_47, %mul3A_49 : i32
      %add3A_51 = arith.constant 0 : i32
      %add3A_52 = arith.addi %mul3A_50, %add3A_51 : i32
      %lt3A = arith.constant 79 : i32
      %lt3A_53 = arith.cmpi slt, %add3A_52, %lt3A : i32
      %convert_element_type3A = arith.extui %lt3A_53 : i1 to i32
      %cond3A = arith.constant 0 : i32
      %cond3A_54 = arith.cmpi ne, %convert_element_type3A, %cond3A : i32
      scf.if %cond3A_54 {
        %ge3A = arith.constant 2 : i32
        %ge3A_65 = arith.cmpi sge, %add3A_52, %ge3A : i32
        %convert_element_type3A_66 = arith.extui %ge3A_65 : i1 to i32
        %cond3A_67 = arith.constant 0 : i32
        %cond3A_68 = arith.cmpi ne, %convert_element_type3A_66, %cond3A_67 : i32
        scf.if %cond3A_68 {
          %dma_wait3A_247 = arith.constant 1 : i32
          %dma_wait3A_248 = arith.constant 0 : i32
          %dma_wait3A_249 = tpu.memref_slice %arg5[%dma_wait3A_247, %dma_wait3A_248] : memref<8x128xi32, #tpu.memory_space<vmem>> -> memref<1x128xi32, #tpu.memory_space<vmem>>
          %dma_wait3A_250 = tpu.memref_squeeze %dma_wait3A_249 : memref<1x128xi32, #tpu.memory_space<vmem>> -> memref<128xi32, #tpu.memory_space<vmem>>
          %dma_wait3A_251 = arith.constant 0 : i32
          %dma_wait3A_252 = arith.constant 0 : i32
          %dma_wait3A_253 = tpu.memref_slice %arg7[%dma_wait3A_251, %dma_wait3A_252] : memref<10240x128xf32, #tpu.memory_space<vmem_shared>> -> memref<10240x128xf32, #tpu.memory_space<vmem_shared>>
          tpu.wait_indirect_dma semaphore(%arg8 : memref<!tpu.dma_semaphore, #tpu.memory_space<semaphore_mem>>) src(%arg6 : memref<128x128xf32, #tpu.memory_space<vmem>>) dst(%dma_wait3A_253 : memref<10240x128xf32, #tpu.memory_space<vmem_shared>>)
        } else {
        }
        %get3A = arith.index_cast %add3A_52 : i32 to index
        %get3A_69 = arith.constant 0 : index
        %get3A_70 = tpu.vector_load %arg4[%get3A, %get3A_69] {strides = array<i32>} : memref<79x128xi32, #tpu.memory_space<vmem>>, vector<1x16xi32>,
        %get3A_71 = vector.shape_cast %get3A_70 : vector<1x16xi32> to vector<16xi32>
        %and3A = arith.constant 16383 : i32
        %and3A_72 = vector.broadcast %and3A : i32 to vector<16xi32>
        %and3A_73 = arith.andi %get3A_71, %and3A_72 : vector<16xi32>
        %swap3A = arith.constant 0 : i32
        %swap3A_74 = arith.index_cast %swap3A : i32 to index
        %swap3A_75 = arith.constant 0 : index
        %swap3A_76 = tpu.vector_load %arg5[%swap3A_74, %swap3A_75] {strides = array<i32>} : memref<8x128xi32, #tpu.memory_space<vmem>>, vector<1x16xi32>,
        %swap3A_77 = vector.shape_cast %swap3A_76 : vector<1x16xi32> to vector<16xi32>
        %swap3A_78 = vector.shape_cast %and3A_73 : vector<16xi32> to vector<1x16xi32>
        tpu.vector_store %arg5[%swap3A_74, %swap3A_75], %swap3A_78 {strides = array<i32>} : memref<8x128xi32, #tpu.memory_space<vmem>>, vector<1x16xi32>,
        %shift_right_logical3A = arith.constant 14 : i32
        %shift_right_logical3A_79 = vector.broadcast %shift_right_logical3A : i32 to vector<16xi32>
        %shift_right_logical3A_80 = arith.shrui %get3A_71, %shift_right_logical3A_79 : vector<16xi32>
        %swap3A_81 = arith.constant 1 : i32
        %swap3A_82 = arith.index_cast %swap3A_81 : i32 to index
        %swap3A_83 = arith.constant 0 : index
        %swap3A_84 = tpu.vector_load %arg5[%swap3A_82, %swap3A_83] {strides = array<i32>} : memref<8x128xi32, #tpu.memory_space<vmem>>, vector<1x16xi32>,
        %swap3A_85 = vector.shape_cast %swap3A_84 : vector<1x16xi32> to vector<16xi32>
        %swap3A_86 = vector.shape_cast %shift_right_logical3A_80 : vector<16xi32> to vector<1x16xi32>
        tpu.vector_store %arg5[%swap3A_82, %swap3A_83], %swap3A_86 {strides = array<i32>} : memref<8x128xi32, #tpu.memory_space<vmem>>, vector<1x16xi32>,
        %get3A_87 = arith.index_cast %add3A_52 : i32 to index
        %get3A_88 = arith.constant 16 : index
        %get3A_89 = tpu.vector_load %arg4[%get3A_87, %get3A_88] {strides = array<i32>} : memref<79x128xi32, #tpu.memory_space<vmem>>, vector<1x16xi32>,
        %get3A_90 = vector.shape_cast %get3A_89 : vector<1x16xi32> to vector<16xi32>
        %and3A_91 = arith.constant 16383 : i32
        %and3A_92 = vector.broadcast %and3A_91 : i32 to vector<16xi32>
        %and3A_93 = arith.andi %get3A_90, %and3A_92 : vector<16xi32>
        %swap3A_94 = arith.constant 0 : i32
        %swap3A_95 = arith.index_cast %swap3A_94 : i32 to index
        %swap3A_96 = arith.constant 16 : index
        %swap3A_97 = tpu.vector_load %arg5[%swap3A_95, %swap3A_96] {strides = array<i32>} : memref<8x128xi32, #tpu.memory_space<vmem>>, vector<1x16xi32>,
        %swap3A_98 = vector.shape_cast %swap3A_97 : vector<1x16xi32> to vector<16xi32>
        %swap3A_99 = vector.shape_cast %and3A_93 : vector<16xi32> to vector<1x16xi32>
        tpu.vector_store %arg5[%swap3A_95, %swap3A_96], %swap3A_99 {strides = array<i32>} : memref<8x128xi32, #tpu.memory_space<vmem>>, vector<1x16xi32>,
        %shift_right_logical3A_100 = arith.constant 14 : i32
        %shift_right_logical3A_101 = vector.broadcast %shift_right_logical3A_100 : i32 to vector<16xi32>
        %shift_right_logical3A_102 = arith.shrui %get3A_90, %shift_right_logical3A_101 : vector<16xi32>
        %swap3A_103 = arith.constant 1 : i32
        %swap3A_104 = arith.index_cast %swap3A_103 : i32 to index
        %swap3A_105 = arith.constant 16 : index
        %swap3A_106 = tpu.vector_load %arg5[%swap3A_104, %swap3A_105] {strides = array<i32>} : memref<8x128xi32, #tpu.memory_space<vmem>>, vector<1x16xi32>,
        %swap3A_107 = vector.shape_cast %swap3A_106 : vector<1x16xi32> to vector<16xi32>
        %swap3A_108 = vector.shape_cast %shift_right_logical3A_102 : vector<16xi32> to vector<1x16xi32>
        tpu.vector_store %arg5[%swap3A_104, %swap3A_105], %swap3A_108 {strides = array<i32>} : memref<8x128xi32, #tpu.memory_space<vmem>>, vector<1x16xi32>,
        %get3A_109 = arith.index_cast %add3A_52 : i32 to index
        %get3A_110 = arith.constant 32 : index
        %get3A_111 = tpu.vector_load %arg4[%get3A_109, %get3A_110] {strides = array<i32>} : memref<79x128xi32, #tpu.memory_space<vmem>>, vector<1x16xi32>,
        %get3A_112 = vector.shape_cast %get3A_111 : vector<1x16xi32> to vector<16xi32>
        %and3A_113 = arith.constant 16383 : i32
        %and3A_114 = vector.broadcast %and3A_113 : i32 to vector<16xi32>
        %and3A_115 = arith.andi %get3A_112, %and3A_114 : vector<16xi32>
        %swap3A_116 = arith.constant 0 : i32
        %swap3A_117 = arith.index_cast %swap3A_116 : i32 to index
        %swap3A_118 = arith.constant 32 : index
        %swap3A_119 = tpu.vector_load %arg5[%swap3A_117, %swap3A_118] {strides = array<i32>} : memref<8x128xi32, #tpu.memory_space<vmem>>, vector<1x16xi32>,
        %swap3A_120 = vector.shape_cast %swap3A_119 : vector<1x16xi32> to vector<16xi32>
        %swap3A_121 = vector.shape_cast %and3A_115 : vector<16xi32> to vector<1x16xi32>
        tpu.vector_store %arg5[%swap3A_117, %swap3A_118], %swap3A_121 {strides = array<i32>} : memref<8x128xi32, #tpu.memory_space<vmem>>, vector<1x16xi32>,
        %shift_right_logical3A_122 = arith.constant 14 : i32
        %shift_right_logical3A_123 = vector.broadcast %shift_right_logical3A_122 : i32 to vector<16xi32>
        %shift_right_logical3A_124 = arith.shrui %get3A_112, %shift_right_logical3A_123 : vector<16xi32>
        %swap3A_125 = arith.constant 1 : i32
        %swap3A_126 = arith.index_cast %swap3A_125 : i32 to index
        %swap3A_127 = arith.constant 32 : index
        %swap3A_128 = tpu.vector_load %arg5[%swap3A_126, %swap3A_127] {strides = array<i32>} : memref<8x128xi32, #tpu.memory_space<vmem>>, vector<1x16xi32>,
        %swap3A_129 = vector.shape_cast %swap3A_128 : vector<1x16xi32> to vector<16xi32>
        %swap3A_130 = vector.shape_cast %shift_right_logical3A_124 : vector<16xi32> to vector<1x16xi32>
        tpu.vector_store %arg5[%swap3A_126, %swap3A_127], %swap3A_130 {strides = array<i32>} : memref<8x128xi32, #tpu.memory_space<vmem>>, vector<1x16xi32>,
        %get3A_131 = arith.index_cast %add3A_52 : i32 to index
        %get3A_132 = arith.constant 48 : index
        %get3A_133 = tpu.vector_load %arg4[%get3A_131, %get3A_132] {strides = array<i32>} : memref<79x128xi32, #tpu.memory_space<vmem>>, vector<1x16xi32>,
        %get3A_134 = vector.shape_cast %get3A_133 : vector<1x16xi32> to vector<16xi32>
        %and3A_135 = arith.constant 16383 : i32
        %and3A_136 = vector.broadcast %and3A_135 : i32 to vector<16xi32>
        %and3A_137 = arith.andi %get3A_134, %and3A_136 : vector<16xi32>
        %swap3A_138 = arith.constant 0 : i32
        %swap3A_139 = arith.index_cast %swap3A_138 : i32 to index
        %swap3A_140 = arith.constant 48 : index
        %swap3A_141 = tpu.vector_load %arg5[%swap3A_139, %swap3A_140] {strides = array<i32>} : memref<8x128xi32, #tpu.memory_space<vmem>>, vector<1x16xi32>,
        %swap3A_142 = vector.shape_cast %swap3A_141 : vector<1x16xi32> to vector<16xi32>
        %swap3A_143 = vector.shape_cast %and3A_137 : vector<16xi32> to vector<1x16xi32>
        tpu.vector_store %arg5[%swap3A_139, %swap3A_140], %swap3A_143 {strides = array<i32>} : memref<8x128xi32, #tpu.memory_space<vmem>>, vector<1x16xi32>,
        %shift_right_logical3A_144 = arith.constant 14 : i32
        %shift_right_logical3A_145 = vector.broadcast %shift_right_logical3A_144 : i32 to vector<16xi32>
        %shift_right_logical3A_146 = arith.shrui %get3A_134, %shift_right_logical3A_145 : vector<16xi32>
        %swap3A_147 = arith.constant 1 : i32
        %swap3A_148 = arith.index_cast %swap3A_147 : i32 to index
        %swap3A_149 = arith.constant 48 : index
        %swap3A_150 = tpu.vector_load %arg5[%swap3A_148, %swap3A_149] {strides = array<i32>} : memref<8x128xi32, #tpu.memory_space<vmem>>, vector<1x16xi32>,
        %swap3A_151 = vector.shape_cast %swap3A_150 : vector<1x16xi32> to vector<16xi32>
        %swap3A_152 = vector.shape_cast %shift_right_logical3A_146 : vector<16xi32> to vector<1x16xi32>
        tpu.vector_store %arg5[%swap3A_148, %swap3A_149], %swap3A_152 {strides = array<i32>} : memref<8x128xi32, #tpu.memory_space<vmem>>, vector<1x16xi32>,
        %get3A_153 = arith.index_cast %add3A_52 : i32 to index
        %get3A_154 = arith.constant 64 : index
        %get3A_155 = tpu.vector_load %arg4[%get3A_153, %get3A_154] {strides = array<i32>} : memref<79x128xi32, #tpu.memory_space<vmem>>, vector<1x16xi32>,
        %get3A_156 = vector.shape_cast %get3A_155 : vector<1x16xi32> to vector<16xi32>
        %and3A_157 = arith.constant 16383 : i32
        %and3A_158 = vector.broadcast %and3A_157 : i32 to vector<16xi32>
        %and3A_159 = arith.andi %get3A_156, %and3A_158 : vector<16xi32>
        %swap3A_160 = arith.constant 0 : i32
        %swap3A_161 = arith.index_cast %swap3A_160 : i32 to index
        %swap3A_162 = arith.constant 64 : index
        %swap3A_163 = tpu.vector_load %arg5[%swap3A_161, %swap3A_162] {strides = array<i32>} : memref<8x128xi32, #tpu.memory_space<vmem>>, vector<1x16xi32>,
        %swap3A_164 = vector.shape_cast %swap3A_163 : vector<1x16xi32> to vector<16xi32>
        %swap3A_165 = vector.shape_cast %and3A_159 : vector<16xi32> to vector<1x16xi32>
        tpu.vector_store %arg5[%swap3A_161, %swap3A_162], %swap3A_165 {strides = array<i32>} : memref<8x128xi32, #tpu.memory_space<vmem>>, vector<1x16xi32>,
        %shift_right_logical3A_166 = arith.constant 14 : i32
        %shift_right_logical3A_167 = vector.broadcast %shift_right_logical3A_166 : i32 to vector<16xi32>
        %shift_right_logical3A_168 = arith.shrui %get3A_156, %shift_right_logical3A_167 : vector<16xi32>
        %swap3A_169 = arith.constant 1 : i32
        %swap3A_170 = arith.index_cast %swap3A_169 : i32 to index
        %swap3A_171 = arith.constant 64 : index
        %swap3A_172 = tpu.vector_load %arg5[%swap3A_170, %swap3A_171] {strides = array<i32>} : memref<8x128xi32, #tpu.memory_space<vmem>>, vector<1x16xi32>,
        %swap3A_173 = vector.shape_cast %swap3A_172 : vector<1x16xi32> to vector<16xi32>
        %swap3A_174 = vector.shape_cast %shift_right_logical3A_168 : vector<16xi32> to vector<1x16xi32>
        tpu.vector_store %arg5[%swap3A_170, %swap3A_171], %swap3A_174 {strides = array<i32>} : memref<8x128xi32, #tpu.memory_space<vmem>>, vector<1x16xi32>,
        %get3A_175 = arith.index_cast %add3A_52 : i32 to index
        %get3A_176 = arith.constant 80 : index
        %get3A_177 = tpu.vector_load %arg4[%get3A_175, %get3A_176] {strides = array<i32>} : memref<79x128xi32, #tpu.memory_space<vmem>>, vector<1x16xi32>,
        %get3A_178 = vector.shape_cast %get3A_177 : vector<1x16xi32> to vector<16xi32>
        %and3A_179 = arith.constant 16383 : i32
        %and3A_180 = vector.broadcast %and3A_179 : i32 to vector<16xi32>
        %and3A_181 = arith.andi %get3A_178, %and3A_180 : vector<16xi32>
        %swap3A_182 = arith.constant 0 : i32
        %swap3A_183 = arith.index_cast %swap3A_182 : i32 to index
        %swap3A_184 = arith.constant 80 : index
        %swap3A_185 = tpu.vector_load %arg5[%swap3A_183, %swap3A_184] {strides = array<i32>} : memref<8x128xi32, #tpu.memory_space<vmem>>, vector<1x16xi32>,
        %swap3A_186 = vector.shape_cast %swap3A_185 : vector<1x16xi32> to vector<16xi32>
        %swap3A_187 = vector.shape_cast %and3A_181 : vector<16xi32> to vector<1x16xi32>
        tpu.vector_store %arg5[%swap3A_183, %swap3A_184], %swap3A_187 {strides = array<i32>} : memref<8x128xi32, #tpu.memory_space<vmem>>, vector<1x16xi32>,
        %shift_right_logical3A_188 = arith.constant 14 : i32
        %shift_right_logical3A_189 = vector.broadcast %shift_right_logical3A_188 : i32 to vector<16xi32>
        %shift_right_logical3A_190 = arith.shrui %get3A_178, %shift_right_logical3A_189 : vector<16xi32>
        %swap3A_191 = arith.constant 1 : i32
        %swap3A_192 = arith.index_cast %swap3A_191 : i32 to index
        %swap3A_193 = arith.constant 80 : index
        %swap3A_194 = tpu.vector_load %arg5[%swap3A_192, %swap3A_193] {strides = array<i32>} : memref<8x128xi32, #tpu.memory_space<vmem>>, vector<1x16xi32>,
        %swap3A_195 = vector.shape_cast %swap3A_194 : vector<1x16xi32> to vector<16xi32>
        %swap3A_196 = vector.shape_cast %shift_right_logical3A_190 : vector<16xi32> to vector<1x16xi32>
        tpu.vector_store %arg5[%swap3A_192, %swap3A_193], %swap3A_196 {strides = array<i32>} : memref<8x128xi32, #tpu.memory_space<vmem>>, vector<1x16xi32>,
        %get3A_197 = arith.index_cast %add3A_52 : i32 to index
        %get3A_198 = arith.constant 96 : index
        %get3A_199 = tpu.vector_load %arg4[%get3A_197, %get3A_198] {strides = array<i32>} : memref<79x128xi32, #tpu.memory_space<vmem>>, vector<1x16xi32>,
        %get3A_200 = vector.shape_cast %get3A_199 : vector<1x16xi32> to vector<16xi32>
        %and3A_201 = arith.constant 16383 : i32
        %and3A_202 = vector.broadcast %and3A_201 : i32 to vector<16xi32>
        %and3A_203 = arith.andi %get3A_200, %and3A_202 : vector<16xi32>
        %swap3A_204 = arith.constant 0 : i32
        %swap3A_205 = arith.index_cast %swap3A_204 : i32 to index
        %swap3A_206 = arith.constant 96 : index
        %swap3A_207 = tpu.vector_load %arg5[%swap3A_205, %swap3A_206] {strides = array<i32>} : memref<8x128xi32, #tpu.memory_space<vmem>>, vector<1x16xi32>,
        %swap3A_208 = vector.shape_cast %swap3A_207 : vector<1x16xi32> to vector<16xi32>
        %swap3A_209 = vector.shape_cast %and3A_203 : vector<16xi32> to vector<1x16xi32>
        tpu.vector_store %arg5[%swap3A_205, %swap3A_206], %swap3A_209 {strides = array<i32>} : memref<8x128xi32, #tpu.memory_space<vmem>>, vector<1x16xi32>,
        %shift_right_logical3A_210 = arith.constant 14 : i32
        %shift_right_logical3A_211 = vector.broadcast %shift_right_logical3A_210 : i32 to vector<16xi32>
        %shift_right_logical3A_212 = arith.shrui %get3A_200, %shift_right_logical3A_211 : vector<16xi32>
        %swap3A_213 = arith.constant 1 : i32
        %swap3A_214 = arith.index_cast %swap3A_213 : i32 to index
        %swap3A_215 = arith.constant 96 : index
        %swap3A_216 = tpu.vector_load %arg5[%swap3A_214, %swap3A_215] {strides = array<i32>} : memref<8x128xi32, #tpu.memory_space<vmem>>, vector<1x16xi32>,
        %swap3A_217 = vector.shape_cast %swap3A_216 : vector<1x16xi32> to vector<16xi32>
        %swap3A_218 = vector.shape_cast %shift_right_logical3A_212 : vector<16xi32> to vector<1x16xi32>
        tpu.vector_store %arg5[%swap3A_214, %swap3A_215], %swap3A_218 {strides = array<i32>} : memref<8x128xi32, #tpu.memory_space<vmem>>, vector<1x16xi32>,
        %get3A_219 = arith.index_cast %add3A_52 : i32 to index
        %get3A_220 = arith.constant 112 : index
        %get3A_221 = tpu.vector_load %arg4[%get3A_219, %get3A_220] {strides = array<i32>} : memref<79x128xi32, #tpu.memory_space<vmem>>, vector<1x16xi32>,
        %get3A_222 = vector.shape_cast %get3A_221 : vector<1x16xi32> to vector<16xi32>
        %and3A_223 = arith.constant 16383 : i32
        %and3A_224 = vector.broadcast %and3A_223 : i32 to vector<16xi32>
        %and3A_225 = arith.andi %get3A_222, %and3A_224 : vector<16xi32>
        %swap3A_226 = arith.constant 0 : i32
        %swap3A_227 = arith.index_cast %swap3A_226 : i32 to index
        %swap3A_228 = arith.constant 112 : index
        %swap3A_229 = tpu.vector_load %arg5[%swap3A_227, %swap3A_228] {strides = array<i32>} : memref<8x128xi32, #tpu.memory_space<vmem>>, vector<1x16xi32>,
        %swap3A_230 = vector.shape_cast %swap3A_229 : vector<1x16xi32> to vector<16xi32>
        %swap3A_231 = vector.shape_cast %and3A_225 : vector<16xi32> to vector<1x16xi32>
        tpu.vector_store %arg5[%swap3A_227, %swap3A_228], %swap3A_231 {strides = array<i32>} : memref<8x128xi32, #tpu.memory_space<vmem>>, vector<1x16xi32>,
        %shift_right_logical3A_232 = arith.constant 14 : i32
        %shift_right_logical3A_233 = vector.broadcast %shift_right_logical3A_232 : i32 to vector<16xi32>
        %shift_right_logical3A_234 = arith.shrui %get3A_222, %shift_right_logical3A_233 : vector<16xi32>
        %swap3A_235 = arith.constant 1 : i32
        %swap3A_236 = arith.index_cast %swap3A_235 : i32 to index
        %swap3A_237 = arith.constant 112 : index
        %swap3A_238 = tpu.vector_load %arg5[%swap3A_236, %swap3A_237] {strides = array<i32>} : memref<8x128xi32, #tpu.memory_space<vmem>>, vector<1x16xi32>,
        %swap3A_239 = vector.shape_cast %swap3A_238 : vector<1x16xi32> to vector<16xi32>
        %swap3A_240 = vector.shape_cast %shift_right_logical3A_234 : vector<16xi32> to vector<1x16xi32>
        tpu.vector_store %arg5[%swap3A_236, %swap3A_237], %swap3A_240 {strides = array<i32>} : memref<8x128xi32, #tpu.memory_space<vmem>>, vector<1x16xi32>,
        %dma_start3A = arith.constant 1 : i32
        %dma_start3A_241 = arith.constant 0 : i32
        %dma_start3A_242 = tpu.memref_slice %arg5[%dma_start3A, %dma_start3A_241] : memref<8x128xi32, #tpu.memory_space<vmem>> -> memref<1x128xi32, #tpu.memory_space<vmem>>
        %dma_start3A_243 = tpu.memref_squeeze %dma_start3A_242 : memref<1x128xi32, #tpu.memory_space<vmem>> -> memref<128xi32, #tpu.memory_space<vmem>>
        %dma_start3A_244 = arith.constant 0 : i32
        %dma_start3A_245 = arith.constant 0 : i32
        %dma_start3A_246 = tpu.memref_slice %arg7[%dma_start3A_244, %dma_start3A_245] : memref<10240x128xf32, #tpu.memory_space<vmem_shared>> -> memref<10240x128xf32, #tpu.memory_space<vmem_shared>>
        tpu.enqueue_indirect_dma source(%arg6 : memref<128x128xf32, #tpu.memory_space<vmem>>) target(%dma_start3A_246 : memref<10240x128xf32, #tpu.memory_space<vmem_shared>>) offsets(%dma_start3A_243 : memref<128xi32, #tpu.memory_space<vmem>>) semaphore(%arg8 : memref<!tpu.dma_semaphore, #tpu.memory_space<semaphore_mem>>) {add = true}
      } else {
      }
      %mul3A_55 = arith.constant 2 : i32
      %mul3A_56 = arith.muli %scan3A_47, %mul3A_55 : i32
      %add3A_57 = arith.constant 1 : i32
      %add3A_58 = arith.addi %mul3A_56, %add3A_57 : i32
      %lt3A_59 = arith.constant 79 : i32
      %lt3A_60 = arith.cmpi slt, %add3A_58, %lt3A_59 : i32
      %convert_element_type3A_61 = arith.extui %lt3A_60 : i1 to i32
      %cond3A_62 = arith.constant 0 : i32
      %cond3A_63 = arith.cmpi ne, %convert_element_type3A_61, %cond3A_62 : i32
      scf.if %cond3A_63 {
        %ge3A = arith.constant 2 : i32
        %ge3A_65 = arith.cmpi sge, %add3A_58, %ge3A : i32
        %convert_element_type3A_66 = arith.extui %ge3A_65 : i1 to i32
        %cond3A_67 = arith.constant 0 : i32
        %cond3A_68 = arith.cmpi ne, %convert_element_type3A_66, %cond3A_67 : i32
        scf.if %cond3A_68 {
          %dma_wait3A_247 = arith.constant 3 : i32
          %dma_wait3A_248 = arith.constant 0 : i32
          %dma_wait3A_249 = tpu.memref_slice %arg5[%dma_wait3A_247, %dma_wait3A_248] : memref<8x128xi32, #tpu.memory_space<vmem>> -> memref<1x128xi32, #tpu.memory_space<vmem>>
          %dma_wait3A_250 = tpu.memref_squeeze %dma_wait3A_249 : memref<1x128xi32, #tpu.memory_space<vmem>> -> memref<128xi32, #tpu.memory_space<vmem>>
          %dma_wait3A_251 = arith.constant 0 : i32
          %dma_wait3A_252 = arith.constant 0 : i32
          %dma_wait3A_253 = tpu.memref_slice %arg7[%dma_wait3A_251, %dma_wait3A_252] : memref<10240x128xf32, #tpu.memory_space<vmem_shared>> -> memref<10240x128xf32, #tpu.memory_space<vmem_shared>>
          tpu.wait_indirect_dma semaphore(%arg9 : memref<!tpu.dma_semaphore, #tpu.memory_space<semaphore_mem>>) src(%arg6 : memref<128x128xf32, #tpu.memory_space<vmem>>) dst(%dma_wait3A_253 : memref<10240x128xf32, #tpu.memory_space<vmem_shared>>)
        } else {
        }
        %get3A = arith.index_cast %add3A_58 : i32 to index
        %get3A_69 = arith.constant 0 : index
        %get3A_70 = tpu.vector_load %arg4[%get3A, %get3A_69] {strides = array<i32>} : memref<79x128xi32, #tpu.memory_space<vmem>>, vector<1x16xi32>,
        %get3A_71 = vector.shape_cast %get3A_70 : vector<1x16xi32> to vector<16xi32>
        %and3A = arith.constant 16383 : i32
        %and3A_72 = vector.broadcast %and3A : i32 to vector<16xi32>
        %and3A_73 = arith.andi %get3A_71, %and3A_72 : vector<16xi32>
        %swap3A = arith.constant 2 : i32
        %swap3A_74 = arith.index_cast %swap3A : i32 to index
        %swap3A_75 = arith.constant 0 : index
        %swap3A_76 = tpu.vector_load %arg5[%swap3A_74, %swap3A_75] {strides = array<i32>} : memref<8x128xi32, #tpu.memory_space<vmem>>, vector<1x16xi32>,
        %swap3A_77 = vector.shape_cast %swap3A_76 : vector<1x16xi32> to vector<16xi32>
        %swap3A_78 = vector.shape_cast %and3A_73 : vector<16xi32> to vector<1x16xi32>
        tpu.vector_store %arg5[%swap3A_74, %swap3A_75], %swap3A_78 {strides = array<i32>} : memref<8x128xi32, #tpu.memory_space<vmem>>, vector<1x16xi32>,
        %shift_right_logical3A = arith.constant 14 : i32
        %shift_right_logical3A_79 = vector.broadcast %shift_right_logical3A : i32 to vector<16xi32>
        %shift_right_logical3A_80 = arith.shrui %get3A_71, %shift_right_logical3A_79 : vector<16xi32>
        %swap3A_81 = arith.constant 3 : i32
        %swap3A_82 = arith.index_cast %swap3A_81 : i32 to index
        %swap3A_83 = arith.constant 0 : index
        %swap3A_84 = tpu.vector_load %arg5[%swap3A_82, %swap3A_83] {strides = array<i32>} : memref<8x128xi32, #tpu.memory_space<vmem>>, vector<1x16xi32>,
        %swap3A_85 = vector.shape_cast %swap3A_84 : vector<1x16xi32> to vector<16xi32>
        %swap3A_86 = vector.shape_cast %shift_right_logical3A_80 : vector<16xi32> to vector<1x16xi32>
        tpu.vector_store %arg5[%swap3A_82, %swap3A_83], %swap3A_86 {strides = array<i32>} : memref<8x128xi32, #tpu.memory_space<vmem>>, vector<1x16xi32>,
        %get3A_87 = arith.index_cast %add3A_58 : i32 to index
        %get3A_88 = arith.constant 16 : index
        %get3A_89 = tpu.vector_load %arg4[%get3A_87, %get3A_88] {strides = array<i32>} : memref<79x128xi32, #tpu.memory_space<vmem>>, vector<1x16xi32>,
        %get3A_90 = vector.shape_cast %get3A_89 : vector<1x16xi32> to vector<16xi32>
        %and3A_91 = arith.constant 16383 : i32
        %and3A_92 = vector.broadcast %and3A_91 : i32 to vector<16xi32>
        %and3A_93 = arith.andi %get3A_90, %and3A_92 : vector<16xi32>
        %swap3A_94 = arith.constant 2 : i32
        %swap3A_95 = arith.index_cast %swap3A_94 : i32 to index
        %swap3A_96 = arith.constant 16 : index
        %swap3A_97 = tpu.vector_load %arg5[%swap3A_95, %swap3A_96] {strides = array<i32>} : memref<8x128xi32, #tpu.memory_space<vmem>>, vector<1x16xi32>,
        %swap3A_98 = vector.shape_cast %swap3A_97 : vector<1x16xi32> to vector<16xi32>
        %swap3A_99 = vector.shape_cast %and3A_93 : vector<16xi32> to vector<1x16xi32>
        tpu.vector_store %arg5[%swap3A_95, %swap3A_96], %swap3A_99 {strides = array<i32>} : memref<8x128xi32, #tpu.memory_space<vmem>>, vector<1x16xi32>,
        %shift_right_logical3A_100 = arith.constant 14 : i32
        %shift_right_logical3A_101 = vector.broadcast %shift_right_logical3A_100 : i32 to vector<16xi32>
        %shift_right_logical3A_102 = arith.shrui %get3A_90, %shift_right_logical3A_101 : vector<16xi32>
        %swap3A_103 = arith.constant 3 : i32
        %swap3A_104 = arith.index_cast %swap3A_103 : i32 to index
        %swap3A_105 = arith.constant 16 : index
        %swap3A_106 = tpu.vector_load %arg5[%swap3A_104, %swap3A_105] {strides = array<i32>} : memref<8x128xi32, #tpu.memory_space<vmem>>, vector<1x16xi32>,
        %swap3A_107 = vector.shape_cast %swap3A_106 : vector<1x16xi32> to vector<16xi32>
        %swap3A_108 = vector.shape_cast %shift_right_logical3A_102 : vector<16xi32> to vector<1x16xi32>
        tpu.vector_store %arg5[%swap3A_104, %swap3A_105], %swap3A_108 {strides = array<i32>} : memref<8x128xi32, #tpu.memory_space<vmem>>, vector<1x16xi32>,
        %get3A_109 = arith.index_cast %add3A_58 : i32 to index
        %get3A_110 = arith.constant 32 : index
        %get3A_111 = tpu.vector_load %arg4[%get3A_109, %get3A_110] {strides = array<i32>} : memref<79x128xi32, #tpu.memory_space<vmem>>, vector<1x16xi32>,
        %get3A_112 = vector.shape_cast %get3A_111 : vector<1x16xi32> to vector<16xi32>
        %and3A_113 = arith.constant 16383 : i32
        %and3A_114 = vector.broadcast %and3A_113 : i32 to vector<16xi32>
        %and3A_115 = arith.andi %get3A_112, %and3A_114 : vector<16xi32>
        %swap3A_116 = arith.constant 2 : i32
        %swap3A_117 = arith.index_cast %swap3A_116 : i32 to index
        %swap3A_118 = arith.constant 32 : index
        %swap3A_119 = tpu.vector_load %arg5[%swap3A_117, %swap3A_118] {strides = array<i32>} : memref<8x128xi32, #tpu.memory_space<vmem>>, vector<1x16xi32>,
        %swap3A_120 = vector.shape_cast %swap3A_119 : vector<1x16xi32> to vector<16xi32>
        %swap3A_121 = vector.shape_cast %and3A_115 : vector<16xi32> to vector<1x16xi32>
        tpu.vector_store %arg5[%swap3A_117, %swap3A_118], %swap3A_121 {strides = array<i32>} : memref<8x128xi32, #tpu.memory_space<vmem>>, vector<1x16xi32>,
        %shift_right_logical3A_122 = arith.constant 14 : i32
        %shift_right_logical3A_123 = vector.broadcast %shift_right_logical3A_122 : i32 to vector<16xi32>
        %shift_right_logical3A_124 = arith.shrui %get3A_112, %shift_right_logical3A_123 : vector<16xi32>
        %swap3A_125 = arith.constant 3 : i32
        %swap3A_126 = arith.index_cast %swap3A_125 : i32 to index
        %swap3A_127 = arith.constant 32 : index
        %swap3A_128 = tpu.vector_load %arg5[%swap3A_126, %swap3A_127] {strides = array<i32>} : memref<8x128xi32, #tpu.memory_space<vmem>>, vector<1x16xi32>,
        %swap3A_129 = vector.shape_cast %swap3A_128 : vector<1x16xi32> to vector<16xi32>
        %swap3A_130 = vector.shape_cast %shift_right_logical3A_124 : vector<16xi32> to vector<1x16xi32>
        tpu.vector_store %arg5[%swap3A_126, %swap3A_127], %swap3A_130 {strides = array<i32>} : memref<8x128xi32, #tpu.memory_space<vmem>>, vector<1x16xi32>,
        %get3A_131 = arith.index_cast %add3A_58 : i32 to index
        %get3A_132 = arith.constant 48 : index
        %get3A_133 = tpu.vector_load %arg4[%get3A_131, %get3A_132] {strides = array<i32>} : memref<79x128xi32, #tpu.memory_space<vmem>>, vector<1x16xi32>,
        %get3A_134 = vector.shape_cast %get3A_133 : vector<1x16xi32> to vector<16xi32>
        %and3A_135 = arith.constant 16383 : i32
        %and3A_136 = vector.broadcast %and3A_135 : i32 to vector<16xi32>
        %and3A_137 = arith.andi %get3A_134, %and3A_136 : vector<16xi32>
        %swap3A_138 = arith.constant 2 : i32
        %swap3A_139 = arith.index_cast %swap3A_138 : i32 to index
        %swap3A_140 = arith.constant 48 : index
        %swap3A_141 = tpu.vector_load %arg5[%swap3A_139, %swap3A_140] {strides = array<i32>} : memref<8x128xi32, #tpu.memory_space<vmem>>, vector<1x16xi32>,
        %swap3A_142 = vector.shape_cast %swap3A_141 : vector<1x16xi32> to vector<16xi32>
        %swap3A_143 = vector.shape_cast %and3A_137 : vector<16xi32> to vector<1x16xi32>
        tpu.vector_store %arg5[%swap3A_139, %swap3A_140], %swap3A_143 {strides = array<i32>} : memref<8x128xi32, #tpu.memory_space<vmem>>, vector<1x16xi32>,
        %shift_right_logical3A_144 = arith.constant 14 : i32
        %shift_right_logical3A_145 = vector.broadcast %shift_right_logical3A_144 : i32 to vector<16xi32>
        %shift_right_logical3A_146 = arith.shrui %get3A_134, %shift_right_logical3A_145 : vector<16xi32>
        %swap3A_147 = arith.constant 3 : i32
        %swap3A_148 = arith.index_cast %swap3A_147 : i32 to index
        %swap3A_149 = arith.constant 48 : index
        %swap3A_150 = tpu.vector_load %arg5[%swap3A_148, %swap3A_149] {strides = array<i32>} : memref<8x128xi32, #tpu.memory_space<vmem>>, vector<1x16xi32>,
        %swap3A_151 = vector.shape_cast %swap3A_150 : vector<1x16xi32> to vector<16xi32>
        %swap3A_152 = vector.shape_cast %shift_right_logical3A_146 : vector<16xi32> to vector<1x16xi32>
        tpu.vector_store %arg5[%swap3A_148, %swap3A_149], %swap3A_152 {strides = array<i32>} : memref<8x128xi32, #tpu.memory_space<vmem>>, vector<1x16xi32>,
        %get3A_153 = arith.index_cast %add3A_58 : i32 to index
        %get3A_154 = arith.constant 64 : index
        %get3A_155 = tpu.vector_load %arg4[%get3A_153, %get3A_154] {strides = array<i32>} : memref<79x128xi32, #tpu.memory_space<vmem>>, vector<1x16xi32>,
        %get3A_156 = vector.shape_cast %get3A_155 : vector<1x16xi32> to vector<16xi32>
        %and3A_157 = arith.constant 16383 : i32
        %and3A_158 = vector.broadcast %and3A_157 : i32 to vector<16xi32>
        %and3A_159 = arith.andi %get3A_156, %and3A_158 : vector<16xi32>
        %swap3A_160 = arith.constant 2 : i32
        %swap3A_161 = arith.index_cast %swap3A_160 : i32 to index
        %swap3A_162 = arith.constant 64 : index
        %swap3A_163 = tpu.vector_load %arg5[%swap3A_161, %swap3A_162] {strides = array<i32>} : memref<8x128xi32, #tpu.memory_space<vmem>>, vector<1x16xi32>,
        %swap3A_164 = vector.shape_cast %swap3A_163 : vector<1x16xi32> to vector<16xi32>
        %swap3A_165 = vector.shape_cast %and3A_159 : vector<16xi32> to vector<1x16xi32>
        tpu.vector_store %arg5[%swap3A_161, %swap3A_162], %swap3A_165 {strides = array<i32>} : memref<8x128xi32, #tpu.memory_space<vmem>>, vector<1x16xi32>,
        %shift_right_logical3A_166 = arith.constant 14 : i32
        %shift_right_logical3A_167 = vector.broadcast %shift_right_logical3A_166 : i32 to vector<16xi32>
        %shift_right_logical3A_168 = arith.shrui %get3A_156, %shift_right_logical3A_167 : vector<16xi32>
        %swap3A_169 = arith.constant 3 : i32
        %swap3A_170 = arith.index_cast %swap3A_169 : i32 to index
        %swap3A_171 = arith.constant 64 : index
        %swap3A_172 = tpu.vector_load %arg5[%swap3A_170, %swap3A_171] {strides = array<i32>} : memref<8x128xi32, #tpu.memory_space<vmem>>, vector<1x16xi32>,
        %swap3A_173 = vector.shape_cast %swap3A_172 : vector<1x16xi32> to vector<16xi32>
        %swap3A_174 = vector.shape_cast %shift_right_logical3A_168 : vector<16xi32> to vector<1x16xi32>
        tpu.vector_store %arg5[%swap3A_170, %swap3A_171], %swap3A_174 {strides = array<i32>} : memref<8x128xi32, #tpu.memory_space<vmem>>, vector<1x16xi32>,
        %get3A_175 = arith.index_cast %add3A_58 : i32 to index
        %get3A_176 = arith.constant 80 : index
        %get3A_177 = tpu.vector_load %arg4[%get3A_175, %get3A_176] {strides = array<i32>} : memref<79x128xi32, #tpu.memory_space<vmem>>, vector<1x16xi32>,
        %get3A_178 = vector.shape_cast %get3A_177 : vector<1x16xi32> to vector<16xi32>
        %and3A_179 = arith.constant 16383 : i32
        %and3A_180 = vector.broadcast %and3A_179 : i32 to vector<16xi32>
        %and3A_181 = arith.andi %get3A_178, %and3A_180 : vector<16xi32>
        %swap3A_182 = arith.constant 2 : i32
        %swap3A_183 = arith.index_cast %swap3A_182 : i32 to index
        %swap3A_184 = arith.constant 80 : index
        %swap3A_185 = tpu.vector_load %arg5[%swap3A_183, %swap3A_184] {strides = array<i32>} : memref<8x128xi32, #tpu.memory_space<vmem>>, vector<1x16xi32>,
        %swap3A_186 = vector.shape_cast %swap3A_185 : vector<1x16xi32> to vector<16xi32>
        %swap3A_187 = vector.shape_cast %and3A_181 : vector<16xi32> to vector<1x16xi32>
        tpu.vector_store %arg5[%swap3A_183, %swap3A_184], %swap3A_187 {strides = array<i32>} : memref<8x128xi32, #tpu.memory_space<vmem>>, vector<1x16xi32>,
        %shift_right_logical3A_188 = arith.constant 14 : i32
        %shift_right_logical3A_189 = vector.broadcast %shift_right_logical3A_188 : i32 to vector<16xi32>
        %shift_right_logical3A_190 = arith.shrui %get3A_178, %shift_right_logical3A_189 : vector<16xi32>
        %swap3A_191 = arith.constant 3 : i32
        %swap3A_192 = arith.index_cast %swap3A_191 : i32 to index
        %swap3A_193 = arith.constant 80 : index
        %swap3A_194 = tpu.vector_load %arg5[%swap3A_192, %swap3A_193] {strides = array<i32>} : memref<8x128xi32, #tpu.memory_space<vmem>>, vector<1x16xi32>,
        %swap3A_195 = vector.shape_cast %swap3A_194 : vector<1x16xi32> to vector<16xi32>
        %swap3A_196 = vector.shape_cast %shift_right_logical3A_190 : vector<16xi32> to vector<1x16xi32>
        tpu.vector_store %arg5[%swap3A_192, %swap3A_193], %swap3A_196 {strides = array<i32>} : memref<8x128xi32, #tpu.memory_space<vmem>>, vector<1x16xi32>,
        %get3A_197 = arith.index_cast %add3A_58 : i32 to index
        %get3A_198 = arith.constant 96 : index
        %get3A_199 = tpu.vector_load %arg4[%get3A_197, %get3A_198] {strides = array<i32>} : memref<79x128xi32, #tpu.memory_space<vmem>>, vector<1x16xi32>,
        %get3A_200 = vector.shape_cast %get3A_199 : vector<1x16xi32> to vector<16xi32>
        %and3A_201 = arith.constant 16383 : i32
        %and3A_202 = vector.broadcast %and3A_201 : i32 to vector<16xi32>
        %and3A_203 = arith.andi %get3A_200, %and3A_202 : vector<16xi32>
        %swap3A_204 = arith.constant 2 : i32
        %swap3A_205 = arith.index_cast %swap3A_204 : i32 to index
        %swap3A_206 = arith.constant 96 : index
        %swap3A_207 = tpu.vector_load %arg5[%swap3A_205, %swap3A_206] {strides = array<i32>} : memref<8x128xi32, #tpu.memory_space<vmem>>, vector<1x16xi32>,
        %swap3A_208 = vector.shape_cast %swap3A_207 : vector<1x16xi32> to vector<16xi32>
        %swap3A_209 = vector.shape_cast %and3A_203 : vector<16xi32> to vector<1x16xi32>
        tpu.vector_store %arg5[%swap3A_205, %swap3A_206], %swap3A_209 {strides = array<i32>} : memref<8x128xi32, #tpu.memory_space<vmem>>, vector<1x16xi32>,
        %shift_right_logical3A_210 = arith.constant 14 : i32
        %shift_right_logical3A_211 = vector.broadcast %shift_right_logical3A_210 : i32 to vector<16xi32>
        %shift_right_logical3A_212 = arith.shrui %get3A_200, %shift_right_logical3A_211 : vector<16xi32>
        %swap3A_213 = arith.constant 3 : i32
        %swap3A_214 = arith.index_cast %swap3A_213 : i32 to index
        %swap3A_215 = arith.constant 96 : index
        %swap3A_216 = tpu.vector_load %arg5[%swap3A_214, %swap3A_215] {strides = array<i32>} : memref<8x128xi32, #tpu.memory_space<vmem>>, vector<1x16xi32>,
        %swap3A_217 = vector.shape_cast %swap3A_216 : vector<1x16xi32> to vector<16xi32>
        %swap3A_218 = vector.shape_cast %shift_right_logical3A_212 : vector<16xi32> to vector<1x16xi32>
        tpu.vector_store %arg5[%swap3A_214, %swap3A_215], %swap3A_218 {strides = array<i32>} : memref<8x128xi32, #tpu.memory_space<vmem>>, vector<1x16xi32>,
        %get3A_219 = arith.index_cast %add3A_58 : i32 to index
        %get3A_220 = arith.constant 112 : index
        %get3A_221 = tpu.vector_load %arg4[%get3A_219, %get3A_220] {strides = array<i32>} : memref<79x128xi32, #tpu.memory_space<vmem>>, vector<1x16xi32>,
        %get3A_222 = vector.shape_cast %get3A_221 : vector<1x16xi32> to vector<16xi32>
        %and3A_223 = arith.constant 16383 : i32
        %and3A_224 = vector.broadcast %and3A_223 : i32 to vector<16xi32>
        %and3A_225 = arith.andi %get3A_222, %and3A_224 : vector<16xi32>
        %swap3A_226 = arith.constant 2 : i32
        %swap3A_227 = arith.index_cast %swap3A_226 : i32 to index
        %swap3A_228 = arith.constant 112 : index
        %swap3A_229 = tpu.vector_load %arg5[%swap3A_227, %swap3A_228] {strides = array<i32>} : memref<8x128xi32, #tpu.memory_space<vmem>>, vector<1x16xi32>,
        %swap3A_230 = vector.shape_cast %swap3A_229 : vector<1x16xi32> to vector<16xi32>
        %swap3A_231 = vector.shape_cast %and3A_225 : vector<16xi32> to vector<1x16xi32>
        tpu.vector_store %arg5[%swap3A_227, %swap3A_228], %swap3A_231 {strides = array<i32>} : memref<8x128xi32, #tpu.memory_space<vmem>>, vector<1x16xi32>,
        %shift_right_logical3A_232 = arith.constant 14 : i32
        %shift_right_logical3A_233 = vector.broadcast %shift_right_logical3A_232 : i32 to vector<16xi32>
        %shift_right_logical3A_234 = arith.shrui %get3A_222, %shift_right_logical3A_233 : vector<16xi32>
        %swap3A_235 = arith.constant 3 : i32
        %swap3A_236 = arith.index_cast %swap3A_235 : i32 to index
        %swap3A_237 = arith.constant 112 : index
        %swap3A_238 = tpu.vector_load %arg5[%swap3A_236, %swap3A_237] {strides = array<i32>} : memref<8x128xi32, #tpu.memory_space<vmem>>, vector<1x16xi32>,
        %swap3A_239 = vector.shape_cast %swap3A_238 : vector<1x16xi32> to vector<16xi32>
        %swap3A_240 = vector.shape_cast %shift_right_logical3A_234 : vector<16xi32> to vector<1x16xi32>
        tpu.vector_store %arg5[%swap3A_236, %swap3A_237], %swap3A_240 {strides = array<i32>} : memref<8x128xi32, #tpu.memory_space<vmem>>, vector<1x16xi32>,
        %dma_start3A = arith.constant 3 : i32
        %dma_start3A_241 = arith.constant 0 : i32
        %dma_start3A_242 = tpu.memref_slice %arg5[%dma_start3A, %dma_start3A_241] : memref<8x128xi32, #tpu.memory_space<vmem>> -> memref<1x128xi32, #tpu.memory_space<vmem>>
        %dma_start3A_243 = tpu.memref_squeeze %dma_start3A_242 : memref<1x128xi32, #tpu.memory_space<vmem>> -> memref<128xi32, #tpu.memory_space<vmem>>
        %dma_start3A_244 = arith.constant 0 : i32
        %dma_start3A_245 = arith.constant 0 : i32
        %dma_start3A_246 = tpu.memref_slice %arg7[%dma_start3A_244, %dma_start3A_245] : memref<10240x128xf32, #tpu.memory_space<vmem_shared>> -> memref<10240x128xf32, #tpu.memory_space<vmem_shared>>
        tpu.enqueue_indirect_dma source(%arg6 : memref<128x128xf32, #tpu.memory_space<vmem>>) target(%dma_start3A_246 : memref<10240x128xf32, #tpu.memory_space<vmem_shared>>) offsets(%dma_start3A_243 : memref<128xi32, #tpu.memory_space<vmem>>) semaphore(%arg9 : memref<!tpu.dma_semaphore, #tpu.memory_space<semaphore_mem>>) {add = true}
      } else {
      }
      %scan3A_64 = arith.constant 0 : i32
      scf.yield %scan3A_64 : i32
    }
    %scan3A_32 = arith.constant 40 : i32
    %dma_wait3A = arith.constant 3 : i32
    %dma_wait3A_33 = arith.constant 0 : i32
    %dma_wait3A_34 = tpu.memref_slice %arg5[%dma_wait3A, %dma_wait3A_33] : memref<8x128xi32, #tpu.memory_space<vmem>> -> memref<1x128xi32, #tpu.memory_space<vmem>>
    %dma_wait3A_35 = tpu.memref_squeeze %dma_wait3A_34 : memref<1x128xi32, #tpu.memory_space<vmem>> -> memref<128xi32, #tpu.memory_space<vmem>>
    %dma_wait3A_36 = arith.constant 0 : i32
    %dma_wait3A_37 = arith.constant 0 : i32
    %dma_wait3A_38 = tpu.memref_slice %arg7[%dma_wait3A_36, %dma_wait3A_37] : memref<10240x128xf32, #tpu.memory_space<vmem_shared>> -> memref<10240x128xf32, #tpu.memory_space<vmem_shared>>
    tpu.wait_indirect_dma semaphore(%arg9 : memref<!tpu.dma_semaphore, #tpu.memory_space<semaphore_mem>>) src(%arg6 : memref<128x128xf32, #tpu.memory_space<vmem>>) dst(%dma_wait3A_38 : memref<10240x128xf32, #tpu.memory_space<vmem_shared>>)
    %dma_wait3A_39 = arith.constant 1 : i32
    %dma_wait3A_40 = arith.constant 0 : i32
    %dma_wait3A_41 = tpu.memref_slice %arg5[%dma_wait3A_39, %dma_wait3A_40] : memref<8x128xi32, #tpu.memory_space<vmem>> -> memref<1x128xi32, #tpu.memory_space<vmem>>
    %dma_wait3A_42 = tpu.memref_squeeze %dma_wait3A_41 : memref<1x128xi32, #tpu.memory_space<vmem>> -> memref<128xi32, #tpu.memory_space<vmem>>
    %dma_wait3A_43 = arith.constant 0 : i32
    %dma_wait3A_44 = arith.constant 0 : i32
    %dma_wait3A_45 = tpu.memref_slice %arg7[%dma_wait3A_43, %dma_wait3A_44] : memref<10240x128xf32, #tpu.memory_space<vmem_shared>> -> memref<10240x128xf32, #tpu.memory_space<vmem_shared>>
    tpu.wait_indirect_dma semaphore(%arg8 : memref<!tpu.dma_semaphore, #tpu.memory_space<semaphore_mem>>) src(%arg6 : memref<128x128xf32, #tpu.memory_space<vmem>>) dst(%dma_wait3A_45 : memref<10240x128xf32, #tpu.memory_space<vmem_shared>>)
    %barrier3A_46 = arith.constant 0 : index
    tpu.barrier barrier_id(%barrier3A_46)
    "tpu.region"() ({
      %run_scoped3A = tpu.sem_alloc : memref<!tpu.dma_semaphore, #tpu.memory_space<semaphore_mem>>
      %dma_start3A = arith.constant 0 : i32
      %dma_start3A_47 = tpu.memref_slice %arg3[%arg0, %mul3A_2, %dma_start3A] : memref<2x10240x128xf32, #tpu.memory_space<hbm>> -> memref<1x640x128xf32, #tpu.memory_space<hbm>>
      %dma_start3A_48 = tpu.memref_squeeze %dma_start3A_47 : memref<1x640x128xf32, #tpu.memory_space<hbm>> -> memref<640x128xf32, #tpu.memory_space<hbm>>
      %dma_start3A_49 = arith.constant 0 : i32
      %dma_start3A_50 = tpu.memref_slice %arg7[%mul3A_2, %dma_start3A_49] : memref<10240x128xf32, #tpu.memory_space<vmem_shared>> -> memref<640x128xf32, #tpu.memory_space<vmem_shared>>
      tpu.enqueue_dma source(%dma_start3A_50 : memref<640x128xf32, #tpu.memory_space<vmem_shared>>) target(%dma_start3A_48 : memref<640x128xf32, #tpu.memory_space<hbm>>) target_semaphore(%run_scoped3A : memref<!tpu.dma_semaphore, #tpu.memory_space<semaphore_mem>>)
      %dma_wait3A_51 = arith.constant 0 : i32
      %dma_wait3A_52 = tpu.memref_slice %arg3[%arg0, %mul3A_2, %dma_wait3A_51] : memref<2x10240x128xf32, #tpu.memory_space<hbm>> -> memref<1x640x128xf32, #tpu.memory_space<hbm>>
      %dma_wait3A_53 = tpu.memref_squeeze %dma_wait3A_52 : memref<1x640x128xf32, #tpu.memory_space<hbm>> -> memref<640x128xf32, #tpu.memory_space<hbm>>
      %dma_wait3A_54 = arith.constant 0 : i32
      %dma_wait3A_55 = tpu.memref_slice %arg7[%mul3A_2, %dma_wait3A_54] : memref<10240x128xf32, #tpu.memory_space<vmem_shared>> -> memref<640x128xf32, #tpu.memory_space<vmem_shared>>
      tpu.wait_dma2 semaphore(%run_scoped3A : memref<!tpu.dma_semaphore, #tpu.memory_space<semaphore_mem>>) src(%dma_wait3A_55 : memref<640x128xf32, #tpu.memory_space<vmem_shared>>) dst(%dma_wait3A_53 : memref<640x128xf32, #tpu.memory_space<hbm>>)
      tpu.yield
    }) : () -> ()
    return
  }
}

module attributes {stable_mosaic.version = 14 : i64} {
  func.func @_tc_body(%arg0: i32, %arg1: memref<1024x128xf32, #tpu.memory_space<vmem>>, %arg2: memref<2x1024x128xf32, #tpu.memory_space<vmem>>, %arg3: memref<2x1024x128xf32, #tpu.memory_space<vmem>>, %arg4: memref<128x128xf32, #tpu.memory_space<vmem>>, %arg5: memref<128x128xf32, #tpu.memory_space<vmem>>, %arg6: memref<1x128xf32, #tpu.memory_space<vmem>>, %arg7: memref<1024x128xf32, #tpu.memory_space<vmem>>) attributes {dimension_semantics = [#tpu.dimension_semantics<arbitrary>], iteration_bounds = array<i64: 10>, scalar_prefetch = 0 : i64, scratch_operands = 0 : i64, tpu.core_type = #tpu.core_type<tc>, window_params = [{transform_indices = @transform_0, window_bounds = array<i64: 1024, 128>}, {transform_indices = @transform_1, window_bounds = array<i64: 2, 1024, 128>}, {transform_indices = @transform_2, window_bounds = array<i64: 2, 1024, 128>}, {pipeline_mode = #tpu.pipeline_mode<synchronous>, transform_indices = @transform_3, window_bounds = array<i64: 128, 128>}, {pipeline_mode = #tpu.pipeline_mode<synchronous>, transform_indices = @transform_4, window_bounds = array<i64: 128, 128>}, {pipeline_mode = #tpu.pipeline_mode<synchronous>, transform_indices = @transform_5, window_bounds = array<i64: 1, 128>}, {transform_indices = @transform_6, window_bounds = array<i64: 1024, 128>}]} {
    %get3A = arith.constant 0 : index
    %get3A_0 = arith.constant 0 : index
    %get3A_1 = arith.constant 0 : index
    %get3A_2 = vector.load %arg2[%get3A, %get3A_0, %get3A_1] : memref<2x1024x128xf32, #tpu.memory_space<vmem>>, vector<1x1024x128xf32>
    %get3A_3 = vector.shape_cast %get3A_2 : vector<1x1024x128xf32> to vector<1024x128xf32>
    %get3A_4 = arith.constant 1 : index
    %get3A_5 = arith.constant 0 : index
    %get3A_6 = arith.constant 0 : index
    %get3A_7 = vector.load %arg2[%get3A_4, %get3A_5, %get3A_6] : memref<2x1024x128xf32, #tpu.memory_space<vmem>>, vector<1x1024x128xf32>
    %get3A_8 = vector.shape_cast %get3A_7 : vector<1x1024x128xf32> to vector<1024x128xf32>
    %add3A = arith.addf %get3A_3, %get3A_8 : vector<1024x128xf32>
    %get3A_9 = arith.constant 0 : index
    %get3A_10 = arith.constant 0 : index
    %get3A_11 = arith.constant 0 : index
    %get3A_12 = vector.load %arg3[%get3A_9, %get3A_10, %get3A_11] : memref<2x1024x128xf32, #tpu.memory_space<vmem>>, vector<1x1024x128xf32>
    %get3A_13 = vector.shape_cast %get3A_12 : vector<1x1024x128xf32> to vector<1024x128xf32>
    %get3A_14 = arith.constant 1 : index
    %get3A_15 = arith.constant 0 : index
    %get3A_16 = arith.constant 0 : index
    %get3A_17 = vector.load %arg3[%get3A_14, %get3A_15, %get3A_16] : memref<2x1024x128xf32, #tpu.memory_space<vmem>>, vector<1x1024x128xf32>
    %get3A_18 = vector.shape_cast %get3A_17 : vector<1x1024x128xf32> to vector<1024x128xf32>
    %add3A_19 = arith.addf %get3A_13, %get3A_18 : vector<1024x128xf32>
    %slice3A = vector.extract_strided_slice %add3A_19 {offsets = [0, 0], sizes = [1024, 1], strides = [1, 1]} : vector<1024x128xf32> to vector<1024x1xf32>
    %max3A = arith.constant 1.000000e+00 : f32
    %max3A_20 = vector.broadcast %max3A : f32 to vector<1024x1xf32>
    %max3A_21 = arith.maximumf %slice3A, %max3A_20 : vector<1024x1xf32>
    %div3A = arith.constant 1.000000e+00 : f32
    %div3A_22 = vector.broadcast %div3A : f32 to vector<1024x1xf32>
    %div3A_23 = arith.divf %div3A_22, %max3A_21 : vector<1024x1xf32>
    %mul3A = vector.broadcast %div3A_23 : vector<1024x1xf32> to vector<1024x128xf32>
    %mul3A_24 = arith.mulf %add3A, %mul3A : vector<1024x128xf32>
    %get3A_25 = arith.constant 0 : index
    %get3A_26 = arith.constant 0 : index
    %get3A_27 = vector.load %arg4[%get3A_25, %get3A_26] : memref<128x128xf32, #tpu.memory_space<vmem>>, vector<128x128xf32>
    %dot_general3A = arith.constant dense<0.000000e+00> : vector<1024x128xf32>
    %dot_general3A_28 = tpu.matmul %mul3A_24, %get3A_27, %dot_general3A {dimension_numbers = #tpu.dot_dimension_numbers<[1], [1], [0], [0], [0, 0, 1, 0], [], []>, transpose_lhs_hint = false} : vector<1024x128xf32>, vector<128x128xf32>, vector<1024x128xf32> -> vector<1024x128xf32>
    %get3A_29 = arith.constant 0 : index
    %get3A_30 = arith.constant 0 : index
    %get3A_31 = vector.load %arg1[%get3A_29, %get3A_30] : memref<1024x128xf32, #tpu.memory_space<vmem>>, vector<1024x128xf32>
    %get3A_32 = arith.constant 0 : index
    %get3A_33 = arith.constant 0 : index
    %get3A_34 = vector.load %arg5[%get3A_32, %get3A_33] : memref<128x128xf32, #tpu.memory_space<vmem>>, vector<128x128xf32>
    %dot_general3A_35 = arith.constant dense<0.000000e+00> : vector<1024x128xf32>
    %dot_general3A_36 = tpu.matmul %get3A_31, %get3A_34, %dot_general3A_35 {dimension_numbers = #tpu.dot_dimension_numbers<[1], [1], [0], [0], [0, 0, 1, 0], [], []>, transpose_lhs_hint = false} : vector<1024x128xf32>, vector<128x128xf32>, vector<1024x128xf32> -> vector<1024x128xf32>
    %add3A_37 = arith.addf %dot_general3A_36, %dot_general3A_28 : vector<1024x128xf32>
    %get3A_38 = arith.constant 0 : index
    %get3A_39 = arith.constant 0 : index
    %get3A_40 = vector.load %arg6[%get3A_38, %get3A_39] : memref<1x128xf32, #tpu.memory_space<vmem>>, vector<1x128xf32>
    %add3A_41 = vector.broadcast %get3A_40 : vector<1x128xf32> to vector<1024x128xf32>
    %add3A_42 = arith.addf %add3A_37, %add3A_41 : vector<1024x128xf32>
    %swap3A = arith.constant 0 : index
    %swap3A_43 = arith.constant 0 : index
    %swap3A_44 = vector.load %arg7[%swap3A, %swap3A_43] : memref<1024x128xf32, #tpu.memory_space<vmem>>, vector<1024x128xf32>
    tpu.vector_store %arg7[%swap3A, %swap3A_43], %add3A_42 {strides = array<i32>} : memref<1024x128xf32, #tpu.memory_space<vmem>>, vector<1024x128xf32>,
    return
  }
  func.func @transform_0(%arg0: i32) -> (i32, i32) {
    %c0_i32 = arith.constant 0 : i32
    %c0_i32_0 = arith.constant 0 : i32
    return %arg0, %c0_i32 : i32, i32
  }
  func.func @transform_1(%arg0: i32) -> (i32, i32, i32) {
    %c0_i32 = arith.constant 0 : i32
    %c0_i32_0 = arith.constant 0 : i32
    %c0_i32_1 = arith.constant 0 : i32
    return %c0_i32, %arg0, %c0_i32_0 : i32, i32, i32
  }
  func.func @transform_2(%arg0: i32) -> (i32, i32, i32) {
    %c0_i32 = arith.constant 0 : i32
    %c0_i32_0 = arith.constant 0 : i32
    %c0_i32_1 = arith.constant 0 : i32
    return %c0_i32, %arg0, %c0_i32_0 : i32, i32, i32
  }
  func.func @transform_3(%arg0: i32) -> (i32, i32) {
    %c0_i32 = arith.constant 0 : i32
    %c0_i32_0 = arith.constant 0 : i32
    %c0_i32_1 = arith.constant 0 : i32
    return %c0_i32, %c0_i32_0 : i32, i32
  }
  func.func @transform_4(%arg0: i32) -> (i32, i32) {
    %c0_i32 = arith.constant 0 : i32
    %c0_i32_0 = arith.constant 0 : i32
    %c0_i32_1 = arith.constant 0 : i32
    return %c0_i32, %c0_i32_0 : i32, i32
  }
  func.func @transform_5(%arg0: i32) -> (i32, i32) {
    %c0_i32 = arith.constant 0 : i32
    %c0_i32_0 = arith.constant 0 : i32
    %c0_i32_1 = arith.constant 0 : i32
    return %c0_i32, %c0_i32_0 : i32, i32
  }
  func.func @transform_6(%arg0: i32) -> (i32, i32) {
    %c0_i32 = arith.constant 0 : i32
    %c0_i32_0 = arith.constant 0 : i32
    return %arg0, %c0_i32 : i32, i32
  }
}

</mosaic_0001>

<sc_bundles>
// kernel: kernel.10.cloned.1.call-start
scs
__scs_entry_jumppad:
0x0: {  	(pc) =	sbr.rel $0x88, $3  }
0x1: {  	(tag) =	ssettag $0x0;
	lr =	simm.s32 $0x1  }
0x2: {  	[smem:$0x3F99] =	sst lr;
	_ =	strace $0xD0000000  }
0x3: {  	_ = 	snop  }
0x4: {  	_ = 	snop  }
0x5: {  	_ = 	snop  }
0x6: {  	_ = 	snop  }
0x7: {  	_ = 	snop  }
__scs_overlays_trampoline_lowered:
0x8: {  	[smem:$0x3FA8] =	sst s0  }
0x9: {  	[smem:$0x3FA9] =	sst s1  }
0xa: {  	[smem:$0x3FAA] =	sst s2  }
0xb: {  	[smem:$0x3FAB] =	sst s3  }
0xc: {  	[smem:$0x3FAC] =	sst s4  }
0xd: {  	[smem:$0x3FAD] =	sst s5  }
0xe: {  	[smem:$0x3FAE] =	sst s6  }
0xf: {  	[smem:$0x3FAF] =	sst s7  }
0x10: {  	[smem:$0x3FB0] =	sst s8  }
0x11: {  	[smem:$0x3FB1] =	sst s9;
	s0 =	simm.s32 @!p0 $0x0  }
0x12: {  	s1 =	sld [smem:$0x3F97];
	s0 =	simm.s32 @p0 $0x1  }
0x13: {  	[smem:$0x3FB2] =	sst s0;
	s0 =	simm.s32 @!p1 $0x0  }
0x14: {  	s2 =	sld [smem:$0x3F96];
	s0 =	simm.s32 @p1 $0x1  }
0x15: {  	[smem:$0x3FB3] =	sst s0;
	s0 =	simm.s32 @!p2 $0x0  }
0x16: {  	s3 =	sld [smem:$0x3FDB];
	s0 =	simm.s32 @p2 $0x1  }
0x17: {  	s4 =	simm.s32 $0x1BF5;
	[smem:$0x3FB5] =	sst s0  }
0x18: {  	s0 =	sld [smem:$0x3F98];
	_ =	swait.ge [sflag:s4], $0x0  }
0x19: {  	s7 =	sld [smem:$0x3F99]  }
0x1a: {  	s8 =	sadd.s32 $0xFFFFE003, lr  }
0x1b: {  	s9 =	sadd.s32 $0xFFFFFEF7, lr;
	s5 =	simm.s32 $0xFFFFFFFF;
	p2 =	slt.u32 s8, $0xFFFFF086  }
0x1c: {  	p1 =	slt.u32 s9, $0xF7A;
	s5 =	simm.s32 @!p2 $0x0  }
0x1d: {  	s5 =	simm.s32 @p1 $0x1;
	p0 =	seq.s32 s7, s2  }
0x1e: {  	s7 =	smul.u32 @!p0 $0xF7A, s2;
	p2 =	seq.s32 @!p0 s5, $0x0  }
0x1f: {  	s9 =	smul.u32 $0xF7A, s1;
	s8 =	simm.s32 @!p0 $0x1BF5;
	p2 =	por !p2, p0  }
0x20: {  	[sflag:s8] =	ssyncset.s32 @!p0 $0xFFFFF086;
	s6 =	sadd.s32 @!p0 s3, s7;
	s7 =	simm.s32 @!p0 $0x108  }
0x21: {  	s3 =	sadd.s32 s3, s9;
	s6 =	sadd.s32 @!p0 $0x88, s6;
	s7 =	simm.s32 @p2 $0x1082  }
0x22: {  	[simem:s7], [sflag:s8] =	dma.local @!p0 [hbm:s6], $0xF7A  }
0x23: {  	s9 =	sor.u32 $0xD0000000, s2;
	s6 =	simm.s32 $0x108;
	_ =	swait.ge @!p0 [sflag:s8], $0x0  }
0x24: {  	s3 =	sadd.s32 $0x88, s3;
	s6 =	simm.s32 @!p1 $0x1082;
	[sflag:s4] =	ssyncset.s32 $0xFFFFF086  }
0x25: {  	[simem:s6], [sflag:s4] =	dma.local [hbm:s3], $0xF7A  }
0x26: {  	[smem:$0x3F99] =	sst s1;
	(tag) =	ssettag s2;
	_ =	strace s9  }
0x27: {  	s1 =	sld [smem:$0x3FA9]  }
0x28: {  	s2 =	sld [smem:$0x3FAA]  }
0x29: {  	s4 =	sld [smem:$0x3FAC]  }
0x2a: {  	p0 =	seq.s32 s5, $0x0;
	s5 =	sld [smem:$0x3FAD]  }
0x2b: {  	s6 =	sld [smem:$0x3FAE]  }
0x2c: {  	s7 =	sld [smem:$0x3FAF]  }
0x2d: {  	s3 =	simm.s32 $0x108;
	s8 =	sld [smem:$0x3FB0]  }
0x2e: {  	s3 =	simm.s32 @!p0 $0x1082;
	s9 =	sld [smem:$0x3FB1]  }
0x2f: {  	lr =	sadd.s32 s0, s3;
	s0 =	sld [smem:$0x3FA8]  }
0x30: {  	s3 =	sld [smem:$0x3FAB]  }
0x31: {  	[smem:$0x3FB4] =	sst s10  }
0x32: {  	s10 =	sld [smem:$0x3FB2];
	_ =	sdelay $0x3  }
0x33: {  	p0 =	seq.s32 s10, $0x1;
	s10 =	sld [smem:$0x3FB4];
	_ =	sdelay $0x3  }
0x34: {  	[smem:$0x3FB4] =	sst s10  }
0x35: {  	s10 =	sld [smem:$0x3FB3];
	_ =	sdelay $0x3  }
0x36: {  	p1 =	seq.s32 s10, $0x1;
	s10 =	sld [smem:$0x3FB4];
	_ =	sdelay $0x3  }
0x37: {  	[smem:$0x3FB4] =	sst s10  }
0x38: {  	s10 =	sld [smem:$0x3FB5]  }
0x39: {  	_ = 	snop;
	(pc) =	sbr.ind lr, $3  }
0x3a: {  	_ = 	snop  }
0x3b: {  	_ = 	snop  }
0x3c: {  	p2 =	seq.s32 s10, $0x1;
	s10 =	sld [smem:$0x3FB4]  }
0x3d: {  	_ =	shalt  }
0x3e: {  	_ =	shalt  }
0x3f: {  	_ =	shalt  }
0x40: {  	_ =	shalt  }
0x41: {  	_ =	shalt  }
0x42: {  	_ =	shalt  }
0x43: {  	_ =	shalt  }
0x44: {  	_ =	shalt  }
0x45: {  	_ =	shalt  }
0x46: {  	_ =	shalt  }
0x47: {  	_ =	shalt  }
0x48: {  	_ =	shalt  }
0x49: {  	_ =	shalt  }
0x4a: {  	_ =	shalt  }
0x4b: {  	_ =	shalt  }
0x4c: {  	_ =	shalt  }
0x4d: {  	_ =	shalt  }
0x4e: {  	_ =	shalt  }
0x4f: {  	_ =	shalt  }
0x50: {  	_ =	shalt  }
0x51: {  	_ =	shalt  }
0x52: {  	_ =	shalt  }
0x53: {  	_ =	shalt  }
0x54: {  	_ =	shalt  }
0x55: {  	_ =	shalt  }
0x56: {  	_ =	shalt  }
0x57: {  	_ =	shalt  }
0x58: {  	_ =	shalt  }
0x59: {  	_ =	shalt  }
0x5a: {  	_ =	shalt  }
0x5b: {  	_ =	shalt  }
0x5c: {  	_ =	shalt  }
0x5d: {  	_ =	shalt  }
0x5e: {  	_ =	shalt  }
0x5f: {  	_ =	shalt  }
0x60: {  	_ =	shalt  }
0x61: {  	_ =	shalt  }
0x62: {  	_ =	shalt  }
0x63: {  	_ =	shalt  }
0x64: {  	_ =	shalt  }
0x65: {  	_ =	shalt  }
0x66: {  	_ =	shalt  }
0x67: {  	_ =	shalt  }
0x68: {  	_ =	shalt  }
0x69: {  	_ =	shalt  }
0x6a: {  	_ =	shalt  }
0x6b: {  	_ =	shalt  }
0x6c: {  	_ =	shalt  }
0x6d: {  	_ =	shalt  }
0x6e: {  	_ =	shalt  }
0x6f: {  	_ =	shalt  }
0x70: {  	_ =	shalt  }
0x71: {  	_ =	shalt  }
0x72: {  	_ =	shalt  }
0x73: {  	_ =	shalt  }
0x74: {  	_ =	shalt  }
0x75: {  	_ =	shalt  }
0x76: {  	_ =	shalt  }
0x77: {  	_ =	shalt  }
0x78: {  	_ =	shalt  }
0x79: {  	_ =	shalt  }
0x7a: {  	_ =	shalt  }
0x7b: {  	_ =	shalt  }
0x7c: {  	_ =	shalt  }
0x7d: {  	_ =	shalt  }
0x7e: {  	_ =	shalt  }
0x7f: {  	_ =	shalt  }
0x80: {  	_ =	shalt  }
0x81: {  	_ =	shalt  }
0x82: {  	_ =	shalt  }
0x83: {  	_ =	shalt  }
0x84: {  	_ =	shalt  }
0x85: {  	_ =	shalt  }
0x86: {  	_ =	shalt  }
0x87: {  	_ =	shalt  }
.Lfunc_end0:
.L_simem_size_0:
called_computation.1_lowered:
.L_overlay_start_0:
0x88: {  	s2 =	sld [smem:$0x3FD9]  }
0x89: {  	s3 =	sld [smem:$0x3FFE];
	_ =	sdelay $0x1  }
0x8a: {  	s1 =	srdreg.scid  }
0x8b: {  	s0 =	sand.u32 $0x1, s1  }
0x8c: {  	s17 =	sshll.u32 s0, $0xA;
	s2 =	sadd.s32 s3, s2  }
0x8d: {  	s2 =	sadd.s32 s2, s17  }
0x8e: {  	[smem:$0x3FC0] =	sst s2  }
0x8f: {  	_ = 	snop  }
0x90: {  	s2 =	sld [smem:$0x3FD0];
	(tm) =	ssettm $0x1  }
0x91: {  	s18 =	sld [smem:$0x3FFB];
	_ =	sdelay $0x3  }
0x92: {  	_ =	strace s18  }
0x93: {  	s3 =	sld [smem:$0x3FFC];
	_ =	sdelay $0x3  }
0x94: {  	_ =	strace s3  }
0x95: {  	s3 =	sld [smem:$0x3FFD];
	_ =	sdelay $0x3  }
0x96: {  	_ =	strace s3  }
0x97: {  	_ =	strace $0x8FFFFFFF  }
0x98: {  	s19 =	sld [smem:$0x3FDB];
	_ =	sdelay $0x1  }
0x99: {  	s4 =	simm.s32 $_scs_section_size  }
0x9a: {  	s5 =	simm.s32 $_size__tile_overlayer_lowered;
	s6 =	simm.s32 $_tile_overlayer_lowered  }
0x9b: {  	s22 =	simm.s32 $0x1BFF;
	s21 =	sshll.u32 s6, $0x1;
	s3 =	sadd.s32 s4, s19  }
0x9c: {  	s7 =	simm.s32 $0x0;
	s20 =	sshll.u32 s5, $0x1;
	s5 =	sadd.s32 s21, s3  }
0x9d: {  	[timem:s7], [sflag:s22] =	dma.local [hbm:s5], s20  }
0x9e: {  	_ =	swait.ge [sflag:s22], s20  }
0x9f: {  	s4 =	ssub.s32 $0x0, s20;
	[sflag:s22] =	ssyncset.done $0x0  }
0xa0: {  	[sflag:s22] =	ssyncadd.s32 s4;
	_ =	sdelay $0x1  }
0xa1: {  	s23 =	simm.s32 $0x1B8B  }
0xa2: {  	_ =	swait.ge [sflag:s23], $0x1  }
0xa3: {  	[sflag:s23] =	ssyncset.done $0x0  }
0xa4: {  	s25 =	simm.s32 $0x1B8E;
	s24 =	sld [smem:$0x3FFE];
	[sflag:s23] =	ssyncadd.s32 $0xFFFFFFFF  }
0xa5: {  	s26 =	simm.s32 $execute0_lowered;
	[smem:$0x3FD2] =	sst s25  }
0xa6: {  	s5 =	sshll.u32 s26, $0x1;
	_ =	strace $0x80000046;
	[dreg:$0x1] =	wrdreg $0xFFFFFFFF  }
0xa7: {  	s28 =	simm.s32 $_size_execute0_lowered;
	s3 =	sadd.s32 s3, s5;
	[dreg:$0x0] =	wrdreg $0x0  }
0xa8: {  	s5 =	sshll.u32 s28, $0x1;
	[dreg:$0x2] =	wrdreg s3  }
0xa9: {  	[dreg:$0x3] =	wrdreg s5  }
0xaa: {  	[dreg:$0x4] =	wrdreg $0xC0  }
0xab: {  	_ =	task [dreg:s7], $0x5FFFF  }
0xac: {  	[dreg:$0x1] =	wrdreg $0xFFFFFFFF  }
0xad: {  	[dreg:$0x0] =	wrdreg $0x60  }
0xae: {  	[dreg:$0x2] =	wrdreg s24  }
0xaf: {  	[dreg:$0x3] =	wrdreg s2  }
0xb0: {  	[dreg:$0x4] =	wrdreg $0xAC000  }
0xb1: {  	[dreg:$0x5] =	wrdreg $0xA  }
0xb2: {  	_ =	task.clear_ibuf [dreg:s7], $0x6FFFF;
	_ =	strace $0x90000046  }
0xb3: {  	s29 =	simm.s32 $0xA;
	_ =	strace $0x80000048  }
0xb4: {  	_ =	swait.ge [sflag:s29], $0x1  }
0xb5: {  	[sflag:s29] =	ssyncadd.s32 $0xFFFFFFFF  }
0xb6: {  	_ =	strace $0x90000048  }
0xb7: {  	_ =	sfence  }
0xb8: {  	s30 =	sld [smem:$0x0];
	_ =	sdelay $0x2  }
0xb9: {  	s31 =	sshll.u32 s1, $0xD;
	s1 =	sshrl.u32 s1, $0x2  }
0xba: {  	s3 =	sand.u32 $0x4000, s31;
	s1 =	sadd.s32 s1, s30  }
0xbb: {  	s0 =	sor.u32 s3, s0;
	s1 =	sshll.u32 s1, $0x11  }
0xbc: {  	s0 =	sor.u32 s1, s0  }
0xbd: {  	s0 =	sadd.s32 $0x8F2B, s0  }
0xbe: {  	[sflag:s0] =	ssyncadd.remote.s32 $0x1  }
0xbf: {  	_ =	sfence.sel $0xFFFF  }
0xc0: {  	[dreg:$0x0] =	wrdreg $0xFFFFFFFF;
	(pc) =	sbr.abs _section_cstart, $3  }
0xc1: {  	[dreg:$0x1] =	wrdreg $0xFFFFFFFF  }
0xc2: {  	_ =	task.clear_ibuf [dreg:s7], $0x2FFFF;
	_ =	strace $0x9FFFFFFF  }
0xc3: {  	(tm) =	ssettm $0x7FFFFFFF  }
tec
execute0_lowered:
.L_overlay_start_1:
0x0: {  	(tag) =	ssettag $0x1  }
0x1: {  	s5 =	rddreg [dreg:$0x0]  }
0x2: {  	s6 =	rddreg [dreg:$0x1]  }
0x3: {  	s1 =	rddreg [dreg:$0x2];
	s2 =	srdreg.scid  }
0x4: {  	s0 =	rddreg [dreg:$0x3];
	s3 =	simm.s32 $0x0;
	s13 =	simm.s32 $0x2C00  }
0x5: {  	s14 =	simm.s32 $0x5;
	s15 =	simm.s32 $0x80;
	s16 =	simm.s32 $0x2800  }
0x6: {  	s17 =	simm.s32 $0x2900;
	s18 =	simm.s32 $0x6C00;
	s19 =	simm.s32 $0x1  }
0x7: {  	s20 =	simm.s32 $0x2880;
	s21 =	simm.s32 $0x3;
	s22 =	simm.s32 $0x2  }
0x8: {  	s23 =	simm.s32 $0x2980;
	s24 =	simm.s32 $0x4;
	s7 =	sand.u32 $0x1, s2  }
0x9: {  	s25 =	simm.s32 $0x0;
	s2 =	stileid.u32;
	s8 =	smul.u32 $0x140000, s7  }
0xa: {  	[smem:$0x7FF] =	sst s3;
	s9 =	smul.u32 $0x14000, s2;
	s29 =	sshll.u32 s2, $0x1  }
0xb: {  	s10 =	ssub.s32 $0x2, s7;
	s30 =	smul.u32 $0x50000, s2;
	s7 =	sor.u32 s7, s29  }
0xc: {  	s4 =	sadd.s32 $0x2600, s5;
	_ =	strace $0x80000047;
	s7 =	smul.u32 $0x500, s7  }
.Ltmp0:
0xd: {  	s11 =	sshrl.u32 s10, $0x1;
	s8 =	sadd.s32 s9, s8;
	(pc) =	sbr.rel .LBB2_1-.Ltmp0, $4  }
0xe: {  	s10 =	ssub.s32 s10, s11;
	s31 =	sshrl.u32 s30, $0x2;
	s8 =	sshrl.u32 s8, $0x3  }
0xf: {  	s8 =	sadd.s32 s8, s5;
	s5 =	sadd.s32 s31, s1;
	s6 =	sadd.s32 s6, s7  }
0x10: {  	s7 =	sadd.s32 $0x2A600, s8;
	s8 =	smax.u32 s10, $0x1;
	s9 =	sadd.s32 $0x4000, s5  }
0x11: {  	v0 =	vimm.f32 $0.0e+00;
	s10 =	sadd.s32 $0x8000, s5;
	s11 =	sadd.s32 $0xC000, s5;
	s12 =	sadd.s32 $0x10000, s5  }
.LBB2_8:
0x12: {  	_ =	swait.ge [sflag:s24], $0x4000  }
0x13: {  	[sflag:s24] =	ssyncset.done $0x0  }
0x14: {  	[sflag:s24] =	ssyncadd.s32 $0xFFFFC000  }
0x15: {  	_ =	swait.ge [sflag:s21], $0x4000  }
0x16: {  	s26 =	sshll.u32 s2, $0x6;
	s25 =	sadd.s32 $0x1, s25;
	[sflag:s21] =	ssyncset.done $0x0  }
0x17: {  	s28 =	sshrl.u32 s5, $0x3;
	p0 =	sne.s32 s25, s8;
	[sflag:s21] =	ssyncadd.s32 $0xFFFFC000  }
.Ltmp1:
0x18: {  	s26 =	sor.u32 $0x1C05, s26;
	[bflag:$0x0] =	sbarrier.arrive $0xFFFF;
	(pc) =	sbr.rel @!p0 .LBB2_9-.Ltmp1, $4  }
0x19: {  	[hbm:s7], [sflag:s26] =	dma.local [spmem:s28], $0x2800  }
0x1a: {  	_ =	swait.ge [sflag:s14], $0x2800  }
0x1b: {  	[sflag:s14] =	ssyncset.done $0x0  }
0x1c: {  	[sflag:s14] =	ssyncadd.s32 $0xFFFFD800  }
.LBB2_1:
0x1d: {  	s26 =	simm.s32 $0x0;
	s28 =	simm.s32 $0x200  }
.LBB2_2:
0x1e: {  	p0 =	sne.s32 s28, $0xFE00;
	[tilespmem:s26+$0x2C70] =	vst v0  }
0x1f: {  	[tilespmem:s26+$0x2C00] =	vst v0  }
0x20: {  	[tilespmem:s26+$0x2C10] =	vst v0  }
.Ltmp2:
0x21: {  	[tilespmem:s26+$0x2C20] =	vst v0;
	(pc) =	sbr.rel @p0 .LBB2_2-.Ltmp2, $4  }
0x22: {  	[tilespmem:s26+$0x2C30] =	vst v0  }
0x23: {  	[tilespmem:s26+$0x2C40] =	vst v0  }
0x24: {  	[tilespmem:s26+$0x2C50] =	vst v0  }
0x25: {  	[tilespmem:s26+$0x2C60] =	vst v0;
	s26 =	sshra.s32 s28, $0x2;
	s28 =	sadd.s32 $0x200, s28  }
0x26: {  	[tilespmem:s26+$0x2C70] =	vst v0  }
0x27: {  	[tilespmem:s26+$0x2C00] =	vst v0  }
0x28: {  	[tilespmem:s26+$0x2C10] =	vst v0  }
0x29: {  	[tilespmem:s26+$0x2C20] =	vst v0  }
0x2a: {  	[tilespmem:s26+$0x2C30] =	vst v0  }
0x2b: {  	[tilespmem:s26+$0x2C40] =	vst v0  }
0x2c: {  	[tilespmem:s26+$0x2C50] =	vst v0  }
0x2d: {  	[tilespmem:s26+$0x2C60] =	vst v0  }
0x2e: {  	[spmem:s5] =	stream.linear.scatter [tilespmem:s13], [sflag:$0x5], $0x4000, $0x38;
	[tilespmem:$0x1EC00] =	vst v63  }
0x2f: {  	_ =	swait.ge [sflag:s14], $0x4000  }
0x30: {  	[sflag:s14] =	ssyncset.done $0x0  }
0x31: {  	[sflag:s14] =	ssyncadd.s32 $0xFFFFC000  }
0x32: {  	[spmem:s9] =	stream.linear.scatter [tilespmem:s13], [sflag:$0x5], $0x4000, $0x38;
	[tilespmem:$0x1EC00] =	vst v63  }
0x33: {  	_ =	swait.ge [sflag:s14], $0x4000  }
0x34: {  	[sflag:s14] =	ssyncset.done $0x0  }
0x35: {  	[sflag:s14] =	ssyncadd.s32 $0xFFFFC000  }
0x36: {  	[spmem:s10] =	stream.linear.scatter [tilespmem:s13], [sflag:$0x5], $0x4000, $0x38;
	[tilespmem:$0x1EC00] =	vst v63  }
0x37: {  	_ =	swait.ge [sflag:s14], $0x4000  }
0x38: {  	[sflag:s14] =	ssyncset.done $0x0  }
0x39: {  	[sflag:s14] =	ssyncadd.s32 $0xFFFFC000  }
0x3a: {  	[spmem:s11] =	stream.linear.scatter [tilespmem:s13], [sflag:$0x5], $0x4000, $0x38;
	[tilespmem:$0x1EC00] =	vst v63  }
0x3b: {  	_ =	swait.ge [sflag:s14], $0x4000  }
0x3c: {  	[sflag:s14] =	ssyncset.done $0x0  }
0x3d: {  	[sflag:s14] =	ssyncadd.s32 $0xFFFFC000  }
0x3e: {  	[spmem:s12] =	stream.linear.scatter [tilespmem:s13], [sflag:$0x5], $0x4000, $0x38;
	[tilespmem:$0x1EC00] =	vst v63  }
0x3f: {  	_ =	swait.ge [sflag:s14], $0x4000  }
0x40: {  	[sflag:s14] =	ssyncset.done $0x0  }
0x41: {  	[sflag:s14] =	ssyncadd.s32 $0xFFFFC000  }
0x42: {  	[tilespmem:s3], [sflag:$0x5] =	stream.linear.gather [hbm4b:s6+s3], $0x2780, $0x38;
	[tilespmem:$0x1EC00] =	vst v63  }
0x43: {  	_ =	swait.ge [sflag:s14], $0x2780  }
0x44: {  	[sflag:s14] =	ssyncset.done $0x0  }
0x45: {  	[sflag:s14] =	ssyncadd.s32 $0xFFFFD880  }
0x46: {  	[bflag:$0x0] =	sbarrier.arrive $0xFFFF  }
0x47: {  	v1 =	vld [tilespmem:$0x0];
	_ =	sdelay $0x1  }
0x48: {  	v2 =	vld [tilespmem:$0x10];
	_ =	sdelay $0x1  }
0x49: {  	v3 =	vld [tilespmem:$0x20]  }
0x4a: {  	v4 =	vand.u32 $0x3FFF, v1  }
0x4b: {  	v62 =	vld [tilespmem:$0x30];
	v1 =	vshrl.u32 v1, $0xE;
	[tilespmem:$0x2800] =	vst v4  }
0x4c: {  	[tilespmem:$0x2880] =	vst v1;
	v1 =	vand.u32 $0x3FFF, v2  }
0x4d: {  	[tilespmem:$0x2810] =	vst v1;
	v1 =	vshrl.u32 v2, $0xE;
	v2 =	vld [tilespmem:$0x40]  }
0x4e: {  	[tilespmem:$0x2890] =	vst v1;
	v1 =	vand.u32 $0x3FFF, v3  }
0x4f: {  	[tilespmem:$0x2820] =	vst v1;
	v1 =	vshrl.u32 v3, $0xE;
	v3 =	vld [tilespmem:$0x50]  }
0x50: {  	[tilespmem:$0x28A0] =	vst v1;
	v1 =	vand.u32 $0x3FFF, v62  }
0x51: {  	v63 =	vld [tilespmem:$0x60];
	[tilespmem:$0x2830] =	vst v1;
	v1 =	vshrl.u32 v62, $0xE  }
0x52: {  	[tilespmem:$0x28B0] =	vst v1;
	v1 =	vand.u32 $0x3FFF, v2  }
0x53: {  	[tilespmem:$0x2840] =	vst v1;
	v1 =	vshrl.u32 v2, $0xE;
	v2 =	vld [tilespmem:$0x70]  }
0x54: {  	[tilespmem:$0x28C0] =	vst v1;
	v1 =	vand.u32 $0x3FFF, v3  }
0x55: {  	[tilespmem:$0x2850] =	vst v1;
	v1 =	vshrl.u32 v3, $0xE  }
0x56: {  	[tilespmem:$0x28D0] =	vst v1;
	v1 =	vand.u32 $0x3FFF, v63  }
.Ltmp3:
0x57: {  	[tilespmem:$0x2860] =	vst v1;
	v1 =	vshrl.u32 v63, $0xE;
	(pc) =	sbr.rel .LBB2_4-.Ltmp3, $4  }
0x58: {  	[tilespmem:$0x28E0] =	vst v1;
	v1 =	vand.u32 $0x3FFF, v2  }
0x59: {  	[tilespmem:$0x2870] =	vst v1;
	v1 =	vshrl.u32 v2, $0xE  }
0x5a: {  	s26 =	simm.s32 $0x1;
	s28 =	simm.s32 $0xC0;
	[tilespmem:$0x28F0] =	vst v1  }
0x5b: {  	[tilespmem:s13], [sflag:$0x1] =	stream.indirect.gather [hbm4b:s4+s15], $0x80, s16, s15, $0xb8;
	[tilespmem:$0x1EC00] =	vst v63  }
.LBB2_6:
0x5c: {  	_ =	swait.ge [sflag:s19], $0x4000  }
0x5d: {  	[sflag:s19] =	ssyncset.done $0x0  }
0x5e: {  	[sflag:s19] =	ssyncadd.s32 $0xFFFFC000  }
0x5f: {  	[spmem:s1] =	stream.indirect.scatter.add.f32 [tilespmem:s13], [sflag:$0x3], $0x80, s20, s15, $0xb8;
	[tilespmem:$0x1EC00] =	vst v63  }
.LBB2_7:
0x60: {  	s26 =	sadd.s32 $0x2, s26  }
0x61: {  	p0 =	sne.s32 s26, $0x51  }
.Ltmp4:
0x62: {  	_ = 	snop;
	(pc) =	sbr.rel @!p0 .LBB2_8-.Ltmp4, $2  }
0x63: {  	_ =	sdelay $0x2  }
0x64: {  	s28 =	sadd.s32 $0x100, s28  }
.LBB2_4:
0x65: {  	p0 =	sgt.u32 s26, $0x4E  }
.Ltmp5:
0x66: {  	_ = 	snop;
	(pc) =	sbr.rel @p0 .LBB2_6-.Ltmp5, $1  }
0x67: {  	_ =	sdelay $0x3  }
0x68: {  	p0 =	seq.s32 s26, $0x1  }
0x69: {  	s29 =	simm.s32 @!p0 $0x4  }
0x6a: {  	_ =	swait.ge @!p0 [sflag:s29], $0x4000  }
0x6b: {  	[sflag:s29] =	ssyncset.done @!p0 $0x0  }
0x6c: {  	[sflag:s29] =	ssyncadd.s32 @!p0 $0xFFFFC000  }
0x6d: {  	v1 =	vld [tilespmem:s28+$0xFFFFFFC0];
	_ =	sdelay $0x4  }
0x6e: {  	v2 =	vand.u32 $0x3FFF, v1  }
0x6f: {  	v1 =	vshrl.u32 v1, $0xE;
	[tilespmem:$0x2900] =	vst v2  }
0x70: {  	[tilespmem:$0x2980] =	vst v1  }
0x71: {  	v1 =	vld [tilespmem:s28+$0xFFFFFFD0];
	_ =	sdelay $0x4  }
0x72: {  	v2 =	vand.u32 $0x3FFF, v1  }
0x73: {  	v1 =	vshrl.u32 v1, $0xE;
	[tilespmem:$0x2910] =	vst v2  }
0x74: {  	[tilespmem:$0x2990] =	vst v1  }
0x75: {  	v1 =	vld [tilespmem:s28+$0xFFFFFFE0];
	_ =	sdelay $0x4  }
0x76: {  	v2 =	vand.u32 $0x3FFF, v1  }
0x77: {  	v1 =	vshrl.u32 v1, $0xE;
	[tilespmem:$0x2920] =	vst v2  }
0x78: {  	[tilespmem:$0x29A0] =	vst v1  }
0x79: {  	v1 =	vld [tilespmem:s28+$0xFFFFFFF0];
	_ =	sdelay $0x4  }
0x7a: {  	v2 =	vand.u32 $0x3FFF, v1  }
0x7b: {  	v1 =	vshrl.u32 v1, $0xE;
	[tilespmem:$0x2930] =	vst v2  }
0x7c: {  	[tilespmem:$0x29B0] =	vst v1  }
0x7d: {  	v1 =	vld [tilespmem:s28+$0x0];
	_ =	sdelay $0x4  }
0x7e: {  	v2 =	vand.u32 $0x3FFF, v1  }
0x7f: {  	v1 =	vshrl.u32 v1, $0xE;
	[tilespmem:$0x2940] =	vst v2  }
0x80: {  	[tilespmem:$0x29C0] =	vst v1  }
0x81: {  	v1 =	vld [tilespmem:s28+$0x10];
	_ =	sdelay $0x4  }
0x82: {  	v2 =	vand.u32 $0x3FFF, v1  }
0x83: {  	v1 =	vshrl.u32 v1, $0xE;
	[tilespmem:$0x2950] =	vst v2  }
0x84: {  	[tilespmem:$0x29D0] =	vst v1  }
0x85: {  	v1 =	vld [tilespmem:s28+$0x20];
	_ =	sdelay $0x4  }
0x86: {  	v2 =	vand.u32 $0x3FFF, v1  }
0x87: {  	v1 =	vshrl.u32 v1, $0xE;
	[tilespmem:$0x2960] =	vst v2  }
0x88: {  	[tilespmem:$0x29E0] =	vst v1  }
0x89: {  	v1 =	vld [tilespmem:s28+$0x30];
	_ =	sdelay $0x4  }
0x8a: {  	v2 =	vand.u32 $0x3FFF, v1  }
0x8b: {  	v1 =	vshrl.u32 v1, $0xE;
	[tilespmem:$0x2970] =	vst v2  }
0x8c: {  	[tilespmem:$0x29F0] =	vst v1  }
0x8d: {  	[tilespmem:s18], [sflag:$0x2] =	stream.indirect.gather [hbm4b:s4+s15], $0x80, s17, s15, $0xb8;
	[tilespmem:$0x1EC00] =	vst v63  }
0x8e: {  	_ =	swait.ge [sflag:s19], $0x4000  }
0x8f: {  	[sflag:s19] =	ssyncset.done $0x0  }
0x90: {  	[sflag:s19] =	ssyncadd.s32 $0xFFFFC000  }
0x91: {  	[spmem:s1] =	stream.indirect.scatter.add.f32 [tilespmem:s13], [sflag:$0x3], $0x80, s20, s15, $0xb8;
	[tilespmem:$0x1EC00] =	vst v63  }
0x92: {  	_ =	swait.ge [sflag:s21], $0x4000  }
0x93: {  	[sflag:s21] =	ssyncset.done $0x0  }
0x94: {  	[sflag:s21] =	ssyncadd.s32 $0xFFFFC000  }
0x95: {  	v1 =	vld [tilespmem:s28+$0x40];
	_ =	sdelay $0x4  }
0x96: {  	v2 =	vand.u32 $0x3FFF, v1  }
0x97: {  	v1 =	vshrl.u32 v1, $0xE;
	[tilespmem:$0x2800] =	vst v2  }
0x98: {  	[tilespmem:$0x2880] =	vst v1  }
0x99: {  	v1 =	vld [tilespmem:s28+$0x50];
	_ =	sdelay $0x4  }
0x9a: {  	v2 =	vand.u32 $0x3FFF, v1  }
0x9b: {  	v1 =	vshrl.u32 v1, $0xE;
	[tilespmem:$0x2810] =	vst v2  }
0x9c: {  	[tilespmem:$0x2890] =	vst v1  }
0x9d: {  	v1 =	vld [tilespmem:s28+$0x60];
	_ =	sdelay $0x4  }
0x9e: {  	v2 =	vand.u32 $0x3FFF, v1  }
0x9f: {  	v1 =	vshrl.u32 v1, $0xE;
	[tilespmem:$0x2820] =	vst v2  }
0xa0: {  	[tilespmem:$0x28A0] =	vst v1  }
0xa1: {  	v1 =	vld [tilespmem:s28+$0x70];
	_ =	sdelay $0x4  }
0xa2: {  	v2 =	vand.u32 $0x3FFF, v1  }
0xa3: {  	v1 =	vshrl.u32 v1, $0xE;
	[tilespmem:$0x2830] =	vst v2  }
0xa4: {  	[tilespmem:$0x28B0] =	vst v1  }
0xa5: {  	v1 =	vld [tilespmem:s28+$0x80];
	_ =	sdelay $0x4  }
0xa6: {  	v2 =	vand.u32 $0x3FFF, v1  }
0xa7: {  	v1 =	vshrl.u32 v1, $0xE;
	[tilespmem:$0x2840] =	vst v2  }
0xa8: {  	[tilespmem:$0x28C0] =	vst v1  }
0xa9: {  	v1 =	vld [tilespmem:s28+$0x90];
	_ =	sdelay $0x4  }
0xaa: {  	v2 =	vand.u32 $0x3FFF, v1  }
0xab: {  	v1 =	vshrl.u32 v1, $0xE;
	[tilespmem:$0x2850] =	vst v2  }
0xac: {  	[tilespmem:$0x28D0] =	vst v1  }
0xad: {  	v1 =	vld [tilespmem:s28+$0xA0];
	_ =	sdelay $0x4  }
0xae: {  	v2 =	vand.u32 $0x3FFF, v1  }
0xaf: {  	v1 =	vshrl.u32 v1, $0xE;
	[tilespmem:$0x2860] =	vst v2  }
0xb0: {  	[tilespmem:$0x28E0] =	vst v1  }
0xb1: {  	v1 =	vld [tilespmem:s28+$0xB0];
	_ =	sdelay $0x4  }
0xb2: {  	v2 =	vand.u32 $0x3FFF, v1  }
0xb3: {  	v1 =	vshrl.u32 v1, $0xE;
	[tilespmem:$0x2870] =	vst v2  }
0xb4: {  	[tilespmem:$0x28F0] =	vst v1  }
0xb5: {  	[tilespmem:s13], [sflag:$0x1] =	stream.indirect.gather [hbm4b:s4+s15], $0x80, s16, s15, $0xb8;
	[tilespmem:$0x1EC00] =	vst v63  }
.Ltmp6:
0xb6: {  	_ = 	snop;
	(pc) =	sbr.rel .LBB2_7-.Ltmp6, $4  }
0xb7: {  	_ =	swait.ge [sflag:s22], $0x4000  }
0xb8: {  	[sflag:s22] =	ssyncset.done $0x0  }
0xb9: {  	[sflag:s22] =	ssyncadd.s32 $0xFFFFC000  }
0xba: {  	[spmem:s1] =	stream.indirect.scatter.add.f32 [tilespmem:s18], [sflag:$0x4], $0x80, s23, s15, $0xb8;
	[tilespmem:$0x1EC00] =	vst v63  }
.LBB2_9:
0xbb: {  	_ =	sfence.sel $0x180000  }
0xbc: {  	[bflag:$0x0] =	sbarrier.arrive $0xFFFF  }
0xbd: {  	p0 =	sne.s32 s2, $0x0;
	_ =	strace $0x90000047  }
0xbe: {  	s0 =	sadd.s32 @!p0 $0x100000, s0;
	[bflag:$0x2] =	sbarrier.arrive $0xFFFF  }
0xbf: {  	[sflag:s0] =	ssyncadd.tile.s32 @!p0 $0x1;
	_ =	shalt  }
.Lfunc_end2:
_tile_overlayer_lowered:
.L_overlay_start_2:
0xc0: {  	(tag) =	ssettag $0x2  }
0xc1: {  	s0 =	rddreg [dreg:$0x0];
	s2 =	stileid.u32  }
0xc2: {  	s1 =	rddreg [dreg:$0x1];
	p0 =	sne.s32 s2, $0x0  }
0xc3: {  	s3 =	rddreg [dreg:$0x2];
	[bflag:$0x3] =	sbarrier.arrive $0xFFFF;
	s2 =	simm.s32 @!p0 $0x1C05  }
0xc4: {  	[timem:s3], [sflag:s2] =	dma.local @!p0 [hbm:s0], s1  }
0xc5: {  	s0 =	simm.s32 @!p0 $0x5  }
0xc6: {  	_ =	swait.ge @!p0 [sflag:s0], s1  }
0xc7: {  	s1 =	ssub.s32 @!p0 $0x0, s1;
	[sflag:s0] =	ssyncset.done @!p0 $0x0  }
0xc8: {  	[sflag:s0] =	ssyncadd.s32 @!p0 s1  }
0xc9: {  	[bflag:$0x3] =	sbarrier.arrive $0xFFFF  }
0xca: {  	_ =	shalt  }

// kernel: kernel.13.cloned.1.call-start
scs
__scs_entry_jumppad:
0x0: {  	(pc) =	sbr.rel $0x88, $3  }
0x1: {  	(tag) =	ssettag $0x0;
	lr =	simm.s32 $0x1  }
0x2: {  	[smem:$0x3F99] =	sst lr;
	_ =	strace $0xD0000000  }
0x3: {  	_ = 	snop  }
0x4: {  	_ = 	snop  }
0x5: {  	_ = 	snop  }
0x6: {  	_ = 	snop  }
0x7: {  	_ = 	snop  }
__scs_overlays_trampoline_lowered:
0x8: {  	[smem:$0x3FA8] =	sst s0  }
0x9: {  	[smem:$0x3FA9] =	sst s1  }
0xa: {  	[smem:$0x3FAA] =	sst s2  }
0xb: {  	[smem:$0x3FAB] =	sst s3  }
0xc: {  	[smem:$0x3FAC] =	sst s4  }
0xd: {  	[smem:$0x3FAD] =	sst s5  }
0xe: {  	[smem:$0x3FAE] =	sst s6  }
0xf: {  	[smem:$0x3FAF] =	sst s7  }
0x10: {  	[smem:$0x3FB0] =	sst s8  }
0x11: {  	[smem:$0x3FB1] =	sst s9;
	s0 =	simm.s32 @!p0 $0x0  }
0x12: {  	s1 =	sld [smem:$0x3F97];
	s0 =	simm.s32 @p0 $0x1  }
0x13: {  	[smem:$0x3FB2] =	sst s0;
	s0 =	simm.s32 @!p1 $0x0  }
0x14: {  	s2 =	sld [smem:$0x3F96];
	s0 =	simm.s32 @p1 $0x1  }
0x15: {  	[smem:$0x3FB3] =	sst s0;
	s0 =	simm.s32 @!p2 $0x0  }
0x16: {  	s3 =	sld [smem:$0x3FDB];
	s0 =	simm.s32 @p2 $0x1  }
0x17: {  	s4 =	simm.s32 $0x1BF5;
	[smem:$0x3FB5] =	sst s0  }
0x18: {  	s0 =	sld [smem:$0x3F98];
	_ =	swait.ge [sflag:s4], $0x0  }
0x19: {  	s7 =	sld [smem:$0x3F99]  }
0x1a: {  	s8 =	sadd.s32 $0xFFFFE003, lr  }
0x1b: {  	s9 =	sadd.s32 $0xFFFFFEF7, lr;
	s5 =	simm.s32 $0xFFFFFFFF;
	p2 =	slt.u32 s8, $0xFFFFF086  }
0x1c: {  	p1 =	slt.u32 s9, $0xF7A;
	s5 =	simm.s32 @!p2 $0x0  }
0x1d: {  	s5 =	simm.s32 @p1 $0x1;
	p0 =	seq.s32 s7, s2  }
0x1e: {  	s7 =	smul.u32 @!p0 $0xF7A, s2;
	p2 =	seq.s32 @!p0 s5, $0x0  }
0x1f: {  	s9 =	smul.u32 $0xF7A, s1;
	s8 =	simm.s32 @!p0 $0x1BF5;
	p2 =	por !p2, p0  }
0x20: {  	[sflag:s8] =	ssyncset.s32 @!p0 $0xFFFFF086;
	s6 =	sadd.s32 @!p0 s3, s7;
	s7 =	simm.s32 @!p0 $0x108  }
0x21: {  	s3 =	sadd.s32 s3, s9;
	s6 =	sadd.s32 @!p0 $0x88, s6;
	s7 =	simm.s32 @p2 $0x1082  }
0x22: {  	[simem:s7], [sflag:s8] =	dma.local @!p0 [hbm:s6], $0xF7A  }
0x23: {  	s9 =	sor.u32 $0xD0000000, s2;
	s6 =	simm.s32 $0x108;
	_ =	swait.ge @!p0 [sflag:s8], $0x0  }
0x24: {  	s3 =	sadd.s32 $0x88, s3;
	s6 =	simm.s32 @!p1 $0x1082;
	[sflag:s4] =	ssyncset.s32 $0xFFFFF086  }
0x25: {  	[simem:s6], [sflag:s4] =	dma.local [hbm:s3], $0xF7A  }
0x26: {  	[smem:$0x3F99] =	sst s1;
	(tag) =	ssettag s2;
	_ =	strace s9  }
0x27: {  	s1 =	sld [smem:$0x3FA9]  }
0x28: {  	s2 =	sld [smem:$0x3FAA]  }
0x29: {  	s4 =	sld [smem:$0x3FAC]  }
0x2a: {  	p0 =	seq.s32 s5, $0x0;
	s5 =	sld [smem:$0x3FAD]  }
0x2b: {  	s6 =	sld [smem:$0x3FAE]  }
0x2c: {  	s7 =	sld [smem:$0x3FAF]  }
0x2d: {  	s3 =	simm.s32 $0x108;
	s8 =	sld [smem:$0x3FB0]  }
0x2e: {  	s3 =	simm.s32 @!p0 $0x1082;
	s9 =	sld [smem:$0x3FB1]  }
0x2f: {  	lr =	sadd.s32 s0, s3;
	s0 =	sld [smem:$0x3FA8]  }
0x30: {  	s3 =	sld [smem:$0x3FAB]  }
0x31: {  	[smem:$0x3FB4] =	sst s10  }
0x32: {  	s10 =	sld [smem:$0x3FB2];
	_ =	sdelay $0x3  }
0x33: {  	p0 =	seq.s32 s10, $0x1;
	s10 =	sld [smem:$0x3FB4];
	_ =	sdelay $0x3  }
0x34: {  	[smem:$0x3FB4] =	sst s10  }
0x35: {  	s10 =	sld [smem:$0x3FB3];
	_ =	sdelay $0x3  }
0x36: {  	p1 =	seq.s32 s10, $0x1;
	s10 =	sld [smem:$0x3FB4];
	_ =	sdelay $0x3  }
0x37: {  	[smem:$0x3FB4] =	sst s10  }
0x38: {  	s10 =	sld [smem:$0x3FB5]  }
0x39: {  	_ = 	snop;
	(pc) =	sbr.ind lr, $3  }
0x3a: {  	_ = 	snop  }
0x3b: {  	_ = 	snop  }
0x3c: {  	p2 =	seq.s32 s10, $0x1;
	s10 =	sld [smem:$0x3FB4]  }
0x3d: {  	_ =	shalt  }
0x3e: {  	_ =	shalt  }
0x3f: {  	_ =	shalt  }
0x40: {  	_ =	shalt  }
0x41: {  	_ =	shalt  }
0x42: {  	_ =	shalt  }
0x43: {  	_ =	shalt  }
0x44: {  	_ =	shalt  }
0x45: {  	_ =	shalt  }
0x46: {  	_ =	shalt  }
0x47: {  	_ =	shalt  }
0x48: {  	_ =	shalt  }
0x49: {  	_ =	shalt  }
0x4a: {  	_ =	shalt  }
0x4b: {  	_ =	shalt  }
0x4c: {  	_ =	shalt  }
0x4d: {  	_ =	shalt  }
0x4e: {  	_ =	shalt  }
0x4f: {  	_ =	shalt  }
0x50: {  	_ =	shalt  }
0x51: {  	_ =	shalt  }
0x52: {  	_ =	shalt  }
0x53: {  	_ =	shalt  }
0x54: {  	_ =	shalt  }
0x55: {  	_ =	shalt  }
0x56: {  	_ =	shalt  }
0x57: {  	_ =	shalt  }
0x58: {  	_ =	shalt  }
0x59: {  	_ =	shalt  }
0x5a: {  	_ =	shalt  }
0x5b: {  	_ =	shalt  }
0x5c: {  	_ =	shalt  }
0x5d: {  	_ =	shalt  }
0x5e: {  	_ =	shalt  }
0x5f: {  	_ =	shalt  }
0x60: {  	_ =	shalt  }
0x61: {  	_ =	shalt  }
0x62: {  	_ =	shalt  }
0x63: {  	_ =	shalt  }
0x64: {  	_ =	shalt  }
0x65: {  	_ =	shalt  }
0x66: {  	_ =	shalt  }
0x67: {  	_ =	shalt  }
0x68: {  	_ =	shalt  }
0x69: {  	_ =	shalt  }
0x6a: {  	_ =	shalt  }
0x6b: {  	_ =	shalt  }
0x6c: {  	_ =	shalt  }
0x6d: {  	_ =	shalt  }
0x6e: {  	_ =	shalt  }
0x6f: {  	_ =	shalt  }
0x70: {  	_ =	shalt  }
0x71: {  	_ =	shalt  }
0x72: {  	_ =	shalt  }
0x73: {  	_ =	shalt  }
0x74: {  	_ =	shalt  }
0x75: {  	_ =	shalt  }
0x76: {  	_ =	shalt  }
0x77: {  	_ =	shalt  }
0x78: {  	_ =	shalt  }
0x79: {  	_ =	shalt  }
0x7a: {  	_ =	shalt  }
0x7b: {  	_ =	shalt  }
0x7c: {  	_ =	shalt  }
0x7d: {  	_ =	shalt  }
0x7e: {  	_ =	shalt  }
0x7f: {  	_ =	shalt  }
0x80: {  	_ =	shalt  }
0x81: {  	_ =	shalt  }
0x82: {  	_ =	shalt  }
0x83: {  	_ =	shalt  }
0x84: {  	_ =	shalt  }
0x85: {  	_ =	shalt  }
0x86: {  	_ =	shalt  }
0x87: {  	_ =	shalt  }
.Lfunc_end0:
.L_simem_size_0:
called_computation.2_lowered:
.L_overlay_start_0:
0x88: {  	s2 =	sld [smem:$0x3FD9]  }
0x89: {  	s3 =	sld [smem:$0x3FFE];
	_ =	sdelay $0x1  }
0x8a: {  	s1 =	srdreg.scid  }
0x8b: {  	s0 =	sand.u32 $0x1, s1  }
0x8c: {  	s17 =	sshll.u32 s0, $0xA;
	s2 =	sadd.s32 s3, s2  }
0x8d: {  	s2 =	sadd.s32 s2, s17  }
0x8e: {  	[smem:$0x3FC0] =	sst s2  }
0x8f: {  	_ = 	snop  }
0x90: {  	s2 =	sld [smem:$0x3FD0];
	(tm) =	ssettm $0x1  }
0x91: {  	s18 =	sld [smem:$0x3FFB];
	_ =	sdelay $0x3  }
0x92: {  	_ =	strace s18  }
0x93: {  	s3 =	sld [smem:$0x3FFC];
	_ =	sdelay $0x3  }
0x94: {  	_ =	strace s3  }
0x95: {  	s3 =	sld [smem:$0x3FFD];
	_ =	sdelay $0x3  }
0x96: {  	_ =	strace s3  }
0x97: {  	_ =	strace $0x8FFFFFFF  }
0x98: {  	s19 =	sld [smem:$0x3FDB];
	_ =	sdelay $0x1  }
0x99: {  	s4 =	simm.s32 $_scs_section_size  }
0x9a: {  	s5 =	simm.s32 $_size__tile_overlayer_lowered;
	s6 =	simm.s32 $_tile_overlayer_lowered  }
0x9b: {  	s22 =	simm.s32 $0x1BFF;
	s21 =	sshll.u32 s6, $0x1;
	s3 =	sadd.s32 s4, s19  }
0x9c: {  	s7 =	simm.s32 $0x0;
	s20 =	sshll.u32 s5, $0x1;
	s5 =	sadd.s32 s21, s3  }
0x9d: {  	[timem:s7], [sflag:s22] =	dma.local [hbm:s5], s20  }
0x9e: {  	_ =	swait.ge [sflag:s22], s20  }
0x9f: {  	s4 =	ssub.s32 $0x0, s20;
	[sflag:s22] =	ssyncset.done $0x0  }
0xa0: {  	[sflag:s22] =	ssyncadd.s32 s4;
	_ =	sdelay $0x1  }
0xa1: {  	s23 =	simm.s32 $0x1B8B  }
0xa2: {  	_ =	swait.ge [sflag:s23], $0x1  }
0xa3: {  	[sflag:s23] =	ssyncset.done $0x0  }
0xa4: {  	s25 =	simm.s32 $0x1B8E;
	s24 =	sld [smem:$0x3FFE];
	[sflag:s23] =	ssyncadd.s32 $0xFFFFFFFF  }
0xa5: {  	s26 =	simm.s32 $execute0_lowered;
	[smem:$0x3FD2] =	sst s25  }
0xa6: {  	s5 =	sshll.u32 s26, $0x1;
	_ =	strace $0x8000004C;
	[dreg:$0x1] =	wrdreg $0xFFFFFFFF  }
0xa7: {  	s28 =	simm.s32 $_size_execute0_lowered;
	s3 =	sadd.s32 s3, s5;
	[dreg:$0x0] =	wrdreg $0x0  }
0xa8: {  	s5 =	sshll.u32 s28, $0x1;
	[dreg:$0x2] =	wrdreg s3  }
0xa9: {  	[dreg:$0x3] =	wrdreg s5  }
0xaa: {  	[dreg:$0x4] =	wrdreg $0xC0  }
0xab: {  	_ =	task [dreg:s7], $0x5FFFF  }
0xac: {  	[dreg:$0x1] =	wrdreg $0xFFFFFFFF  }
0xad: {  	[dreg:$0x0] =	wrdreg $0x60  }
0xae: {  	[dreg:$0x2] =	wrdreg s24  }
0xaf: {  	[dreg:$0x3] =	wrdreg s2  }
0xb0: {  	[dreg:$0x4] =	wrdreg $0xAC000  }
0xb1: {  	[dreg:$0x5] =	wrdreg $0x9  }
0xb2: {  	_ =	task.clear_ibuf [dreg:s7], $0x6FFFF;
	_ =	strace $0x9000004C  }
0xb3: {  	s29 =	simm.s32 $0x9;
	_ =	strace $0x8000004E  }
0xb4: {  	_ =	swait.ge [sflag:s29], $0x1  }
0xb5: {  	[sflag:s29] =	ssyncadd.s32 $0xFFFFFFFF  }
0xb6: {  	_ =	strace $0x9000004E  }
0xb7: {  	_ =	sfence  }
0xb8: {  	s30 =	sld [smem:$0x0];
	_ =	sdelay $0x2  }
0xb9: {  	s31 =	sshll.u32 s1, $0xD;
	s1 =	sshrl.u32 s1, $0x2  }
0xba: {  	s3 =	sand.u32 $0x4000, s31;
	s1 =	sadd.s32 s1, s30  }
0xbb: {  	s0 =	sor.u32 s3, s0;
	s1 =	sshll.u32 s1, $0x11  }
0xbc: {  	s0 =	sor.u32 s1, s0  }
0xbd: {  	s0 =	sadd.s32 $0x8F2B, s0  }
0xbe: {  	[sflag:s0] =	ssyncadd.remote.s32 $0x1  }
0xbf: {  	_ =	sfence.sel $0xFFFF  }
0xc0: {  	[dreg:$0x0] =	wrdreg $0xFFFFFFFF;
	(pc) =	sbr.abs _section_cstart, $3  }
0xc1: {  	[dreg:$0x1] =	wrdreg $0xFFFFFFFF  }
0xc2: {  	_ =	task.clear_ibuf [dreg:s7], $0x2FFFF;
	_ =	strace $0x9FFFFFFF  }
0xc3: {  	(tm) =	ssettm $0x7FFFFFFF  }
tec
execute0_lowered:
.L_overlay_start_1:
0x0: {  	(tag) =	ssettag $0x1  }
0x1: {  	s5 =	rddreg [dreg:$0x0]  }
0x2: {  	s6 =	rddreg [dreg:$0x1]  }
0x3: {  	s1 =	rddreg [dreg:$0x2];
	s2 =	srdreg.scid  }
0x4: {  	s0 =	rddreg [dreg:$0x3];
	s3 =	simm.s32 $0x0;
	s13 =	simm.s32 $0x2C00  }
0x5: {  	s14 =	simm.s32 $0x5;
	s15 =	simm.s32 $0x80;
	s16 =	simm.s32 $0x2800  }
0x6: {  	s17 =	simm.s32 $0x2900;
	s18 =	simm.s32 $0x6C00;
	s19 =	simm.s32 $0x1  }
0x7: {  	s20 =	simm.s32 $0x2880;
	s21 =	simm.s32 $0x3;
	s22 =	simm.s32 $0x2  }
0x8: {  	s23 =	simm.s32 $0x2980;
	s24 =	simm.s32 $0x4;
	s7 =	sand.u32 $0x1, s2  }
0x9: {  	s25 =	simm.s32 $0x0;
	s2 =	stileid.u32;
	s8 =	smul.u32 $0x140000, s7  }
0xa: {  	[smem:$0x7FF] =	sst s3;
	s9 =	smul.u32 $0x14000, s2;
	s29 =	sshll.u32 s2, $0x1  }
0xb: {  	s10 =	ssub.s32 $0x2, s7;
	s30 =	smul.u32 $0x50000, s2;
	s7 =	sor.u32 s7, s29  }
0xc: {  	s4 =	sadd.s32 $0x2600, s5;
	_ =	strace $0x8000004D;
	s7 =	smul.u32 $0x500, s7  }
.Ltmp0:
0xd: {  	s11 =	sshrl.u32 s10, $0x1;
	s8 =	sadd.s32 s9, s8;
	(pc) =	sbr.rel .LBB2_1-.Ltmp0, $4  }
0xe: {  	s10 =	ssub.s32 s10, s11;
	s31 =	sshrl.u32 s30, $0x2;
	s8 =	sshrl.u32 s8, $0x3  }
0xf: {  	s8 =	sadd.s32 s8, s5;
	s5 =	sadd.s32 s31, s1;
	s6 =	sadd.s32 s6, s7  }
0x10: {  	s7 =	sadd.s32 $0x2A600, s8;
	s8 =	smax.u32 s10, $0x1;
	s9 =	sadd.s32 $0x4000, s5  }
0x11: {  	v0 =	vimm.f32 $0.0e+00;
	s10 =	sadd.s32 $0x8000, s5;
	s11 =	sadd.s32 $0xC000, s5;
	s12 =	sadd.s32 $0x10000, s5  }
.LBB2_8:
0x12: {  	_ =	swait.ge [sflag:s24], $0x4000  }
0x13: {  	[sflag:s24] =	ssyncset.done $0x0  }
0x14: {  	[sflag:s24] =	ssyncadd.s32 $0xFFFFC000  }
0x15: {  	_ =	swait.ge [sflag:s21], $0x4000  }
0x16: {  	s26 =	sshll.u32 s2, $0x6;
	s25 =	sadd.s32 $0x1, s25;
	[sflag:s21] =	ssyncset.done $0x0  }
0x17: {  	s28 =	sshrl.u32 s5, $0x3;
	p0 =	sne.s32 s25, s8;
	[sflag:s21] =	ssyncadd.s32 $0xFFFFC000  }
.Ltmp1:
0x18: {  	s26 =	sor.u32 $0x1C05, s26;
	[bflag:$0x0] =	sbarrier.arrive $0xFFFF;
	(pc) =	sbr.rel @!p0 .LBB2_9-.Ltmp1, $4  }
0x19: {  	[hbm:s7], [sflag:s26] =	dma.local [spmem:s28], $0x2800  }
0x1a: {  	_ =	swait.ge [sflag:s14], $0x2800  }
0x1b: {  	[sflag:s14] =	ssyncset.done $0x0  }
0x1c: {  	[sflag:s14] =	ssyncadd.s32 $0xFFFFD800  }
.LBB2_1:
0x1d: {  	s26 =	simm.s32 $0x0;
	s28 =	simm.s32 $0x200  }
.LBB2_2:
0x1e: {  	p0 =	sne.s32 s28, $0xFE00;
	[tilespmem:s26+$0x2C70] =	vst v0  }
0x1f: {  	[tilespmem:s26+$0x2C00] =	vst v0  }
0x20: {  	[tilespmem:s26+$0x2C10] =	vst v0  }
.Ltmp2:
0x21: {  	[tilespmem:s26+$0x2C20] =	vst v0;
	(pc) =	sbr.rel @p0 .LBB2_2-.Ltmp2, $4  }
0x22: {  	[tilespmem:s26+$0x2C30] =	vst v0  }
0x23: {  	[tilespmem:s26+$0x2C40] =	vst v0  }
0x24: {  	[tilespmem:s26+$0x2C50] =	vst v0  }
0x25: {  	[tilespmem:s26+$0x2C60] =	vst v0;
	s26 =	sshra.s32 s28, $0x2;
	s28 =	sadd.s32 $0x200, s28  }
0x26: {  	[tilespmem:s26+$0x2C70] =	vst v0  }
0x27: {  	[tilespmem:s26+$0x2C00] =	vst v0  }
0x28: {  	[tilespmem:s26+$0x2C10] =	vst v0  }
0x29: {  	[tilespmem:s26+$0x2C20] =	vst v0  }
0x2a: {  	[tilespmem:s26+$0x2C30] =	vst v0  }
0x2b: {  	[tilespmem:s26+$0x2C40] =	vst v0  }
0x2c: {  	[tilespmem:s26+$0x2C50] =	vst v0  }
0x2d: {  	[tilespmem:s26+$0x2C60] =	vst v0  }
0x2e: {  	[spmem:s5] =	stream.linear.scatter [tilespmem:s13], [sflag:$0x5], $0x4000, $0x38;
	[tilespmem:$0x1EC00] =	vst v63  }
0x2f: {  	_ =	swait.ge [sflag:s14], $0x4000  }
0x30: {  	[sflag:s14] =	ssyncset.done $0x0  }
0x31: {  	[sflag:s14] =	ssyncadd.s32 $0xFFFFC000  }
0x32: {  	[spmem:s9] =	stream.linear.scatter [tilespmem:s13], [sflag:$0x5], $0x4000, $0x38;
	[tilespmem:$0x1EC00] =	vst v63  }
0x33: {  	_ =	swait.ge [sflag:s14], $0x4000  }
0x34: {  	[sflag:s14] =	ssyncset.done $0x0  }
0x35: {  	[sflag:s14] =	ssyncadd.s32 $0xFFFFC000  }
0x36: {  	[spmem:s10] =	stream.linear.scatter [tilespmem:s13], [sflag:$0x5], $0x4000, $0x38;
	[tilespmem:$0x1EC00] =	vst v63  }
0x37: {  	_ =	swait.ge [sflag:s14], $0x4000  }
0x38: {  	[sflag:s14] =	ssyncset.done $0x0  }
0x39: {  	[sflag:s14] =	ssyncadd.s32 $0xFFFFC000  }
0x3a: {  	[spmem:s11] =	stream.linear.scatter [tilespmem:s13], [sflag:$0x5], $0x4000, $0x38;
	[tilespmem:$0x1EC00] =	vst v63  }
0x3b: {  	_ =	swait.ge [sflag:s14], $0x4000  }
0x3c: {  	[sflag:s14] =	ssyncset.done $0x0  }
0x3d: {  	[sflag:s14] =	ssyncadd.s32 $0xFFFFC000  }
0x3e: {  	[spmem:s12] =	stream.linear.scatter [tilespmem:s13], [sflag:$0x5], $0x4000, $0x38;
	[tilespmem:$0x1EC00] =	vst v63  }
0x3f: {  	_ =	swait.ge [sflag:s14], $0x4000  }
0x40: {  	[sflag:s14] =	ssyncset.done $0x0  }
0x41: {  	[sflag:s14] =	ssyncadd.s32 $0xFFFFC000  }
0x42: {  	[tilespmem:s3], [sflag:$0x5] =	stream.linear.gather [hbm4b:s6+s3], $0x2780, $0x38;
	[tilespmem:$0x1EC00] =	vst v63  }
0x43: {  	_ =	swait.ge [sflag:s14], $0x2780  }
0x44: {  	[sflag:s14] =	ssyncset.done $0x0  }
0x45: {  	[sflag:s14] =	ssyncadd.s32 $0xFFFFD880  }
0x46: {  	[bflag:$0x0] =	sbarrier.arrive $0xFFFF  }
0x47: {  	v1 =	vld [tilespmem:$0x0];
	_ =	sdelay $0x1  }
0x48: {  	v2 =	vld [tilespmem:$0x10];
	_ =	sdelay $0x1  }
0x49: {  	v3 =	vld [tilespmem:$0x20]  }
0x4a: {  	v4 =	vand.u32 $0x3FFF, v1  }
0x4b: {  	v62 =	vld [tilespmem:$0x30];
	v1 =	vshrl.u32 v1, $0xE;
	[tilespmem:$0x2800] =	vst v4  }
0x4c: {  	[tilespmem:$0x2880] =	vst v1;
	v1 =	vand.u32 $0x3FFF, v2  }
0x4d: {  	[tilespmem:$0x2810] =	vst v1;
	v1 =	vshrl.u32 v2, $0xE;
	v2 =	vld [tilespmem:$0x40]  }
0x4e: {  	[tilespmem:$0x2890] =	vst v1;
	v1 =	vand.u32 $0x3FFF, v3  }
0x4f: {  	[tilespmem:$0x2820] =	vst v1;
	v1 =	vshrl.u32 v3, $0xE;
	v3 =	vld [tilespmem:$0x50]  }
0x50: {  	[tilespmem:$0x28A0] =	vst v1;
	v1 =	vand.u32 $0x3FFF, v62  }
0x51: {  	v63 =	vld [tilespmem:$0x60];
	[tilespmem:$0x2830] =	vst v1;
	v1 =	vshrl.u32 v62, $0xE  }
0x52: {  	[tilespmem:$0x28B0] =	vst v1;
	v1 =	vand.u32 $0x3FFF, v2  }
0x53: {  	[tilespmem:$0x2840] =	vst v1;
	v1 =	vshrl.u32 v2, $0xE;
	v2 =	vld [tilespmem:$0x70]  }
0x54: {  	[tilespmem:$0x28C0] =	vst v1;
	v1 =	vand.u32 $0x3FFF, v3  }
0x55: {  	[tilespmem:$0x2850] =	vst v1;
	v1 =	vshrl.u32 v3, $0xE  }
0x56: {  	[tilespmem:$0x28D0] =	vst v1;
	v1 =	vand.u32 $0x3FFF, v63  }
.Ltmp3:
0x57: {  	[tilespmem:$0x2860] =	vst v1;
	v1 =	vshrl.u32 v63, $0xE;
	(pc) =	sbr.rel .LBB2_4-.Ltmp3, $4  }
0x58: {  	[tilespmem:$0x28E0] =	vst v1;
	v1 =	vand.u32 $0x3FFF, v2  }
0x59: {  	[tilespmem:$0x2870] =	vst v1;
	v1 =	vshrl.u32 v2, $0xE  }
0x5a: {  	s26 =	simm.s32 $0x1;
	s28 =	simm.s32 $0xC0;
	[tilespmem:$0x28F0] =	vst v1  }
0x5b: {  	[tilespmem:s13], [sflag:$0x1] =	stream.indirect.gather [hbm4b:s4+s15], $0x80, s16, s15, $0xb8;
	[tilespmem:$0x1EC00] =	vst v63  }
.LBB2_6:
0x5c: {  	_ =	swait.ge [sflag:s19], $0x4000  }
0x5d: {  	[sflag:s19] =	ssyncset.done $0x0  }
0x5e: {  	[sflag:s19] =	ssyncadd.s32 $0xFFFFC000  }
0x5f: {  	[spmem:s1] =	stream.indirect.scatter.add.f32 [tilespmem:s13], [sflag:$0x3], $0x80, s20, s15, $0xb8;
	[tilespmem:$0x1EC00] =	vst v63  }
.LBB2_7:
0x60: {  	s26 =	sadd.s32 $0x2, s26  }
0x61: {  	p0 =	sne.s32 s26, $0x51  }
.Ltmp4:
0x62: {  	_ = 	snop;
	(pc) =	sbr.rel @!p0 .LBB2_8-.Ltmp4, $2  }
0x63: {  	_ =	sdelay $0x2  }
0x64: {  	s28 =	sadd.s32 $0x100, s28  }
.LBB2_4:
0x65: {  	p0 =	sgt.u32 s26, $0x4E  }
.Ltmp5:
0x66: {  	_ = 	snop;
	(pc) =	sbr.rel @p0 .LBB2_6-.Ltmp5, $1  }
0x67: {  	_ =	sdelay $0x3  }
0x68: {  	p0 =	seq.s32 s26, $0x1  }
0x69: {  	s29 =	simm.s32 @!p0 $0x4  }
0x6a: {  	_ =	swait.ge @!p0 [sflag:s29], $0x4000  }
0x6b: {  	[sflag:s29] =	ssyncset.done @!p0 $0x0  }
0x6c: {  	[sflag:s29] =	ssyncadd.s32 @!p0 $0xFFFFC000  }
0x6d: {  	v1 =	vld [tilespmem:s28+$0xFFFFFFC0];
	_ =	sdelay $0x4  }
0x6e: {  	v2 =	vand.u32 $0x3FFF, v1  }
0x6f: {  	v1 =	vshrl.u32 v1, $0xE;
	[tilespmem:$0x2900] =	vst v2  }
0x70: {  	[tilespmem:$0x2980] =	vst v1  }
0x71: {  	v1 =	vld [tilespmem:s28+$0xFFFFFFD0];
	_ =	sdelay $0x4  }
0x72: {  	v2 =	vand.u32 $0x3FFF, v1  }
0x73: {  	v1 =	vshrl.u32 v1, $0xE;
	[tilespmem:$0x2910] =	vst v2  }
0x74: {  	[tilespmem:$0x2990] =	vst v1  }
0x75: {  	v1 =	vld [tilespmem:s28+$0xFFFFFFE0];
	_ =	sdelay $0x4  }
0x76: {  	v2 =	vand.u32 $0x3FFF, v1  }
0x77: {  	v1 =	vshrl.u32 v1, $0xE;
	[tilespmem:$0x2920] =	vst v2  }
0x78: {  	[tilespmem:$0x29A0] =	vst v1  }
0x79: {  	v1 =	vld [tilespmem:s28+$0xFFFFFFF0];
	_ =	sdelay $0x4  }
0x7a: {  	v2 =	vand.u32 $0x3FFF, v1  }
0x7b: {  	v1 =	vshrl.u32 v1, $0xE;
	[tilespmem:$0x2930] =	vst v2  }
0x7c: {  	[tilespmem:$0x29B0] =	vst v1  }
0x7d: {  	v1 =	vld [tilespmem:s28+$0x0];
	_ =	sdelay $0x4  }
0x7e: {  	v2 =	vand.u32 $0x3FFF, v1  }
0x7f: {  	v1 =	vshrl.u32 v1, $0xE;
	[tilespmem:$0x2940] =	vst v2  }
0x80: {  	[tilespmem:$0x29C0] =	vst v1  }
0x81: {  	v1 =	vld [tilespmem:s28+$0x10];
	_ =	sdelay $0x4  }
0x82: {  	v2 =	vand.u32 $0x3FFF, v1  }
0x83: {  	v1 =	vshrl.u32 v1, $0xE;
	[tilespmem:$0x2950] =	vst v2  }
0x84: {  	[tilespmem:$0x29D0] =	vst v1  }
0x85: {  	v1 =	vld [tilespmem:s28+$0x20];
	_ =	sdelay $0x4  }
0x86: {  	v2 =	vand.u32 $0x3FFF, v1  }
0x87: {  	v1 =	vshrl.u32 v1, $0xE;
	[tilespmem:$0x2960] =	vst v2  }
0x88: {  	[tilespmem:$0x29E0] =	vst v1  }
0x89: {  	v1 =	vld [tilespmem:s28+$0x30];
	_ =	sdelay $0x4  }
0x8a: {  	v2 =	vand.u32 $0x3FFF, v1  }
0x8b: {  	v1 =	vshrl.u32 v1, $0xE;
	[tilespmem:$0x2970] =	vst v2  }
0x8c: {  	[tilespmem:$0x29F0] =	vst v1  }
0x8d: {  	[tilespmem:s18], [sflag:$0x2] =	stream.indirect.gather [hbm4b:s4+s15], $0x80, s17, s15, $0xb8;
	[tilespmem:$0x1EC00] =	vst v63  }
0x8e: {  	_ =	swait.ge [sflag:s19], $0x4000  }
0x8f: {  	[sflag:s19] =	ssyncset.done $0x0  }
0x90: {  	[sflag:s19] =	ssyncadd.s32 $0xFFFFC000  }
0x91: {  	[spmem:s1] =	stream.indirect.scatter.add.f32 [tilespmem:s13], [sflag:$0x3], $0x80, s20, s15, $0xb8;
	[tilespmem:$0x1EC00] =	vst v63  }
0x92: {  	_ =	swait.ge [sflag:s21], $0x4000  }
0x93: {  	[sflag:s21] =	ssyncset.done $0x0  }
0x94: {  	[sflag:s21] =	ssyncadd.s32 $0xFFFFC000  }
0x95: {  	v1 =	vld [tilespmem:s28+$0x40];
	_ =	sdelay $0x4  }
0x96: {  	v2 =	vand.u32 $0x3FFF, v1  }
0x97: {  	v1 =	vshrl.u32 v1, $0xE;
	[tilespmem:$0x2800] =	vst v2  }
0x98: {  	[tilespmem:$0x2880] =	vst v1  }
0x99: {  	v1 =	vld [tilespmem:s28+$0x50];
	_ =	sdelay $0x4  }
0x9a: {  	v2 =	vand.u32 $0x3FFF, v1  }
0x9b: {  	v1 =	vshrl.u32 v1, $0xE;
	[tilespmem:$0x2810] =	vst v2  }
0x9c: {  	[tilespmem:$0x2890] =	vst v1  }
0x9d: {  	v1 =	vld [tilespmem:s28+$0x60];
	_ =	sdelay $0x4  }
0x9e: {  	v2 =	vand.u32 $0x3FFF, v1  }
0x9f: {  	v1 =	vshrl.u32 v1, $0xE;
	[tilespmem:$0x2820] =	vst v2  }
0xa0: {  	[tilespmem:$0x28A0] =	vst v1  }
0xa1: {  	v1 =	vld [tilespmem:s28+$0x70];
	_ =	sdelay $0x4  }
0xa2: {  	v2 =	vand.u32 $0x3FFF, v1  }
0xa3: {  	v1 =	vshrl.u32 v1, $0xE;
	[tilespmem:$0x2830] =	vst v2  }
0xa4: {  	[tilespmem:$0x28B0] =	vst v1  }
0xa5: {  	v1 =	vld [tilespmem:s28+$0x80];
	_ =	sdelay $0x4  }
0xa6: {  	v2 =	vand.u32 $0x3FFF, v1  }
0xa7: {  	v1 =	vshrl.u32 v1, $0xE;
	[tilespmem:$0x2840] =	vst v2  }
0xa8: {  	[tilespmem:$0x28C0] =	vst v1  }
0xa9: {  	v1 =	vld [tilespmem:s28+$0x90];
	_ =	sdelay $0x4  }
0xaa: {  	v2 =	vand.u32 $0x3FFF, v1  }
0xab: {  	v1 =	vshrl.u32 v1, $0xE;
	[tilespmem:$0x2850] =	vst v2  }
0xac: {  	[tilespmem:$0x28D0] =	vst v1  }
0xad: {  	v1 =	vld [tilespmem:s28+$0xA0];
	_ =	sdelay $0x4  }
0xae: {  	v2 =	vand.u32 $0x3FFF, v1  }
0xaf: {  	v1 =	vshrl.u32 v1, $0xE;
	[tilespmem:$0x2860] =	vst v2  }
0xb0: {  	[tilespmem:$0x28E0] =	vst v1  }
0xb1: {  	v1 =	vld [tilespmem:s28+$0xB0];
	_ =	sdelay $0x4  }
0xb2: {  	v2 =	vand.u32 $0x3FFF, v1  }
0xb3: {  	v1 =	vshrl.u32 v1, $0xE;
	[tilespmem:$0x2870] =	vst v2  }
0xb4: {  	[tilespmem:$0x28F0] =	vst v1  }
0xb5: {  	[tilespmem:s13], [sflag:$0x1] =	stream.indirect.gather [hbm4b:s4+s15], $0x80, s16, s15, $0xb8;
	[tilespmem:$0x1EC00] =	vst v63  }
.Ltmp6:
0xb6: {  	_ = 	snop;
	(pc) =	sbr.rel .LBB2_7-.Ltmp6, $4  }
0xb7: {  	_ =	swait.ge [sflag:s22], $0x4000  }
0xb8: {  	[sflag:s22] =	ssyncset.done $0x0  }
0xb9: {  	[sflag:s22] =	ssyncadd.s32 $0xFFFFC000  }
0xba: {  	[spmem:s1] =	stream.indirect.scatter.add.f32 [tilespmem:s18], [sflag:$0x4], $0x80, s23, s15, $0xb8;
	[tilespmem:$0x1EC00] =	vst v63  }
.LBB2_9:
0xbb: {  	_ =	sfence.sel $0x180000  }
0xbc: {  	[bflag:$0x0] =	sbarrier.arrive $0xFFFF  }
0xbd: {  	p0 =	sne.s32 s2, $0x0;
	_ =	strace $0x9000004D  }
0xbe: {  	s0 =	sadd.s32 @!p0 $0x100000, s0;
	[bflag:$0x2] =	sbarrier.arrive $0xFFFF  }
0xbf: {  	[sflag:s0] =	ssyncadd.tile.s32 @!p0 $0x1;
	_ =	shalt  }
.Lfunc_end2:
_tile_overlayer_lowered:
.L_overlay_start_2:
0xc0: {  	(tag) =	ssettag $0x2  }
0xc1: {  	s0 =	rddreg [dreg:$0x0];
	s2 =	stileid.u32  }
0xc2: {  	s1 =	rddreg [dreg:$0x1];
	p0 =	sne.s32 s2, $0x0  }
0xc3: {  	s3 =	rddreg [dreg:$0x2];
	[bflag:$0x3] =	sbarrier.arrive $0xFFFF;
	s2 =	simm.s32 @!p0 $0x1C05  }
0xc4: {  	[timem:s3], [sflag:s2] =	dma.local @!p0 [hbm:s0], s1  }
0xc5: {  	s0 =	simm.s32 @!p0 $0x5  }
0xc6: {  	_ =	swait.ge @!p0 [sflag:s0], s1  }
0xc7: {  	s1 =	ssub.s32 @!p0 $0x0, s1;
	[sflag:s0] =	ssyncset.done @!p0 $0x0  }
0xc8: {  	[sflag:s0] =	ssyncadd.s32 @!p0 s1  }
0xc9: {  	[bflag:$0x3] =	sbarrier.arrive $0xFFFF  }
0xca: {  	_ =	shalt  }

// kernel: kernel.7.cloned.1.call-start
scs
__scs_entry_jumppad:
0x0: {  	(pc) =	sbr.rel $0x88, $3  }
0x1: {  	(tag) =	ssettag $0x0;
	lr =	simm.s32 $0x1  }
0x2: {  	[smem:$0x3F99] =	sst lr;
	_ =	strace $0xD0000000  }
0x3: {  	_ = 	snop  }
0x4: {  	_ = 	snop  }
0x5: {  	_ = 	snop  }
0x6: {  	_ = 	snop  }
0x7: {  	_ = 	snop  }
__scs_overlays_trampoline_lowered:
0x8: {  	[smem:$0x3FA8] =	sst s0  }
0x9: {  	[smem:$0x3FA9] =	sst s1  }
0xa: {  	[smem:$0x3FAA] =	sst s2  }
0xb: {  	[smem:$0x3FAB] =	sst s3  }
0xc: {  	[smem:$0x3FAC] =	sst s4  }
0xd: {  	[smem:$0x3FAD] =	sst s5  }
0xe: {  	[smem:$0x3FAE] =	sst s6  }
0xf: {  	[smem:$0x3FAF] =	sst s7  }
0x10: {  	[smem:$0x3FB0] =	sst s8  }
0x11: {  	[smem:$0x3FB1] =	sst s9;
	s0 =	simm.s32 @!p0 $0x0  }
0x12: {  	s1 =	sld [smem:$0x3F97];
	s0 =	simm.s32 @p0 $0x1  }
0x13: {  	[smem:$0x3FB2] =	sst s0;
	s0 =	simm.s32 @!p1 $0x0  }
0x14: {  	s2 =	sld [smem:$0x3F96];
	s0 =	simm.s32 @p1 $0x1  }
0x15: {  	[smem:$0x3FB3] =	sst s0;
	s0 =	simm.s32 @!p2 $0x0  }
0x16: {  	s3 =	sld [smem:$0x3FDB];
	s0 =	simm.s32 @p2 $0x1  }
0x17: {  	s4 =	simm.s32 $0x1BF5;
	[smem:$0x3FB5] =	sst s0  }
0x18: {  	s0 =	sld [smem:$0x3F98];
	_ =	swait.ge [sflag:s4], $0x0  }
0x19: {  	s7 =	sld [smem:$0x3F99]  }
0x1a: {  	s8 =	sadd.s32 $0xFFFFE003, lr  }
0x1b: {  	s9 =	sadd.s32 $0xFFFFFEF7, lr;
	s5 =	simm.s32 $0xFFFFFFFF;
	p2 =	slt.u32 s8, $0xFFFFF086  }
0x1c: {  	p1 =	slt.u32 s9, $0xF7A;
	s5 =	simm.s32 @!p2 $0x0  }
0x1d: {  	s5 =	simm.s32 @p1 $0x1;
	p0 =	seq.s32 s7, s2  }
0x1e: {  	s7 =	smul.u32 @!p0 $0xF7A, s2;
	p2 =	seq.s32 @!p0 s5, $0x0  }
0x1f: {  	s9 =	smul.u32 $0xF7A, s1;
	s8 =	simm.s32 @!p0 $0x1BF5;
	p2 =	por !p2, p0  }
0x20: {  	[sflag:s8] =	ssyncset.s32 @!p0 $0xFFFFF086;
	s6 =	sadd.s32 @!p0 s3, s7;
	s7 =	simm.s32 @!p0 $0x108  }
0x21: {  	s3 =	sadd.s32 s3, s9;
	s6 =	sadd.s32 @!p0 $0x88, s6;
	s7 =	simm.s32 @p2 $0x1082  }
0x22: {  	[simem:s7], [sflag:s8] =	dma.local @!p0 [hbm:s6], $0xF7A  }
0x23: {  	s9 =	sor.u32 $0xD0000000, s2;
	s6 =	simm.s32 $0x108;
	_ =	swait.ge @!p0 [sflag:s8], $0x0  }
0x24: {  	s3 =	sadd.s32 $0x88, s3;
	s6 =	simm.s32 @!p1 $0x1082;
	[sflag:s4] =	ssyncset.s32 $0xFFFFF086  }
0x25: {  	[simem:s6], [sflag:s4] =	dma.local [hbm:s3], $0xF7A  }
0x26: {  	[smem:$0x3F99] =	sst s1;
	(tag) =	ssettag s2;
	_ =	strace s9  }
0x27: {  	s1 =	sld [smem:$0x3FA9]  }
0x28: {  	s2 =	sld [smem:$0x3FAA]  }
0x29: {  	s4 =	sld [smem:$0x3FAC]  }
0x2a: {  	p0 =	seq.s32 s5, $0x0;
	s5 =	sld [smem:$0x3FAD]  }
0x2b: {  	s6 =	sld [smem:$0x3FAE]  }
0x2c: {  	s7 =	sld [smem:$0x3FAF]  }
0x2d: {  	s3 =	simm.s32 $0x108;
	s8 =	sld [smem:$0x3FB0]  }
0x2e: {  	s3 =	simm.s32 @!p0 $0x1082;
	s9 =	sld [smem:$0x3FB1]  }
0x2f: {  	lr =	sadd.s32 s0, s3;
	s0 =	sld [smem:$0x3FA8]  }
0x30: {  	s3 =	sld [smem:$0x3FAB]  }
0x31: {  	[smem:$0x3FB4] =	sst s10  }
0x32: {  	s10 =	sld [smem:$0x3FB2];
	_ =	sdelay $0x3  }
0x33: {  	p0 =	seq.s32 s10, $0x1;
	s10 =	sld [smem:$0x3FB4];
	_ =	sdelay $0x3  }
0x34: {  	[smem:$0x3FB4] =	sst s10  }
0x35: {  	s10 =	sld [smem:$0x3FB3];
	_ =	sdelay $0x3  }
0x36: {  	p1 =	seq.s32 s10, $0x1;
	s10 =	sld [smem:$0x3FB4];
	_ =	sdelay $0x3  }
0x37: {  	[smem:$0x3FB4] =	sst s10  }
0x38: {  	s10 =	sld [smem:$0x3FB5]  }
0x39: {  	_ = 	snop;
	(pc) =	sbr.ind lr, $3  }
0x3a: {  	_ = 	snop  }
0x3b: {  	_ = 	snop  }
0x3c: {  	p2 =	seq.s32 s10, $0x1;
	s10 =	sld [smem:$0x3FB4]  }
0x3d: {  	_ =	shalt  }
0x3e: {  	_ =	shalt  }
0x3f: {  	_ =	shalt  }
0x40: {  	_ =	shalt  }
0x41: {  	_ =	shalt  }
0x42: {  	_ =	shalt  }
0x43: {  	_ =	shalt  }
0x44: {  	_ =	shalt  }
0x45: {  	_ =	shalt  }
0x46: {  	_ =	shalt  }
0x47: {  	_ =	shalt  }
0x48: {  	_ =	shalt  }
0x49: {  	_ =	shalt  }
0x4a: {  	_ =	shalt  }
0x4b: {  	_ =	shalt  }
0x4c: {  	_ =	shalt  }
0x4d: {  	_ =	shalt  }
0x4e: {  	_ =	shalt  }
0x4f: {  	_ =	shalt  }
0x50: {  	_ =	shalt  }
0x51: {  	_ =	shalt  }
0x52: {  	_ =	shalt  }
0x53: {  	_ =	shalt  }
0x54: {  	_ =	shalt  }
0x55: {  	_ =	shalt  }
0x56: {  	_ =	shalt  }
0x57: {  	_ =	shalt  }
0x58: {  	_ =	shalt  }
0x59: {  	_ =	shalt  }
0x5a: {  	_ =	shalt  }
0x5b: {  	_ =	shalt  }
0x5c: {  	_ =	shalt  }
0x5d: {  	_ =	shalt  }
0x5e: {  	_ =	shalt  }
0x5f: {  	_ =	shalt  }
0x60: {  	_ =	shalt  }
0x61: {  	_ =	shalt  }
0x62: {  	_ =	shalt  }
0x63: {  	_ =	shalt  }
0x64: {  	_ =	shalt  }
0x65: {  	_ =	shalt  }
0x66: {  	_ =	shalt  }
0x67: {  	_ =	shalt  }
0x68: {  	_ =	shalt  }
0x69: {  	_ =	shalt  }
0x6a: {  	_ =	shalt  }
0x6b: {  	_ =	shalt  }
0x6c: {  	_ =	shalt  }
0x6d: {  	_ =	shalt  }
0x6e: {  	_ =	shalt  }
0x6f: {  	_ =	shalt  }
0x70: {  	_ =	shalt  }
0x71: {  	_ =	shalt  }
0x72: {  	_ =	shalt  }
0x73: {  	_ =	shalt  }
0x74: {  	_ =	shalt  }
0x75: {  	_ =	shalt  }
0x76: {  	_ =	shalt  }
0x77: {  	_ =	shalt  }
0x78: {  	_ =	shalt  }
0x79: {  	_ =	shalt  }
0x7a: {  	_ =	shalt  }
0x7b: {  	_ =	shalt  }
0x7c: {  	_ =	shalt  }
0x7d: {  	_ =	shalt  }
0x7e: {  	_ =	shalt  }
0x7f: {  	_ =	shalt  }
0x80: {  	_ =	shalt  }
0x81: {  	_ =	shalt  }
0x82: {  	_ =	shalt  }
0x83: {  	_ =	shalt  }
0x84: {  	_ =	shalt  }
0x85: {  	_ =	shalt  }
0x86: {  	_ =	shalt  }
0x87: {  	_ =	shalt  }
.Lfunc_end0:
.L_simem_size_0:
called_computation_lowered:
.L_overlay_start_0:
0x88: {  	s2 =	sld [smem:$0x3FD9]  }
0x89: {  	s3 =	sld [smem:$0x3FFE];
	_ =	sdelay $0x1  }
0x8a: {  	s1 =	srdreg.scid  }
0x8b: {  	s0 =	sand.u32 $0x1, s1  }
0x8c: {  	s17 =	sshll.u32 s0, $0xA;
	s2 =	sadd.s32 s3, s2  }
0x8d: {  	s2 =	sadd.s32 s2, s17  }
0x8e: {  	[smem:$0x3FC0] =	sst s2  }
0x8f: {  	_ = 	snop  }
0x90: {  	s18 =	sld [smem:$0x3FD0];
	(tm) =	ssettm $0x1  }
0x91: {  	s19 =	sld [smem:$0x3FFB];
	_ =	sdelay $0x3  }
0x92: {  	_ =	strace s19  }
0x93: {  	s2 =	sld [smem:$0x3FFC];
	_ =	sdelay $0x3  }
0x94: {  	_ =	strace s2  }
0x95: {  	s2 =	sld [smem:$0x3FFD];
	_ =	sdelay $0x3  }
0x96: {  	_ =	strace s2  }
0x97: {  	_ =	strace $0x8FFFFFFF  }
0x98: {  	s20 =	sld [smem:$0x3FDB];
	_ =	sdelay $0x1  }
0x99: {  	s4 =	simm.s32 $_scs_section_size  }
0x9a: {  	s5 =	simm.s32 $_size__tile_overlayer_lowered;
	s6 =	simm.s32 $_tile_overlayer_lowered  }
0x9b: {  	s7 =	simm.s32 $0x1BFF;
	s21 =	sshll.u32 s6, $0x1;
	s4 =	sadd.s32 s4, s20  }
0x9c: {  	s22 =	simm.s32 $0x0;
	s5 =	sshll.u32 s5, $0x1;
	s6 =	sadd.s32 s21, s4  }
0x9d: {  	[timem:s22], [sflag:s7] =	dma.local [hbm:s6], s5  }
0x9e: {  	_ =	swait.ge [sflag:s7], s5  }
0x9f: {  	s5 =	ssub.s32 $0x0, s5;
	[sflag:s7] =	ssyncset.done $0x0  }
0xa0: {  	[sflag:s7] =	ssyncadd.s32 s5;
	_ =	sdelay $0x1  }
0xa1: {  	s23 =	simm.s32 $0x1B8B  }
0xa2: {  	_ =	swait.ge [sflag:s23], $0x1  }
0xa3: {  	[sflag:s23] =	ssyncset.done $0x0  }
0xa4: {  	[sflag:s23] =	ssyncadd.s32 $0xFFFFFFFF  }
0xa5: {  	s5 =	sld [smem:$0x0]  }
0xa6: {  	s6 =	sand.u32 $0xFFFFFFFE, s1  }
0xa7: {  	p0 =	sne.s32 s1, s6  }
0xa8: {  	s6 =	sshll.u32 @p0 s6, $0xE  }
0xa9: {  	s6 =	sadd.s32 @p0 $0x11B8D, s6;
	s7 =	sshll.u32 @p0 s5, $0x11  }
0xaa: {  	s6 =	sor.u32 @p0 s7, s6  }
0xab: {  	[sflag:s6] =	ssyncadd.remote.s32 @p0 $0x1;
	_ =	sdelay $0x1  }
0xac: {  	s6 =	simm.s32 @p0 $0x1B8D  }
0xad: {  	_ =	swait.eq @p0 [sflag:s6], $0x1  }
0xae: {  	[sflag:s6] =	ssyncadd.s32 @p0 $0xFFFFFFFF  }
0xaf: {  	s7 =	sshll.u32 @!p0 s1, $0xE  }
0xb0: {  	s7 =	sor.u32 @!p0 $0x4000, s7;
	s6 =	simm.s32 @!p0 $0x1B8D  }
0xb1: {  	s5 =	sshll.u32 @!p0 s5, $0x11;
	s7 =	sadd.s32 @!p0 $0x11B8D, s7;
	_ =	swait.eq @!p0 [sflag:s6], $0x1  }
0xb2: {  	s5 =	sor.u32 @!p0 s5, s7;
	[sflag:s6] =	ssyncadd.s32 @!p0 $0xFFFFFFFF  }
0xb3: {  	s25 =	simm.s32 $0x1B8E;
	s24 =	sld [smem:$0x3FFE];
	[sflag:s5] =	ssyncadd.remote.s32 @!p0 $0x1  }
0xb4: {  	s26 =	simm.s32 $execute0_lowered;
	[smem:$0x3FD2] =	sst s25  }
0xb5: {  	s6 =	sshll.u32 s26, $0x1;
	_ =	strace $0x80000049;
	[dreg:$0x1] =	wrdreg $0xFFFFFFFF  }
0xb6: {  	s28 =	simm.s32 $_size_execute0_lowered;
	s4 =	sadd.s32 s4, s6;
	[dreg:$0x0] =	wrdreg $0x0  }
0xb7: {  	s6 =	sshll.u32 s28, $0x1;
	[dreg:$0x2] =	wrdreg s4  }
0xb8: {  	[dreg:$0x3] =	wrdreg s6  }
0xb9: {  	[dreg:$0x4] =	wrdreg $0xC0  }
0xba: {  	_ =	task [dreg:s22], $0x5FFFF  }
0xbb: {  	[dreg:$0x1] =	wrdreg $0xFFFFFFFF  }
0xbc: {  	[dreg:$0x0] =	wrdreg $0x60  }
0xbd: {  	[dreg:$0x2] =	wrdreg s18  }
0xbe: {  	[dreg:$0x3] =	wrdreg s24  }
0xbf: {  	[dreg:$0x4] =	wrdreg $0x6C000  }
0xc0: {  	[dreg:$0x5] =	wrdreg $0x9  }
0xc1: {  	_ =	task.clear_ibuf [dreg:s22], $0x6FFFF;
	_ =	strace $0x90000049  }
0xc2: {  	s29 =	simm.s32 $0x9;
	_ =	strace $0x8000004B  }
0xc3: {  	_ =	swait.ge [sflag:s29], $0x1  }
0xc4: {  	[sflag:s29] =	ssyncadd.s32 $0xFFFFFFFF  }
0xc5: {  	_ =	strace $0x9000004B  }
0xc6: {  	_ =	sfence  }
0xc7: {  	s30 =	sld [smem:$0x0];
	_ =	sdelay $0x2  }
0xc8: {  	s31 =	sshll.u32 s1, $0xD;
	s1 =	sshrl.u32 s1, $0x2  }
0xc9: {  	s4 =	sand.u32 $0x4000, s31;
	s1 =	sadd.s32 s1, s30  }
0xca: {  	s0 =	sor.u32 s4, s0;
	s1 =	sshll.u32 s1, $0x11  }
0xcb: {  	s0 =	sor.u32 s1, s0  }
0xcc: {  	s0 =	sadd.s32 $0x8F2B, s0  }
0xcd: {  	[sflag:s0] =	ssyncadd.remote.s32 $0x1  }
0xce: {  	_ =	sfence.sel $0xFFFF  }
0xcf: {  	[dreg:$0x0] =	wrdreg $0xFFFFFFFF;
	(pc) =	sbr.abs _section_cstart, $3  }
0xd0: {  	[dreg:$0x1] =	wrdreg $0xFFFFFFFF  }
0xd1: {  	_ =	task.clear_ibuf [dreg:s22], $0x2FFFF;
	_ =	strace $0x9FFFFFFF  }
0xd2: {  	(tm) =	ssettm $0x7FFFFFFF  }
0xd3: {  	_ =	shalt  }
tec
execute0_lowered:
.L_overlay_start_1:
0x0: {  	(tag) =	ssettag $0x1  }
0x1: {  	s5 =	rddreg [dreg:$0x0]  }
0x2: {  	s4 =	rddreg [dreg:$0x1]  }
0x3: {  	s1 =	rddreg [dreg:$0x2];
	s2 =	srdreg.scid  }
0x4: {  	s0 =	rddreg [dreg:$0x3];
	s3 =	simm.s32 $0x0;
	s12 =	simm.s32 $0x2C00  }
0x5: {  	s13 =	simm.s32 $0x3;
	s14 =	simm.s32 $0x80;
	s15 =	simm.s32 $0x2880  }
0x6: {  	s16 =	simm.s32 $0x2;
	s6 =	sand.u32 $0x1, s2;
	s2 =	stileid.u32  }
0x7: {  	s17 =	simm.s32 $0x1;
	[smem:$0x7FF] =	sst s3;
	s7 =	smul.u32 $0x140000, s6  }
0x8: {  	s19 =	simm.s32 $0x0;
	s8 =	smul.u32 $0x14000, s2;
	_ =	strace $0x8000004A  }
0x9: {  	s9 =	sshll.u32 s2, $0x1;
	s30 =	smul.u32 $0x50000, s2;
	s18 =	sshll.u32 s2, $0x6  }
0xa: {  	s29 =	sor.u32 s6, s9;
	s6 =	ssub.s32 $0x2, s6;
	s18 =	sor.u32 $0x1C03, s18  }
0xb: {  	s7 =	sadd.s32 s8, s7;
	s8 =	smul.u32 $0x500, s29;
	s31 =	sshrl.u32 s6, $0x1  }
0xc: {  	s9 =	sshrl.u32 s30, $0x2;
	s7 =	sshrl.u32 s7, $0x3;
	s10 =	ssub.s32 s6, s31  }
0xd: {  	s7 =	sadd.s32 s7, s4;
	s4 =	sadd.s32 s9, s1;
	s5 =	sadd.s32 s5, s8  }
0xe: {  	s6 =	sadd.s32 $0x7A600, s7;
	s7 =	smax.u32 s10, $0x1;
	s8 =	sadd.s32 $0x4000, s4  }
0xf: {  	v0 =	vimm.f32 $0.0e+00;
	v1 =	vimm.f32 $1.000000000e+00;
	s9 =	sadd.s32 $0x8000, s4;
	s10 =	sadd.s32 $0xC000, s4;
	s11 =	sadd.s32 $0x10000, s4  }
.LBB2_1:
0x10: {  	s20 =	simm.s32 $0x0;
	s21 =	simm.s32 $0x200  }
.LBB2_2:
0x11: {  	p0 =	sne.s32 s21, $0xFE00;
	[tilespmem:s20+$0x2C70] =	vst v0  }
0x12: {  	[tilespmem:s20+$0x2C00] =	vst v0  }
0x13: {  	[tilespmem:s20+$0x2C10] =	vst v0  }
.Ltmp0:
0x14: {  	[tilespmem:s20+$0x2C20] =	vst v0;
	(pc) =	sbr.rel @p0 .LBB2_2-.Ltmp0, $4  }
0x15: {  	[tilespmem:s20+$0x2C30] =	vst v0  }
0x16: {  	[tilespmem:s20+$0x2C40] =	vst v0  }
0x17: {  	[tilespmem:s20+$0x2C50] =	vst v0  }
0x18: {  	[tilespmem:s20+$0x2C60] =	vst v0;
	s20 =	sshra.s32 s21, $0x2;
	s21 =	sadd.s32 $0x200, s21  }
0x19: {  	[tilespmem:s20+$0x2C70] =	vst v0  }
0x1a: {  	[tilespmem:s20+$0x2C00] =	vst v0  }
0x1b: {  	[tilespmem:s20+$0x2C10] =	vst v0  }
0x1c: {  	[tilespmem:s20+$0x2C20] =	vst v0  }
0x1d: {  	[tilespmem:s20+$0x2C30] =	vst v0  }
0x1e: {  	[tilespmem:s20+$0x2C40] =	vst v0  }
0x1f: {  	[tilespmem:s20+$0x2C50] =	vst v0  }
0x20: {  	[tilespmem:s20+$0x2C60] =	vst v0  }
0x21: {  	[spmem:s4] =	stream.linear.scatter [tilespmem:s12], [sflag:$0x3], $0x4000, $0x38;
	[tilespmem:$0x1AC00] =	vst v63  }
0x22: {  	_ =	swait.ge [sflag:s13], $0x4000  }
0x23: {  	[sflag:s13] =	ssyncset.done $0x0  }
0x24: {  	[sflag:s13] =	ssyncadd.s32 $0xFFFFC000  }
0x25: {  	[spmem:s8] =	stream.linear.scatter [tilespmem:s12], [sflag:$0x3], $0x4000, $0x38;
	[tilespmem:$0x1AC00] =	vst v63  }
0x26: {  	_ =	swait.ge [sflag:s13], $0x4000  }
0x27: {  	[sflag:s13] =	ssyncset.done $0x0  }
0x28: {  	[sflag:s13] =	ssyncadd.s32 $0xFFFFC000  }
0x29: {  	[spmem:s9] =	stream.linear.scatter [tilespmem:s12], [sflag:$0x3], $0x4000, $0x38;
	[tilespmem:$0x1AC00] =	vst v63  }
0x2a: {  	_ =	swait.ge [sflag:s13], $0x4000  }
0x2b: {  	[sflag:s13] =	ssyncset.done $0x0  }
0x2c: {  	[sflag:s13] =	ssyncadd.s32 $0xFFFFC000  }
0x2d: {  	[spmem:s10] =	stream.linear.scatter [tilespmem:s12], [sflag:$0x3], $0x4000, $0x38;
	[tilespmem:$0x1AC00] =	vst v63  }
0x2e: {  	_ =	swait.ge [sflag:s13], $0x4000  }
0x2f: {  	[sflag:s13] =	ssyncset.done $0x0  }
0x30: {  	[sflag:s13] =	ssyncadd.s32 $0xFFFFC000  }
0x31: {  	[spmem:s11] =	stream.linear.scatter [tilespmem:s12], [sflag:$0x3], $0x4000, $0x38;
	[tilespmem:$0x1AC00] =	vst v63  }
0x32: {  	_ =	swait.ge [sflag:s13], $0x4000  }
0x33: {  	[sflag:s13] =	ssyncset.done $0x0  }
0x34: {  	s20 =	simm.s32 $0x0;
	s21 =	simm.s32 $0x200;
	[sflag:s13] =	ssyncadd.s32 $0xFFFFC000  }
.LBB2_4:
0x35: {  	p0 =	sne.s32 s21, $0xFE00;
	[tilespmem:s20+$0x2C70] =	vst v1  }
0x36: {  	[tilespmem:s20+$0x2C00] =	vst v1  }
0x37: {  	[tilespmem:s20+$0x2C10] =	vst v1  }
.Ltmp1:
0x38: {  	[tilespmem:s20+$0x2C20] =	vst v1;
	(pc) =	sbr.rel @p0 .LBB2_4-.Ltmp1, $4  }
0x39: {  	[tilespmem:s20+$0x2C30] =	vst v1  }
0x3a: {  	[tilespmem:s20+$0x2C40] =	vst v1  }
0x3b: {  	[tilespmem:s20+$0x2C50] =	vst v1  }
0x3c: {  	[tilespmem:s20+$0x2C60] =	vst v1;
	s20 =	sshra.s32 s21, $0x2;
	s21 =	sadd.s32 $0x200, s21  }
0x3d: {  	[tilespmem:s20+$0x2C70] =	vst v1  }
0x3e: {  	[tilespmem:s20+$0x2C00] =	vst v1  }
0x3f: {  	[tilespmem:s20+$0x2C10] =	vst v1  }
0x40: {  	[tilespmem:s20+$0x2C20] =	vst v1  }
0x41: {  	[tilespmem:s20+$0x2C30] =	vst v1  }
0x42: {  	[tilespmem:s20+$0x2C40] =	vst v1  }
0x43: {  	[tilespmem:s20+$0x2C50] =	vst v1  }
0x44: {  	[tilespmem:s20+$0x2C60] =	vst v1  }
0x45: {  	[tilespmem:s3], [sflag:$0x3] =	stream.linear.gather [hbm4b:s5+s3], $0x2780, $0x38;
	[tilespmem:$0x1AC00] =	vst v63  }
0x46: {  	_ =	swait.ge [sflag:s13], $0x2780  }
0x47: {  	[sflag:s13] =	ssyncset.done $0x0  }
0x48: {  	p0 =	por $0x1, $0x1;
	[sflag:s13] =	ssyncadd.s32 $0xFFFFD880  }
0x49: {  	s21 =	simm.s32 @!p0 $0x1;
	[bflag:$0x0] =	sbarrier.arrive $0xFFFF  }
0x4a: {  	_ =	swait.ge @!p0 [sflag:s21], $0x4000  }
0x4b: {  	[sflag:s21] =	ssyncset.done @!p0 $0x0  }
0x4c: {  	s20 =	simm.s32 $0x80;
	[sflag:s21] =	ssyncadd.s32 @!p0 $0xFFFFC000  }
0x4d: {  	v2 =	vld [tilespmem:s20+$0xFFFFFF80];
	_ =	sdelay $0x4  }
0x4e: {  	v3 =	vand.u32 $0x3FFF, v2  }
0x4f: {  	v2 =	vshrl.u32 v2, $0xE;
	[tilespmem:$0x2800] =	vst v3  }
0x50: {  	[tilespmem:$0x2880] =	vst v2  }
0x51: {  	v2 =	vld [tilespmem:s20+$0xFFFFFF90];
	_ =	sdelay $0x4  }
0x52: {  	v3 =	vand.u32 $0x3FFF, v2  }
0x53: {  	v2 =	vshrl.u32 v2, $0xE;
	[tilespmem:$0x2810] =	vst v3  }
0x54: {  	[tilespmem:$0x2890] =	vst v2  }
0x55: {  	v2 =	vld [tilespmem:s20+$0xFFFFFFA0];
	_ =	sdelay $0x4  }
0x56: {  	v3 =	vshrl.u32 v2, $0xE  }
0x57: {  	v2 =	vand.u32 $0x3FFF, v2;
	[tilespmem:$0x28A0] =	vst v3  }
0x58: {  	[tilespmem:$0x2820] =	vst v2  }
0x59: {  	v2 =	vld [tilespmem:s20+$0xFFFFFFB0];
	_ =	sdelay $0x4  }
0x5a: {  	v3 =	vand.u32 $0x3FFF, v2  }
0x5b: {  	v2 =	vshrl.u32 v2, $0xE;
	[tilespmem:$0x2830] =	vst v3  }
0x5c: {  	[tilespmem:$0x28B0] =	vst v2  }
0x5d: {  	v2 =	vld [tilespmem:s20+$0xFFFFFFC0];
	_ =	sdelay $0x4  }
0x5e: {  	v3 =	vand.u32 $0x3FFF, v2  }
0x5f: {  	v2 =	vshrl.u32 v2, $0xE;
	[tilespmem:$0x2840] =	vst v3  }
0x60: {  	[tilespmem:$0x28C0] =	vst v2  }
0x61: {  	v2 =	vld [tilespmem:s20+$0xFFFFFFD0];
	_ =	sdelay $0x4  }
0x62: {  	v3 =	vand.u32 $0x3FFF, v2  }
0x63: {  	v2 =	vshrl.u32 v2, $0xE;
	[tilespmem:$0x2850] =	vst v3  }
0x64: {  	[tilespmem:$0x28D0] =	vst v2  }
0x65: {  	v2 =	vld [tilespmem:s20+$0xFFFFFFE0];
	_ =	sdelay $0x4  }
0x66: {  	v3 =	vand.u32 $0x3FFF, v2  }
0x67: {  	v2 =	vshrl.u32 v2, $0xE;
	[tilespmem:$0x2860] =	vst v3  }
0x68: {  	[tilespmem:$0x28E0] =	vst v2  }
0x69: {  	v2 =	vld [tilespmem:s20+$0xFFFFFFF0];
	_ =	sdelay $0x3  }
0x6a: {  	p1 =	por $0x0, $0x0  }
0x6b: {  	p0 =	por @!p1 $0x1, $0x1;
	v3 =	vand.u32 $0x3FFF, v2  }
0x6c: {  	p0 =	por p0, p1;
	v2 =	vshrl.u32 v2, $0xE;
	[tilespmem:$0x2870] =	vst v3  }
0x6d: {  	s21 =	simm.s32 @!p0 $0x2;
	[tilespmem:$0x28F0] =	vst v2  }
0x6e: {  	[spmem:s1] =	stream.indirect.scatter.add.f32 [tilespmem:s12], [sflag:$0x1], $0x80, s15, s14, $0xb8;
	[tilespmem:$0x1AC00] =	vst v63  }
0x6f: {  	_ =	swait.ge @!p0 [sflag:s21], $0x4000  }
0x70: {  	[sflag:s21] =	ssyncset.done @!p0 $0x0  }
0x71: {  	[sflag:s21] =	ssyncadd.s32 @!p0 $0xFFFFC000  }
0x72: {  	v2 =	vld @!p1 [tilespmem:s20+$0x0];
	_ =	sdelay $0x4  }
0x73: {  	v3 =	vand.u32 @!p1 $0x3FFF, v2  }
0x74: {  	v2 =	vshrl.u32 @!p1 v2, $0xE;
	[tilespmem:$0x2900] =	vst @!p1 v3  }
0x75: {  	[tilespmem:$0x2980] =	vst @!p1 v2  }
0x76: {  	v2 =	vld @!p1 [tilespmem:s20+$0x10];
	_ =	sdelay $0x4  }
0x77: {  	v3 =	vand.u32 @!p1 $0x3FFF, v2  }
0x78: {  	v2 =	vshrl.u32 @!p1 v2, $0xE;
	[tilespmem:$0x2910] =	vst @!p1 v3  }
0x79: {  	[tilespmem:$0x2990] =	vst @!p1 v2  }
0x7a: {  	v2 =	vld @!p1 [tilespmem:s20+$0x20];
	_ =	sdelay $0x4  }
0x7b: {  	v3 =	vand.u32 @!p1 $0x3FFF, v2  }
0x7c: {  	v2 =	vshrl.u32 @!p1 v2, $0xE;
	[tilespmem:$0x2920] =	vst @!p1 v3  }
0x7d: {  	[tilespmem:$0x29A0] =	vst @!p1 v2  }
0x7e: {  	v2 =	vld @!p1 [tilespmem:s20+$0x30];
	_ =	sdelay $0x4  }
0x7f: {  	v3 =	vand.u32 @!p1 $0x3FFF, v2  }
0x80: {  	v2 =	vshrl.u32 @!p1 v2, $0xE;
	[tilespmem:$0x2930] =	vst @!p1 v3  }
0x81: {  	[tilespmem:$0x29B0] =	vst @!p1 v2  }
0x82: {  	v2 =	vld @!p1 [tilespmem:s20+$0x40];
	_ =	sdelay $0x4  }
0x83: {  	v3 =	vand.u32 @!p1 $0x3FFF, v2  }
0x84: {  	v2 =	vshrl.u32 @!p1 v2, $0xE;
	[tilespmem:$0x2940] =	vst @!p1 v3  }
0x85: {  	[tilespmem:$0x29C0] =	vst @!p1 v2  }
0x86: {  	s22 =	simm.s32 $0x3;
	s21 =	simm.s32 $0x80;
	v2 =	vld @!p1 [tilespmem:s20+$0x50]  }
.LBB2_6:
0x87: {  	s20 =	sadd.s32 $0x100, s20;
	s23 =	smov.u32 s22;
	s22 =	sadd.s32 $0x2, s22  }
0x88: {  	p0 =	sne.s32 s22, $0x51;
	_ =	sdelay $0x2  }
0x89: {  	v3 =	vand.u32 @!p1 $0x3FFF, v2;
	v2 =	vshrl.u32 @!p1 v2, $0xE  }
0x8a: {  	[tilespmem:$0x2950] =	vst @!p1 v3  }
0x8b: {  	[tilespmem:$0x29D0] =	vst @!p1 v2  }
0x8c: {  	v2 =	vld @!p1 [tilespmem:s21+$0x60];
	_ =	sdelay $0x4  }
0x8d: {  	v3 =	vand.u32 @!p1 $0x3FFF, v2;
	v2 =	vshrl.u32 @!p1 v2, $0xE  }
0x8e: {  	[tilespmem:$0x2960] =	vst @!p1 v3  }
0x8f: {  	[tilespmem:$0x29E0] =	vst @!p1 v2  }
0x90: {  	p2 =	seq.s32 s23, $0x1;
	v2 =	vld @!p1 [tilespmem:s21+$0x70];
	s21 =	smov.u32 s20  }
0x91: {  	s24 =	simm.s32 @!p2 $0x1  }
0x92: {  	s25 =	simm.s32 @!p1 $0x80;
	s26 =	simm.s32 @!p1 $0x2980;
	s28 =	simm.s32 @!p1 $0x2C00  }
0x93: {  	_ =	sdelay $0x1  }
0x94: {  	v3 =	vand.u32 @!p1 $0x3FFF, v2;
	v2 =	vshrl.u32 @!p1 v2, $0xE  }
0x95: {  	[tilespmem:$0x2970] =	vst @!p1 v3  }
0x96: {  	[tilespmem:$0x29F0] =	vst @!p1 v2  }
0x97: {  	[spmem:s1] =	stream.indirect.scatter.add.f32 @!p1 [tilespmem:s28], [sflag:$0x2], $0x80, s26, s25, $0xb8;
	[tilespmem:$0x1AC00] =	vst v63  }
0x98: {  	_ =	swait.ge @!p2 [sflag:s24], $0x4000  }
0x99: {  	[sflag:s24] =	ssyncset.done @!p2 $0x0  }
0x9a: {  	[sflag:s24] =	ssyncadd.s32 @!p2 $0xFFFFC000  }
0x9b: {  	v2 =	vld [tilespmem:s20+$0xFFFFFF80];
	_ =	sdelay $0x4  }
0x9c: {  	v3 =	vand.u32 $0x3FFF, v2;
	v2 =	vshrl.u32 v2, $0xE  }
0x9d: {  	[tilespmem:$0x2800] =	vst v3  }
0x9e: {  	[tilespmem:$0x2880] =	vst v2  }
0x9f: {  	v2 =	vld [tilespmem:s20+$0xFFFFFF90];
	_ =	sdelay $0x4  }
0xa0: {  	v3 =	vand.u32 $0x3FFF, v2;
	v2 =	vshrl.u32 v2, $0xE  }
0xa1: {  	[tilespmem:$0x2810] =	vst v3  }
0xa2: {  	[tilespmem:$0x2890] =	vst v2  }
0xa3: {  	v2 =	vld [tilespmem:s20+$0xFFFFFFA0];
	_ =	sdelay $0x4  }
0xa4: {  	v3 =	vand.u32 $0x3FFF, v2;
	v2 =	vshrl.u32 v2, $0xE  }
0xa5: {  	[tilespmem:$0x28A0] =	vst v2  }
0xa6: {  	[tilespmem:$0x2820] =	vst v3  }
0xa7: {  	v2 =	vld [tilespmem:s20+$0xFFFFFFB0];
	_ =	sdelay $0x4  }
0xa8: {  	v3 =	vand.u32 $0x3FFF, v2;
	v2 =	vshrl.u32 v2, $0xE  }
0xa9: {  	[tilespmem:$0x2830] =	vst v3  }
0xaa: {  	[tilespmem:$0x28B0] =	vst v2  }
0xab: {  	v2 =	vld [tilespmem:s20+$0xFFFFFFC0];
	_ =	sdelay $0x4  }
0xac: {  	v3 =	vand.u32 $0x3FFF, v2;
	v2 =	vshrl.u32 v2, $0xE  }
0xad: {  	[tilespmem:$0x2840] =	vst v3  }
0xae: {  	[tilespmem:$0x28C0] =	vst v2  }
0xaf: {  	v2 =	vld [tilespmem:s20+$0xFFFFFFD0];
	_ =	sdelay $0x4  }
0xb0: {  	v3 =	vand.u32 $0x3FFF, v2;
	v2 =	vshrl.u32 v2, $0xE  }
0xb1: {  	[tilespmem:$0x2850] =	vst v3  }
0xb2: {  	[tilespmem:$0x28D0] =	vst v2  }
0xb3: {  	v2 =	vld [tilespmem:s20+$0xFFFFFFE0];
	_ =	sdelay $0x4  }
0xb4: {  	v3 =	vand.u32 $0x3FFF, v2;
	v2 =	vshrl.u32 v2, $0xE  }
0xb5: {  	[tilespmem:$0x2860] =	vst v3  }
0xb6: {  	p1 =	sgt.u32 s23, $0x4E;
	[tilespmem:$0x28E0] =	vst v2  }
0xb7: {  	p2 =	seq.s32 @!p1 s23, $0x1;
	v2 =	vld [tilespmem:s20+$0xFFFFFFF0]  }
0xb8: {  	p2 =	por p2, p1;
	_ =	sdelay $0x1  }
0xb9: {  	s23 =	simm.s32 @!p2 $0x2;
	_ =	sdelay $0x1  }
0xba: {  	v3 =	vand.u32 $0x3FFF, v2;
	v2 =	vshrl.u32 v2, $0xE  }
0xbb: {  	[tilespmem:$0x2870] =	vst v3  }
0xbc: {  	[tilespmem:$0x28F0] =	vst v2  }
0xbd: {  	[spmem:s1] =	stream.indirect.scatter.add.f32 [tilespmem:s12], [sflag:$0x1], $0x80, s15, s14, $0xb8;
	[tilespmem:$0x1AC00] =	vst v63  }
0xbe: {  	_ =	swait.ge @!p2 [sflag:s23], $0x4000  }
0xbf: {  	[sflag:s23] =	ssyncset.done @!p2 $0x0  }
0xc0: {  	[sflag:s23] =	ssyncadd.s32 @!p2 $0xFFFFC000  }
0xc1: {  	v2 =	vld @!p1 [tilespmem:s20+$0x0];
	_ =	sdelay $0x4  }
0xc2: {  	v3 =	vand.u32 @!p1 $0x3FFF, v2;
	v2 =	vshrl.u32 @!p1 v2, $0xE  }
0xc3: {  	[tilespmem:$0x2900] =	vst @!p1 v3  }
0xc4: {  	[tilespmem:$0x2980] =	vst @!p1 v2  }
0xc5: {  	v2 =	vld @!p1 [tilespmem:s20+$0x10];
	_ =	sdelay $0x4  }
0xc6: {  	v3 =	vand.u32 @!p1 $0x3FFF, v2;
	v2 =	vshrl.u32 @!p1 v2, $0xE  }
0xc7: {  	[tilespmem:$0x2910] =	vst @!p1 v3  }
0xc8: {  	[tilespmem:$0x2990] =	vst @!p1 v2  }
0xc9: {  	v2 =	vld @!p1 [tilespmem:s20+$0x20];
	_ =	sdelay $0x4  }
0xca: {  	v3 =	vand.u32 @!p1 $0x3FFF, v2;
	v2 =	vshrl.u32 @!p1 v2, $0xE  }
0xcb: {  	[tilespmem:$0x2920] =	vst @!p1 v3  }
0xcc: {  	[tilespmem:$0x29A0] =	vst @!p1 v2  }
0xcd: {  	v2 =	vld @!p1 [tilespmem:s20+$0x30];
	_ =	sdelay $0x4  }
0xce: {  	v3 =	vand.u32 @!p1 $0x3FFF, v2;
	v2 =	vshrl.u32 @!p1 v2, $0xE  }
0xcf: {  	[tilespmem:$0x2930] =	vst @!p1 v3  }
0xd0: {  	[tilespmem:$0x29B0] =	vst @!p1 v2  }
0xd1: {  	v2 =	vld @!p1 [tilespmem:s20+$0x40];
	_ =	sdelay $0x3  }
.Ltmp2:
0xd2: {  	(pc) =	sbr.rel @p0 .LBB2_6-.Ltmp2, $4  }
0xd3: {  	v3 =	vand.u32 @!p1 $0x3FFF, v2;
	v2 =	vshrl.u32 @!p1 v2, $0xE  }
0xd4: {  	[tilespmem:$0x2940] =	vst @!p1 v3  }
0xd5: {  	[tilespmem:$0x29C0] =	vst @!p1 v2  }
0xd6: {  	v2 =	vld @!p1 [tilespmem:s20+$0x50]  }
0xd7: {  	_ =	sdelay $0x3  }
0xd8: {  	v3 =	vand.u32 @!p1 $0x3FFF, v2  }
0xd9: {  	v2 =	vshrl.u32 @!p1 v2, $0xE;
	[tilespmem:$0x2950] =	vst @!p1 v3  }
0xda: {  	[tilespmem:$0x29D0] =	vst @!p1 v2  }
0xdb: {  	v2 =	vld @!p1 [tilespmem:s21+$0x60];
	_ =	sdelay $0x4  }
0xdc: {  	v3 =	vand.u32 @!p1 $0x3FFF, v2  }
0xdd: {  	v2 =	vshrl.u32 @!p1 v2, $0xE;
	[tilespmem:$0x2960] =	vst @!p1 v3  }
0xde: {  	[tilespmem:$0x29E0] =	vst @!p1 v2  }
0xdf: {  	v2 =	vld @!p1 [tilespmem:s21+$0x70];
	_ =	sdelay $0x4  }
0xe0: {  	v3 =	vand.u32 @!p1 $0x3FFF, v2  }
0xe1: {  	v2 =	vshrl.u32 @!p1 v2, $0xE;
	[tilespmem:$0x2970] =	vst @!p1 v3  }
0xe2: {  	s20 =	simm.s32 @!p1 $0x80;
	s22 =	simm.s32 @!p1 $0x2C00;
	s21 =	simm.s32 @!p1 $0x2980;
	[tilespmem:$0x29F0] =	vst @!p1 v2  }
0xe3: {  	[spmem:s1] =	stream.indirect.scatter.add.f32 @!p1 [tilespmem:s22], [sflag:$0x2], $0x80, s21, s20, $0xb8;
	[tilespmem:$0x1AC00] =	vst v63  }
0xe4: {  	_ =	swait.ge [sflag:s16], $0x4000  }
0xe5: {  	[sflag:s16] =	ssyncset.done $0x0  }
0xe6: {  	[sflag:s16] =	ssyncadd.s32 $0xFFFFC000  }
0xe7: {  	_ =	swait.ge [sflag:s17], $0x4000  }
0xe8: {  	s19 =	sadd.s32 $0x1, s19;
	[sflag:s17] =	ssyncset.done $0x0  }
0xe9: {  	p0 =	sne.s32 s19, s7;
	[sflag:s17] =	ssyncadd.s32 $0xFFFFC000  }
.Ltmp3:
0xea: {  	s31 =	sshrl.u32 s4, $0x3;
	[bflag:$0x0] =	sbarrier.arrive $0xFFFF;
	(pc) =	sbr.rel @p0 .LBB2_1-.Ltmp3, $4  }
0xeb: {  	[hbm:s6], [sflag:s18] =	dma.local [spmem:s31], $0x2800  }
0xec: {  	_ =	swait.ge [sflag:s13], $0x2800  }
0xed: {  	[sflag:s13] =	ssyncset.done $0x0  }
0xee: {  	[sflag:s13] =	ssyncadd.s32 $0xFFFFD800  }
0xef: {  	_ =	sfence.sel $0x180000  }
0xf0: {  	[bflag:$0x0] =	sbarrier.arrive $0xFFFF  }
0xf1: {  	p0 =	sne.s32 s2, $0x0;
	_ =	strace $0x9000004A  }
0xf2: {  	s0 =	sadd.s32 @!p0 $0x100000, s0;
	[bflag:$0x2] =	sbarrier.arrive $0xFFFF  }
0xf3: {  	[sflag:s0] =	ssyncadd.tile.s32 @!p0 $0x1;
	_ =	shalt  }
.Lfunc_end2:
_tile_overlayer_lowered:
.L_overlay_start_2:
0xf4: {  	(tag) =	ssettag $0x2  }
0xf5: {  	s0 =	rddreg [dreg:$0x0];
	s2 =	stileid.u32  }
0xf6: {  	s1 =	rddreg [dreg:$0x1];
	p0 =	sne.s32 s2, $0x0  }
0xf7: {  	s3 =	rddreg [dreg:$0x2];
	[bflag:$0x3] =	sbarrier.arrive $0xFFFF;
	s2 =	simm.s32 @!p0 $0x1C03  }
0xf8: {  	[timem:s3], [sflag:s2] =	dma.local @!p0 [hbm:s0], s1  }
0xf9: {  	s0 =	simm.s32 @!p0 $0x3  }
0xfa: {  	_ =	swait.ge @!p0 [sflag:s0], s1  }
0xfb: {  	s1 =	ssub.s32 @!p0 $0x0, s1;
	[sflag:s0] =	ssyncset.done @!p0 $0x0  }
0xfc: {  	[sflag:s0] =	ssyncadd.s32 @!p0 s1  }
0xfd: {  	[bflag:$0x3] =	sbarrier.arrive $0xFFFF  }
0xfe: {  	_ =	shalt  }

</sc_bundles>
